<compile_context>
chip_gen: v7x
topology: tpu7x:2x2x1
jax: 0.10.2.dev20260603
libtpu: 0.0.44.dev20260713+nightly
codegen_flags: <defaults>
</compile_context>

<pallas_src>
import functools

import jax
import jax.numpy as jnp
from jax import lax
from jax.experimental import pallas as pl
from jax.experimental.pallas import tpu as pltpu
from jax.experimental.pallas import tpu_sc as plsc

WORD_DIM = 128
SMALL_DIM = 16
OUT_DIM = WORD_DIM + 3 * SMALL_DIM
L_ROW = 200
TOK_STEP = 320
IDX_SPLIT = (128, 128, 64)


@functools.partial(jax.jit, static_argnames=("batch",))
def _embed(wi, ti, p1i, p2i, word_W, tag_W, pos1_W, pos2_W, *, batch):
    info = plsc.get_sparse_core_info()
    nc, ns = info.num_cores, info.num_subcores
    nw = nc * ns
    bpw = batch // nw
    spw = bpw * L_ROW // TOK_STEP
    assert bpw * nw == batch and spw % 2 == 0
    half = spw // 2

    mesh = plsc.VectorSubcoreMesh(core_axis_name="c", subcore_axis_name="s")

    per_set = (
        [pltpu.VMEM((TOK_STEP,), jnp.int32)] * 4
        + [
            pltpu.VMEM((TOK_STEP, WORD_DIM), jnp.float32),
            pltpu.VMEM((TOK_STEP, SMALL_DIM), jnp.float32),
            pltpu.VMEM((TOK_STEP, SMALL_DIM), jnp.float32),
            pltpu.VMEM((TOK_STEP, SMALL_DIM), jnp.float32),
        ]
        + [pltpu.SemaphoreType.DMA] * 3
    )

    @functools.partial(
        pl.kernel,
        mesh=mesh,
        compiler_params=pltpu.CompilerParams(use_tc_tiling_on_sc=False),
        out_type=jax.ShapeDtypeStruct((batch * L_ROW, OUT_DIM), jnp.float32),
        scratch_types=per_set + per_set,
    )
    def embed_kernel(wi_h, ti_h, p1_h, p2_h, wW_h, tW_h, p1W_h, p2W_h,
                     out_h, *scratch):
        wid = lax.axis_index("s") * nc + lax.axis_index("c")

        n_per = len(per_set)
        sets = []
        for b in (0, 1):
            sc = scratch[b * n_per:(b + 1) * n_per]
            sets.append(dict(
                idx=sc[0:4], data=sc[4:8], isem=sc[8], gsem=sc[9], wsem=sc[10],
            ))
        idx_srcs = (wi_h, ti_h, p1_h, p2_h)
        tables = (wW_h, tW_h, p1W_h, p2W_h)
        col_off = (0, WORD_DIM, WORD_DIM + SMALL_DIM, WORD_DIM + 2 * SMALL_DIM)
        col_w = (WORD_DIM, SMALL_DIM, SMALL_DIM, SMALL_DIM)

        def idx_copies(s, i, mk):
            st = sets[s]
            base = wid * bpw * L_ROW + i * TOK_STEP
            return [mk(idx_srcs[t].at[pl.ds(base, TOK_STEP)], st["idx"][t],
                       st["isem"])
                    for t in range(4)]

        def gather_copies(s, mk):
            st = sets[s]
            out = []
            for t in range(4):
                off = 0
                for ln in IDX_SPLIT:
                    out.append(mk(tables[t].at[st["idx"][t].at[pl.ds(off, ln)]],
                                  st["data"][t].at[pl.ds(off, ln)],
                                  st["gsem"]))
                    off += ln
            return out

        def write_copies(s, i, mk):
            st = sets[s]
            base = wid * bpw * L_ROW + i * TOK_STEP
            return [mk(st["data"][t],
                       out_h.at[pl.ds(base, TOK_STEP), pl.ds(col_off[t], col_w[t])],
                       st["wsem"])
                    for t in range(4)]

        fire = pltpu.async_copy

        def drain(copier, *args):
            for c in copier(*args, pltpu.make_async_copy):
                c.wait()

        idx_copies(0, 0, fire)
        drain(idx_copies, 0, 0)
        gather_copies(0, fire)
        idx_copies(1, 1, fire)
        drain(idx_copies, 1, 1)
        gather_copies(1, fire)
        drain(gather_copies, 0)
        write_copies(0, 0, fire)
        idx_copies(0, 2, fire)

        def pair(h, _):
            e = 2 * h
            o = e + 1
            drain(idx_copies, 0, e)
            drain(write_copies, 0, e - 2)
            gather_copies(0, fire)
            drain(gather_copies, 1)
            write_copies(1, o - 2, fire)
            idx_copies(1, o, fire)
            drain(idx_copies, 1, o)
            drain(write_copies, 1, o - 2)
            gather_copies(1, fire)
            drain(gather_copies, 0)
            write_copies(0, e, fire)

            @pl.when(h < half - 1)
            def _():
                idx_copies(0, o + 1, fire)

            return 0

        lax.fori_loop(1, half, pair, 0)

        drain(gather_copies, 1)
        write_copies(1, spw - 1, fire)
        drain(write_copies, 0, spw - 2)
        drain(write_copies, 1, spw - 1)

    return embed_kernel(wi, ti, p1i, p2i, word_W, tag_W, pos1_W, pos2_W)


def kernel(word, tag, pos1, pos2, word_W, tag_W, pos1_W, pos2_W):
    B, L = word.shape
    n = B * L
    return _embed(
        word.reshape(n).astype(jnp.int32),
        tag.reshape(n).astype(jnp.int32),
        pos1.reshape(n).astype(jnp.int32),
        pos2.reshape(n).astype(jnp.int32),
        word_W, tag_W, pos1_W, pos2_W,
        batch=B,
    ).reshape(B, L, OUT_DIM)

# --- scband reference (transcript-rebuilt; emitter-appended) ---
"""Pipeline reference for scband-embed-layer-75428215652814 (READ-ONLY COPY).

The authoritative reference and input builder live on the scoring server;
editing this copy changes nothing except your own understanding.
"""

import jax, jax.numpy as jnp
import numpy as np

VOCAB = 100000
WORD_DIM = 128
TAG_NUM = 50
TAG_SIZE = 16
POS_NUM = 512
POS_SIZE = 16
B = 4096
L = 200


def setup_inputs(seed: int = 0) -> dict:
    key = jax.random.key(seed)
    ks = jax.random.split(key, 8)
    word = jax.random.randint(ks[0], (B, L), 0, VOCAB, dtype=jnp.int32).astype(jnp.int64) if False else jax.random.randint(ks[0], (B, L), 0, VOCAB)
    tag = jax.random.randint(ks[1], (B, L), 0, TAG_NUM)
    pos1 = jax.random.randint(ks[2], (B, L), 0, POS_NUM)
    pos2 = jax.random.randint(ks[3], (B, L), 0, POS_NUM)
    # Parameters: word table is a frozen pretrained matrix (data_word_vec)
    word_W = jax.random.normal(ks[4], (VOCAB, WORD_DIM), dtype=jnp.float32)
    # xavier_uniform-like init for the small tables, padding_idx=0 row zeroed
    def xavier(k, shape):
        fan_in, fan_out = shape[0], shape[1]
        bound = float(np.sqrt(6.0 / (fan_in + fan_out)))
        return jax.random.uniform(k, shape, dtype=jnp.float32, minval=-bound, maxval=bound)
    tag_W = xavier(ks[5], (TAG_NUM, TAG_SIZE)).at[0].set(0.0)
    pos1_W = xavier(ks[6], (POS_NUM, POS_SIZE)).at[0].set(0.0)
    pos2_W = xavier(ks[7], (POS_NUM, POS_SIZE)).at[0].set(0.0)
    return {
        "word": word, "tag": tag, "pos1": pos1, "pos2": pos2,
        "word_W": word_W, "tag_W": tag_W, "pos1_W": pos1_W, "pos2_W": pos2_W,
    }


def reference(word, tag, pos1, pos2, word_W, tag_W, pos1_W, pos2_W):
    word_embed = jnp.take(word_W, word, axis=0)
    tag_embed = jnp.take(tag_W, tag, axis=0)
    pos1_embed = jnp.take(pos1_W, pos1, axis=0)
    pos2_embed = jnp.take(pos2_W, pos2, axis=0)
    embed = jnp.concatenate([word_embed, tag_embed, pos1_embed, pos2_embed], axis=2)
    return embed

if __name__ == "__main__":
    import jax
    _d = setup_inputs()
    print(jax.jit(kernel)(*tuple(_d.values())))

</pallas_src>

<mosaic_0001>
#map = affine_map<(d0, d1) -> (0)>
#map1 = affine_map<(d0, d1) -> (0, 0)>
module attributes {stable_mosaic.version = 14 : i64} {
  func.func @embed_kernel(%arg0: i32, %arg1: i32, %arg2: memref<819200xi32, #tpu.memory_space<hbm>>, %arg3: memref<819200xi32, #tpu.memory_space<hbm>>, %arg4: memref<819200xi32, #tpu.memory_space<hbm>>, %arg5: memref<819200xi32, #tpu.memory_space<hbm>>, %arg6: memref<100000x128xf32, #tpu.memory_space<hbm>>, %arg7: memref<50x16xf32, #tpu.memory_space<hbm>>, %arg8: memref<512x16xf32, #tpu.memory_space<hbm>>, %arg9: memref<512x16xf32, #tpu.memory_space<hbm>>, %arg10: memref<819200x176xf32, #tpu.memory_space<hbm>>, %arg11: memref<320xi32, #tpu.memory_space<vmem>>, %arg12: memref<320xi32, #tpu.memory_space<vmem>>, %arg13: memref<320xi32, #tpu.memory_space<vmem>>, %arg14: memref<320xi32, #tpu.memory_space<vmem>>, %arg15: memref<320x128xf32, #tpu.memory_space<vmem>>, %arg16: memref<320x16xf32, #tpu.memory_space<vmem>>, %arg17: memref<320x16xf32, #tpu.memory_space<vmem>>, %arg18: memref<320x16xf32, #tpu.memory_space<vmem>>, %arg19: memref<!tpu.dma_semaphore, #tpu.memory_space<semaphore_mem>>, %arg20: memref<!tpu.dma_semaphore, #tpu.memory_space<semaphore_mem>>, %arg21: memref<!tpu.dma_semaphore, #tpu.memory_space<semaphore_mem>>, %arg22: memref<320xi32, #tpu.memory_space<vmem>>, %arg23: memref<320xi32, #tpu.memory_space<vmem>>, %arg24: memref<320xi32, #tpu.memory_space<vmem>>, %arg25: memref<320xi32, #tpu.memory_space<vmem>>, %arg26: memref<320x128xf32, #tpu.memory_space<vmem>>, %arg27: memref<320x16xf32, #tpu.memory_space<vmem>>, %arg28: memref<320x16xf32, #tpu.memory_space<vmem>>, %arg29: memref<320x16xf32, #tpu.memory_space<vmem>>, %arg30: memref<!tpu.dma_semaphore, #tpu.memory_space<semaphore_mem>>, %arg31: memref<!tpu.dma_semaphore, #tpu.memory_space<semaphore_mem>>, %arg32: memref<!tpu.dma_semaphore, #tpu.memory_space<semaphore_mem>>) attributes {dimension_semantics = [#tpu.dimension_semantics<core_parallel>, #tpu.dimension_semantics<subcore_parallel>], iteration_bounds = array<i64: 2, 16>, scalar_prefetch = 0 : i64, scratch_operands = 22 : i64, tpu.core_type = #tpu.core_type<sc_vector_subcore>, window_params = [{transform_indices = #map}, {transform_indices = #map}, {transform_indices = #map}, {transform_indices = #map}, {transform_indices = #map1}, {transform_indices = #map1}, {transform_indices = #map1}, {transform_indices = #map1}, {transform_indices = #map1}]} {
    %mul3A = arith.constant 2 : i32
    %mul3A_0 = arith.muli %arg1, %mul3A : i32
    %add3A = arith.addi %mul3A_0, %arg0 : i32
    %mul3A_1 = arith.constant 128 : i32
    %mul3A_2 = arith.muli %add3A, %mul3A_1 : i32
    %mul3A_3 = arith.constant 200 : i32
    %mul3A_4 = arith.muli %mul3A_2, %mul3A_3 : i32
    %add3A_5 = arith.constant 0 : i32
    %add3A_6 = arith.addi %mul3A_4, %add3A_5 : i32
    %dma_start3A = tpu.memref_slice %arg2[%add3A_6] : memref<819200xi32, #tpu.memory_space<hbm>> -> memref<320xi32, #tpu.memory_space<hbm>>
    %dma_start3A_7 = tpu.memref_slice %arg2[%add3A_6] : memref<819200xi32, #tpu.memory_space<hbm>> -> memref<320xi32, #tpu.memory_space<hbm>>
    tpu.enqueue_dma source(%dma_start3A_7 : memref<320xi32, #tpu.memory_space<hbm>>) target(%arg11 : memref<320xi32, #tpu.memory_space<vmem>>) target_semaphore(%arg19 : memref<!tpu.dma_semaphore, #tpu.memory_space<semaphore_mem>>)
    %dma_start3A_8 = tpu.memref_slice %arg3[%add3A_6] : memref<819200xi32, #tpu.memory_space<hbm>> -> memref<320xi32, #tpu.memory_space<hbm>>
    %dma_start3A_9 = tpu.memref_slice %arg3[%add3A_6] : memref<819200xi32, #tpu.memory_space<hbm>> -> memref<320xi32, #tpu.memory_space<hbm>>
    tpu.enqueue_dma source(%dma_start3A_9 : memref<320xi32, #tpu.memory_space<hbm>>) target(%arg12 : memref<320xi32, #tpu.memory_space<vmem>>) target_semaphore(%arg19 : memref<!tpu.dma_semaphore, #tpu.memory_space<semaphore_mem>>)
    %dma_start3A_10 = tpu.memref_slice %arg4[%add3A_6] : memref<819200xi32, #tpu.memory_space<hbm>> -> memref<320xi32, #tpu.memory_space<hbm>>
    %dma_start3A_11 = tpu.memref_slice %arg4[%add3A_6] : memref<819200xi32, #tpu.memory_space<hbm>> -> memref<320xi32, #tpu.memory_space<hbm>>
    tpu.enqueue_dma source(%dma_start3A_11 : memref<320xi32, #tpu.memory_space<hbm>>) target(%arg13 : memref<320xi32, #tpu.memory_space<vmem>>) target_semaphore(%arg19 : memref<!tpu.dma_semaphore, #tpu.memory_space<semaphore_mem>>)
    %dma_start3A_12 = tpu.memref_slice %arg5[%add3A_6] : memref<819200xi32, #tpu.memory_space<hbm>> -> memref<320xi32, #tpu.memory_space<hbm>>
    %dma_start3A_13 = tpu.memref_slice %arg5[%add3A_6] : memref<819200xi32, #tpu.memory_space<hbm>> -> memref<320xi32, #tpu.memory_space<hbm>>
    tpu.enqueue_dma source(%dma_start3A_13 : memref<320xi32, #tpu.memory_space<hbm>>) target(%arg14 : memref<320xi32, #tpu.memory_space<vmem>>) target_semaphore(%arg19 : memref<!tpu.dma_semaphore, #tpu.memory_space<semaphore_mem>>)
    %mul3A_14 = arith.constant 128 : i32
    %mul3A_15 = arith.muli %add3A, %mul3A_14 : i32
    %mul3A_16 = arith.constant 200 : i32
    %mul3A_17 = arith.muli %mul3A_15, %mul3A_16 : i32
    %add3A_18 = arith.constant 0 : i32
    %add3A_19 = arith.addi %mul3A_17, %add3A_18 : i32
    %dma_wait3A = tpu.memref_slice %arg2[%add3A_19] : memref<819200xi32, #tpu.memory_space<hbm>> -> memref<320xi32, #tpu.memory_space<hbm>>
    %dma_wait3A_20 = tpu.memref_slice %arg2[%add3A_19] : memref<819200xi32, #tpu.memory_space<hbm>> -> memref<320xi32, #tpu.memory_space<hbm>>
    tpu.wait_dma2 semaphore(%arg19 : memref<!tpu.dma_semaphore, #tpu.memory_space<semaphore_mem>>) src(%dma_wait3A_20 : memref<320xi32, #tpu.memory_space<hbm>>) dst(%arg11 : memref<320xi32, #tpu.memory_space<vmem>>)
    %dma_wait3A_21 = tpu.memref_slice %arg3[%add3A_19] : memref<819200xi32, #tpu.memory_space<hbm>> -> memref<320xi32, #tpu.memory_space<hbm>>
    %dma_wait3A_22 = tpu.memref_slice %arg3[%add3A_19] : memref<819200xi32, #tpu.memory_space<hbm>> -> memref<320xi32, #tpu.memory_space<hbm>>
    tpu.wait_dma2 semaphore(%arg19 : memref<!tpu.dma_semaphore, #tpu.memory_space<semaphore_mem>>) src(%dma_wait3A_22 : memref<320xi32, #tpu.memory_space<hbm>>) dst(%arg12 : memref<320xi32, #tpu.memory_space<vmem>>)
    %dma_wait3A_23 = tpu.memref_slice %arg4[%add3A_19] : memref<819200xi32, #tpu.memory_space<hbm>> -> memref<320xi32, #tpu.memory_space<hbm>>
    %dma_wait3A_24 = tpu.memref_slice %arg4[%add3A_19] : memref<819200xi32, #tpu.memory_space<hbm>> -> memref<320xi32, #tpu.memory_space<hbm>>
    tpu.wait_dma2 semaphore(%arg19 : memref<!tpu.dma_semaphore, #tpu.memory_space<semaphore_mem>>) src(%dma_wait3A_24 : memref<320xi32, #tpu.memory_space<hbm>>) dst(%arg13 : memref<320xi32, #tpu.memory_space<vmem>>)
    %dma_wait3A_25 = tpu.memref_slice %arg5[%add3A_19] : memref<819200xi32, #tpu.memory_space<hbm>> -> memref<320xi32, #tpu.memory_space<hbm>>
    %dma_wait3A_26 = tpu.memref_slice %arg5[%add3A_19] : memref<819200xi32, #tpu.memory_space<hbm>> -> memref<320xi32, #tpu.memory_space<hbm>>
    tpu.wait_dma2 semaphore(%arg19 : memref<!tpu.dma_semaphore, #tpu.memory_space<semaphore_mem>>) src(%dma_wait3A_26 : memref<320xi32, #tpu.memory_space<hbm>>) dst(%arg14 : memref<320xi32, #tpu.memory_space<vmem>>)
    %dma_start3A_27 = arith.constant 0 : i32
    %dma_start3A_28 = arith.constant 0 : i32
    %dma_start3A_29 = tpu.memref_slice %arg15[%dma_start3A_27, %dma_start3A_28] : memref<320x128xf32, #tpu.memory_space<vmem>> -> memref<128x128xf32, #tpu.memory_space<vmem>>
    %dma_start3A_30 = arith.constant 0 : i32
    %dma_start3A_31 = tpu.memref_slice %arg11[%dma_start3A_30] : memref<320xi32, #tpu.memory_space<vmem>> -> memref<128xi32, #tpu.memory_space<vmem>>
    %dma_start3A_32 = arith.constant 0 : i32
    %dma_start3A_33 = arith.constant 0 : i32
    %dma_start3A_34 = tpu.memref_slice %arg6[%dma_start3A_32, %dma_start3A_33] : memref<100000x128xf32, #tpu.memory_space<hbm>> -> memref<100000x128xf32, #tpu.memory_space<hbm>>
    tpu.enqueue_indirect_dma source(%dma_start3A_34 : memref<100000x128xf32, #tpu.memory_space<hbm>>) target(%dma_start3A_29 : memref<128x128xf32, #tpu.memory_space<vmem>>) offsets(%dma_start3A_31 : memref<128xi32, #tpu.memory_space<vmem>>) semaphore(%arg20 : memref<!tpu.dma_semaphore, #tpu.memory_space<semaphore_mem>>)
    %dma_start3A_35 = arith.constant 128 : i32
    %dma_start3A_36 = arith.constant 0 : i32
    %dma_start3A_37 = tpu.memref_slice %arg15[%dma_start3A_35, %dma_start3A_36] : memref<320x128xf32, #tpu.memory_space<vmem>> -> memref<128x128xf32, #tpu.memory_space<vmem>>
    %dma_start3A_38 = arith.constant 128 : i32
    %dma_start3A_39 = tpu.memref_slice %arg11[%dma_start3A_38] : memref<320xi32, #tpu.memory_space<vmem>> -> memref<128xi32, #tpu.memory_space<vmem>>
    %dma_start3A_40 = arith.constant 0 : i32
    %dma_start3A_41 = arith.constant 0 : i32
    %dma_start3A_42 = tpu.memref_slice %arg6[%dma_start3A_40, %dma_start3A_41] : memref<100000x128xf32, #tpu.memory_space<hbm>> -> memref<100000x128xf32, #tpu.memory_space<hbm>>
    tpu.enqueue_indirect_dma source(%dma_start3A_42 : memref<100000x128xf32, #tpu.memory_space<hbm>>) target(%dma_start3A_37 : memref<128x128xf32, #tpu.memory_space<vmem>>) offsets(%dma_start3A_39 : memref<128xi32, #tpu.memory_space<vmem>>) semaphore(%arg20 : memref<!tpu.dma_semaphore, #tpu.memory_space<semaphore_mem>>)
    %dma_start3A_43 = arith.constant 256 : i32
    %dma_start3A_44 = arith.constant 0 : i32
    %dma_start3A_45 = tpu.memref_slice %arg15[%dma_start3A_43, %dma_start3A_44] : memref<320x128xf32, #tpu.memory_space<vmem>> -> memref<64x128xf32, #tpu.memory_space<vmem>>
    %dma_start3A_46 = arith.constant 256 : i32
    %dma_start3A_47 = tpu.memref_slice %arg11[%dma_start3A_46] : memref<320xi32, #tpu.memory_space<vmem>> -> memref<64xi32, #tpu.memory_space<vmem>>
    %dma_start3A_48 = arith.constant 0 : i32
    %dma_start3A_49 = arith.constant 0 : i32
    %dma_start3A_50 = tpu.memref_slice %arg6[%dma_start3A_48, %dma_start3A_49] : memref<100000x128xf32, #tpu.memory_space<hbm>> -> memref<100000x128xf32, #tpu.memory_space<hbm>>
    tpu.enqueue_indirect_dma source(%dma_start3A_50 : memref<100000x128xf32, #tpu.memory_space<hbm>>) target(%dma_start3A_45 : memref<64x128xf32, #tpu.memory_space<vmem>>) offsets(%dma_start3A_47 : memref<64xi32, #tpu.memory_space<vmem>>) semaphore(%arg20 : memref<!tpu.dma_semaphore, #tpu.memory_space<semaphore_mem>>)
    %dma_start3A_51 = arith.constant 0 : i32
    %dma_start3A_52 = arith.constant 0 : i32
    %dma_start3A_53 = tpu.memref_slice %arg16[%dma_start3A_51, %dma_start3A_52] : memref<320x16xf32, #tpu.memory_space<vmem>> -> memref<128x16xf32, #tpu.memory_space<vmem>>
    %dma_start3A_54 = arith.constant 0 : i32
    %dma_start3A_55 = tpu.memref_slice %arg12[%dma_start3A_54] : memref<320xi32, #tpu.memory_space<vmem>> -> memref<128xi32, #tpu.memory_space<vmem>>
    %dma_start3A_56 = arith.constant 0 : i32
    %dma_start3A_57 = arith.constant 0 : i32
    %dma_start3A_58 = tpu.memref_slice %arg7[%dma_start3A_56, %dma_start3A_57] : memref<50x16xf32, #tpu.memory_space<hbm>> -> memref<50x16xf32, #tpu.memory_space<hbm>>
    tpu.enqueue_indirect_dma source(%dma_start3A_58 : memref<50x16xf32, #tpu.memory_space<hbm>>) target(%dma_start3A_53 : memref<128x16xf32, #tpu.memory_space<vmem>>) offsets(%dma_start3A_55 : memref<128xi32, #tpu.memory_space<vmem>>) semaphore(%arg20 : memref<!tpu.dma_semaphore, #tpu.memory_space<semaphore_mem>>)
    %dma_start3A_59 = arith.constant 128 : i32
    %dma_start3A_60 = arith.constant 0 : i32
    %dma_start3A_61 = tpu.memref_slice %arg16[%dma_start3A_59, %dma_start3A_60] : memref<320x16xf32, #tpu.memory_space<vmem>> -> memref<128x16xf32, #tpu.memory_space<vmem>>
    %dma_start3A_62 = arith.constant 128 : i32
    %dma_start3A_63 = tpu.memref_slice %arg12[%dma_start3A_62] : memref<320xi32, #tpu.memory_space<vmem>> -> memref<128xi32, #tpu.memory_space<vmem>>
    %dma_start3A_64 = arith.constant 0 : i32
    %dma_start3A_65 = arith.constant 0 : i32
    %dma_start3A_66 = tpu.memref_slice %arg7[%dma_start3A_64, %dma_start3A_65] : memref<50x16xf32, #tpu.memory_space<hbm>> -> memref<50x16xf32, #tpu.memory_space<hbm>>
    tpu.enqueue_indirect_dma source(%dma_start3A_66 : memref<50x16xf32, #tpu.memory_space<hbm>>) target(%dma_start3A_61 : memref<128x16xf32, #tpu.memory_space<vmem>>) offsets(%dma_start3A_63 : memref<128xi32, #tpu.memory_space<vmem>>) semaphore(%arg20 : memref<!tpu.dma_semaphore, #tpu.memory_space<semaphore_mem>>)
    %dma_start3A_67 = arith.constant 256 : i32
    %dma_start3A_68 = arith.constant 0 : i32
    %dma_start3A_69 = tpu.memref_slice %arg16[%dma_start3A_67, %dma_start3A_68] : memref<320x16xf32, #tpu.memory_space<vmem>> -> memref<64x16xf32, #tpu.memory_space<vmem>>
    %dma_start3A_70 = arith.constant 256 : i32
    %dma_start3A_71 = tpu.memref_slice %arg12[%dma_start3A_70] : memref<320xi32, #tpu.memory_space<vmem>> -> memref<64xi32, #tpu.memory_space<vmem>>
    %dma_start3A_72 = arith.constant 0 : i32
    %dma_start3A_73 = arith.constant 0 : i32
    %dma_start3A_74 = tpu.memref_slice %arg7[%dma_start3A_72, %dma_start3A_73] : memref<50x16xf32, #tpu.memory_space<hbm>> -> memref<50x16xf32, #tpu.memory_space<hbm>>
    tpu.enqueue_indirect_dma source(%dma_start3A_74 : memref<50x16xf32, #tpu.memory_space<hbm>>) target(%dma_start3A_69 : memref<64x16xf32, #tpu.memory_space<vmem>>) offsets(%dma_start3A_71 : memref<64xi32, #tpu.memory_space<vmem>>) semaphore(%arg20 : memref<!tpu.dma_semaphore, #tpu.memory_space<semaphore_mem>>)
    %dma_start3A_75 = arith.constant 0 : i32
    %dma_start3A_76 = arith.constant 0 : i32
    %dma_start3A_77 = tpu.memref_slice %arg17[%dma_start3A_75, %dma_start3A_76] : memref<320x16xf32, #tpu.memory_space<vmem>> -> memref<128x16xf32, #tpu.memory_space<vmem>>
    %dma_start3A_78 = arith.constant 0 : i32
    %dma_start3A_79 = tpu.memref_slice %arg13[%dma_start3A_78] : memref<320xi32, #tpu.memory_space<vmem>> -> memref<128xi32, #tpu.memory_space<vmem>>
    %dma_start3A_80 = arith.constant 0 : i32
    %dma_start3A_81 = arith.constant 0 : i32
    %dma_start3A_82 = tpu.memref_slice %arg8[%dma_start3A_80, %dma_start3A_81] : memref<512x16xf32, #tpu.memory_space<hbm>> -> memref<512x16xf32, #tpu.memory_space<hbm>>
    tpu.enqueue_indirect_dma source(%dma_start3A_82 : memref<512x16xf32, #tpu.memory_space<hbm>>) target(%dma_start3A_77 : memref<128x16xf32, #tpu.memory_space<vmem>>) offsets(%dma_start3A_79 : memref<128xi32, #tpu.memory_space<vmem>>) semaphore(%arg20 : memref<!tpu.dma_semaphore, #tpu.memory_space<semaphore_mem>>)
    %dma_start3A_83 = arith.constant 128 : i32
    %dma_start3A_84 = arith.constant 0 : i32
    %dma_start3A_85 = tpu.memref_slice %arg17[%dma_start3A_83, %dma_start3A_84] : memref<320x16xf32, #tpu.memory_space<vmem>> -> memref<128x16xf32, #tpu.memory_space<vmem>>
    %dma_start3A_86 = arith.constant 128 : i32
    %dma_start3A_87 = tpu.memref_slice %arg13[%dma_start3A_86] : memref<320xi32, #tpu.memory_space<vmem>> -> memref<128xi32, #tpu.memory_space<vmem>>
    %dma_start3A_88 = arith.constant 0 : i32
    %dma_start3A_89 = arith.constant 0 : i32
    %dma_start3A_90 = tpu.memref_slice %arg8[%dma_start3A_88, %dma_start3A_89] : memref<512x16xf32, #tpu.memory_space<hbm>> -> memref<512x16xf32, #tpu.memory_space<hbm>>
    tpu.enqueue_indirect_dma source(%dma_start3A_90 : memref<512x16xf32, #tpu.memory_space<hbm>>) target(%dma_start3A_85 : memref<128x16xf32, #tpu.memory_space<vmem>>) offsets(%dma_start3A_87 : memref<128xi32, #tpu.memory_space<vmem>>) semaphore(%arg20 : memref<!tpu.dma_semaphore, #tpu.memory_space<semaphore_mem>>)
    %dma_start3A_91 = arith.constant 256 : i32
    %dma_start3A_92 = arith.constant 0 : i32
    %dma_start3A_93 = tpu.memref_slice %arg17[%dma_start3A_91, %dma_start3A_92] : memref<320x16xf32, #tpu.memory_space<vmem>> -> memref<64x16xf32, #tpu.memory_space<vmem>>
    %dma_start3A_94 = arith.constant 256 : i32
    %dma_start3A_95 = tpu.memref_slice %arg13[%dma_start3A_94] : memref<320xi32, #tpu.memory_space<vmem>> -> memref<64xi32, #tpu.memory_space<vmem>>
    %dma_start3A_96 = arith.constant 0 : i32
    %dma_start3A_97 = arith.constant 0 : i32
    %dma_start3A_98 = tpu.memref_slice %arg8[%dma_start3A_96, %dma_start3A_97] : memref<512x16xf32, #tpu.memory_space<hbm>> -> memref<512x16xf32, #tpu.memory_space<hbm>>
    tpu.enqueue_indirect_dma source(%dma_start3A_98 : memref<512x16xf32, #tpu.memory_space<hbm>>) target(%dma_start3A_93 : memref<64x16xf32, #tpu.memory_space<vmem>>) offsets(%dma_start3A_95 : memref<64xi32, #tpu.memory_space<vmem>>) semaphore(%arg20 : memref<!tpu.dma_semaphore, #tpu.memory_space<semaphore_mem>>)
    %dma_start3A_99 = arith.constant 0 : i32
    %dma_start3A_100 = arith.constant 0 : i32
    %dma_start3A_101 = tpu.memref_slice %arg18[%dma_start3A_99, %dma_start3A_100] : memref<320x16xf32, #tpu.memory_space<vmem>> -> memref<128x16xf32, #tpu.memory_space<vmem>>
    %dma_start3A_102 = arith.constant 0 : i32
    %dma_start3A_103 = tpu.memref_slice %arg14[%dma_start3A_102] : memref<320xi32, #tpu.memory_space<vmem>> -> memref<128xi32, #tpu.memory_space<vmem>>
    %dma_start3A_104 = arith.constant 0 : i32
    %dma_start3A_105 = arith.constant 0 : i32
    %dma_start3A_106 = tpu.memref_slice %arg9[%dma_start3A_104, %dma_start3A_105] : memref<512x16xf32, #tpu.memory_space<hbm>> -> memref<512x16xf32, #tpu.memory_space<hbm>>
    tpu.enqueue_indirect_dma source(%dma_start3A_106 : memref<512x16xf32, #tpu.memory_space<hbm>>) target(%dma_start3A_101 : memref<128x16xf32, #tpu.memory_space<vmem>>) offsets(%dma_start3A_103 : memref<128xi32, #tpu.memory_space<vmem>>) semaphore(%arg20 : memref<!tpu.dma_semaphore, #tpu.memory_space<semaphore_mem>>)
    %dma_start3A_107 = arith.constant 128 : i32
    %dma_start3A_108 = arith.constant 0 : i32
    %dma_start3A_109 = tpu.memref_slice %arg18[%dma_start3A_107, %dma_start3A_108] : memref<320x16xf32, #tpu.memory_space<vmem>> -> memref<128x16xf32, #tpu.memory_space<vmem>>
    %dma_start3A_110 = arith.constant 128 : i32
    %dma_start3A_111 = tpu.memref_slice %arg14[%dma_start3A_110] : memref<320xi32, #tpu.memory_space<vmem>> -> memref<128xi32, #tpu.memory_space<vmem>>
    %dma_start3A_112 = arith.constant 0 : i32
    %dma_start3A_113 = arith.constant 0 : i32
    %dma_start3A_114 = tpu.memref_slice %arg9[%dma_start3A_112, %dma_start3A_113] : memref<512x16xf32, #tpu.memory_space<hbm>> -> memref<512x16xf32, #tpu.memory_space<hbm>>
    tpu.enqueue_indirect_dma source(%dma_start3A_114 : memref<512x16xf32, #tpu.memory_space<hbm>>) target(%dma_start3A_109 : memref<128x16xf32, #tpu.memory_space<vmem>>) offsets(%dma_start3A_111 : memref<128xi32, #tpu.memory_space<vmem>>) semaphore(%arg20 : memref<!tpu.dma_semaphore, #tpu.memory_space<semaphore_mem>>)
    %dma_start3A_115 = arith.constant 256 : i32
    %dma_start3A_116 = arith.constant 0 : i32
    %dma_start3A_117 = tpu.memref_slice %arg18[%dma_start3A_115, %dma_start3A_116] : memref<320x16xf32, #tpu.memory_space<vmem>> -> memref<64x16xf32, #tpu.memory_space<vmem>>
    %dma_start3A_118 = arith.constant 256 : i32
    %dma_start3A_119 = tpu.memref_slice %arg14[%dma_start3A_118] : memref<320xi32, #tpu.memory_space<vmem>> -> memref<64xi32, #tpu.memory_space<vmem>>
    %dma_start3A_120 = arith.constant 0 : i32
    %dma_start3A_121 = arith.constant 0 : i32
    %dma_start3A_122 = tpu.memref_slice %arg9[%dma_start3A_120, %dma_start3A_121] : memref<512x16xf32, #tpu.memory_space<hbm>> -> memref<512x16xf32, #tpu.memory_space<hbm>>
    tpu.enqueue_indirect_dma source(%dma_start3A_122 : memref<512x16xf32, #tpu.memory_space<hbm>>) target(%dma_start3A_117 : memref<64x16xf32, #tpu.memory_space<vmem>>) offsets(%dma_start3A_119 : memref<64xi32, #tpu.memory_space<vmem>>) semaphore(%arg20 : memref<!tpu.dma_semaphore, #tpu.memory_space<semaphore_mem>>)
    %mul3A_123 = arith.constant 128 : i32
    %mul3A_124 = arith.muli %add3A, %mul3A_123 : i32
    %mul3A_125 = arith.constant 200 : i32
    %mul3A_126 = arith.muli %mul3A_124, %mul3A_125 : i32
    %add3A_127 = arith.constant 320 : i32
    %add3A_128 = arith.addi %mul3A_126, %add3A_127 : i32
    %dma_start3A_129 = tpu.memref_slice %arg2[%add3A_128] : memref<819200xi32, #tpu.memory_space<hbm>> -> memref<320xi32, #tpu.memory_space<hbm>>
    %dma_start3A_130 = tpu.memref_slice %arg2[%add3A_128] : memref<819200xi32, #tpu.memory_space<hbm>> -> memref<320xi32, #tpu.memory_space<hbm>>
    tpu.enqueue_dma source(%dma_start3A_130 : memref<320xi32, #tpu.memory_space<hbm>>) target(%arg22 : memref<320xi32, #tpu.memory_space<vmem>>) target_semaphore(%arg30 : memref<!tpu.dma_semaphore, #tpu.memory_space<semaphore_mem>>)
    %dma_start3A_131 = tpu.memref_slice %arg3[%add3A_128] : memref<819200xi32, #tpu.memory_space<hbm>> -> memref<320xi32, #tpu.memory_space<hbm>>
    %dma_start3A_132 = tpu.memref_slice %arg3[%add3A_128] : memref<819200xi32, #tpu.memory_space<hbm>> -> memref<320xi32, #tpu.memory_space<hbm>>
    tpu.enqueue_dma source(%dma_start3A_132 : memref<320xi32, #tpu.memory_space<hbm>>) target(%arg23 : memref<320xi32, #tpu.memory_space<vmem>>) target_semaphore(%arg30 : memref<!tpu.dma_semaphore, #tpu.memory_space<semaphore_mem>>)
    %dma_start3A_133 = tpu.memref_slice %arg4[%add3A_128] : memref<819200xi32, #tpu.memory_space<hbm>> -> memref<320xi32, #tpu.memory_space<hbm>>
    %dma_start3A_134 = tpu.memref_slice %arg4[%add3A_128] : memref<819200xi32, #tpu.memory_space<hbm>> -> memref<320xi32, #tpu.memory_space<hbm>>
    tpu.enqueue_dma source(%dma_start3A_134 : memref<320xi32, #tpu.memory_space<hbm>>) target(%arg24 : memref<320xi32, #tpu.memory_space<vmem>>) target_semaphore(%arg30 : memref<!tpu.dma_semaphore, #tpu.memory_space<semaphore_mem>>)
    %dma_start3A_135 = tpu.memref_slice %arg5[%add3A_128] : memref<819200xi32, #tpu.memory_space<hbm>> -> memref<320xi32, #tpu.memory_space<hbm>>
    %dma_start3A_136 = tpu.memref_slice %arg5[%add3A_128] : memref<819200xi32, #tpu.memory_space<hbm>> -> memref<320xi32, #tpu.memory_space<hbm>>
    tpu.enqueue_dma source(%dma_start3A_136 : memref<320xi32, #tpu.memory_space<hbm>>) target(%arg25 : memref<320xi32, #tpu.memory_space<vmem>>) target_semaphore(%arg30 : memref<!tpu.dma_semaphore, #tpu.memory_space<semaphore_mem>>)
    %mul3A_137 = arith.constant 128 : i32
    %mul3A_138 = arith.muli %add3A, %mul3A_137 : i32
    %mul3A_139 = arith.constant 200 : i32
    %mul3A_140 = arith.muli %mul3A_138, %mul3A_139 : i32
    %add3A_141 = arith.constant 320 : i32
    %add3A_142 = arith.addi %mul3A_140, %add3A_141 : i32
    %dma_wait3A_143 = tpu.memref_slice %arg2[%add3A_142] : memref<819200xi32, #tpu.memory_space<hbm>> -> memref<320xi32, #tpu.memory_space<hbm>>
    %dma_wait3A_144 = tpu.memref_slice %arg2[%add3A_142] : memref<819200xi32, #tpu.memory_space<hbm>> -> memref<320xi32, #tpu.memory_space<hbm>>
    tpu.wait_dma2 semaphore(%arg30 : memref<!tpu.dma_semaphore, #tpu.memory_space<semaphore_mem>>) src(%dma_wait3A_144 : memref<320xi32, #tpu.memory_space<hbm>>) dst(%arg22 : memref<320xi32, #tpu.memory_space<vmem>>)
    %dma_wait3A_145 = tpu.memref_slice %arg3[%add3A_142] : memref<819200xi32, #tpu.memory_space<hbm>> -> memref<320xi32, #tpu.memory_space<hbm>>
    %dma_wait3A_146 = tpu.memref_slice %arg3[%add3A_142] : memref<819200xi32, #tpu.memory_space<hbm>> -> memref<320xi32, #tpu.memory_space<hbm>>
    tpu.wait_dma2 semaphore(%arg30 : memref<!tpu.dma_semaphore, #tpu.memory_space<semaphore_mem>>) src(%dma_wait3A_146 : memref<320xi32, #tpu.memory_space<hbm>>) dst(%arg23 : memref<320xi32, #tpu.memory_space<vmem>>)
    %dma_wait3A_147 = tpu.memref_slice %arg4[%add3A_142] : memref<819200xi32, #tpu.memory_space<hbm>> -> memref<320xi32, #tpu.memory_space<hbm>>
    %dma_wait3A_148 = tpu.memref_slice %arg4[%add3A_142] : memref<819200xi32, #tpu.memory_space<hbm>> -> memref<320xi32, #tpu.memory_space<hbm>>
    tpu.wait_dma2 semaphore(%arg30 : memref<!tpu.dma_semaphore, #tpu.memory_space<semaphore_mem>>) src(%dma_wait3A_148 : memref<320xi32, #tpu.memory_space<hbm>>) dst(%arg24 : memref<320xi32, #tpu.memory_space<vmem>>)
    %dma_wait3A_149 = tpu.memref_slice %arg5[%add3A_142] : memref<819200xi32, #tpu.memory_space<hbm>> -> memref<320xi32, #tpu.memory_space<hbm>>
    %dma_wait3A_150 = tpu.memref_slice %arg5[%add3A_142] : memref<819200xi32, #tpu.memory_space<hbm>> -> memref<320xi32, #tpu.memory_space<hbm>>
    tpu.wait_dma2 semaphore(%arg30 : memref<!tpu.dma_semaphore, #tpu.memory_space<semaphore_mem>>) src(%dma_wait3A_150 : memref<320xi32, #tpu.memory_space<hbm>>) dst(%arg25 : memref<320xi32, #tpu.memory_space<vmem>>)
    %dma_start3A_151 = arith.constant 0 : i32
    %dma_start3A_152 = arith.constant 0 : i32
    %dma_start3A_153 = tpu.memref_slice %arg26[%dma_start3A_151, %dma_start3A_152] : memref<320x128xf32, #tpu.memory_space<vmem>> -> memref<128x128xf32, #tpu.memory_space<vmem>>
    %dma_start3A_154 = arith.constant 0 : i32
    %dma_start3A_155 = tpu.memref_slice %arg22[%dma_start3A_154] : memref<320xi32, #tpu.memory_space<vmem>> -> memref<128xi32, #tpu.memory_space<vmem>>
    %dma_start3A_156 = arith.constant 0 : i32
    %dma_start3A_157 = arith.constant 0 : i32
    %dma_start3A_158 = tpu.memref_slice %arg6[%dma_start3A_156, %dma_start3A_157] : memref<100000x128xf32, #tpu.memory_space<hbm>> -> memref<100000x128xf32, #tpu.memory_space<hbm>>
    tpu.enqueue_indirect_dma source(%dma_start3A_158 : memref<100000x128xf32, #tpu.memory_space<hbm>>) target(%dma_start3A_153 : memref<128x128xf32, #tpu.memory_space<vmem>>) offsets(%dma_start3A_155 : memref<128xi32, #tpu.memory_space<vmem>>) semaphore(%arg31 : memref<!tpu.dma_semaphore, #tpu.memory_space<semaphore_mem>>)
    %dma_start3A_159 = arith.constant 128 : i32
    %dma_start3A_160 = arith.constant 0 : i32
    %dma_start3A_161 = tpu.memref_slice %arg26[%dma_start3A_159, %dma_start3A_160] : memref<320x128xf32, #tpu.memory_space<vmem>> -> memref<128x128xf32, #tpu.memory_space<vmem>>
    %dma_start3A_162 = arith.constant 128 : i32
    %dma_start3A_163 = tpu.memref_slice %arg22[%dma_start3A_162] : memref<320xi32, #tpu.memory_space<vmem>> -> memref<128xi32, #tpu.memory_space<vmem>>
    %dma_start3A_164 = arith.constant 0 : i32
    %dma_start3A_165 = arith.constant 0 : i32
    %dma_start3A_166 = tpu.memref_slice %arg6[%dma_start3A_164, %dma_start3A_165] : memref<100000x128xf32, #tpu.memory_space<hbm>> -> memref<100000x128xf32, #tpu.memory_space<hbm>>
    tpu.enqueue_indirect_dma source(%dma_start3A_166 : memref<100000x128xf32, #tpu.memory_space<hbm>>) target(%dma_start3A_161 : memref<128x128xf32, #tpu.memory_space<vmem>>) offsets(%dma_start3A_163 : memref<128xi32, #tpu.memory_space<vmem>>) semaphore(%arg31 : memref<!tpu.dma_semaphore, #tpu.memory_space<semaphore_mem>>)
    %dma_start3A_167 = arith.constant 256 : i32
    %dma_start3A_168 = arith.constant 0 : i32
    %dma_start3A_169 = tpu.memref_slice %arg26[%dma_start3A_167, %dma_start3A_168] : memref<320x128xf32, #tpu.memory_space<vmem>> -> memref<64x128xf32, #tpu.memory_space<vmem>>
    %dma_start3A_170 = arith.constant 256 : i32
    %dma_start3A_171 = tpu.memref_slice %arg22[%dma_start3A_170] : memref<320xi32, #tpu.memory_space<vmem>> -> memref<64xi32, #tpu.memory_space<vmem>>
    %dma_start3A_172 = arith.constant 0 : i32
    %dma_start3A_173 = arith.constant 0 : i32
    %dma_start3A_174 = tpu.memref_slice %arg6[%dma_start3A_172, %dma_start3A_173] : memref<100000x128xf32, #tpu.memory_space<hbm>> -> memref<100000x128xf32, #tpu.memory_space<hbm>>
    tpu.enqueue_indirect_dma source(%dma_start3A_174 : memref<100000x128xf32, #tpu.memory_space<hbm>>) target(%dma_start3A_169 : memref<64x128xf32, #tpu.memory_space<vmem>>) offsets(%dma_start3A_171 : memref<64xi32, #tpu.memory_space<vmem>>) semaphore(%arg31 : memref<!tpu.dma_semaphore, #tpu.memory_space<semaphore_mem>>)
    %dma_start3A_175 = arith.constant 0 : i32
    %dma_start3A_176 = arith.constant 0 : i32
    %dma_start3A_177 = tpu.memref_slice %arg27[%dma_start3A_175, %dma_start3A_176] : memref<320x16xf32, #tpu.memory_space<vmem>> -> memref<128x16xf32, #tpu.memory_space<vmem>>
    %dma_start3A_178 = arith.constant 0 : i32
    %dma_start3A_179 = tpu.memref_slice %arg23[%dma_start3A_178] : memref<320xi32, #tpu.memory_space<vmem>> -> memref<128xi32, #tpu.memory_space<vmem>>
    %dma_start3A_180 = arith.constant 0 : i32
    %dma_start3A_181 = arith.constant 0 : i32
    %dma_start3A_182 = tpu.memref_slice %arg7[%dma_start3A_180, %dma_start3A_181] : memref<50x16xf32, #tpu.memory_space<hbm>> -> memref<50x16xf32, #tpu.memory_space<hbm>>
    tpu.enqueue_indirect_dma source(%dma_start3A_182 : memref<50x16xf32, #tpu.memory_space<hbm>>) target(%dma_start3A_177 : memref<128x16xf32, #tpu.memory_space<vmem>>) offsets(%dma_start3A_179 : memref<128xi32, #tpu.memory_space<vmem>>) semaphore(%arg31 : memref<!tpu.dma_semaphore, #tpu.memory_space<semaphore_mem>>)
    %dma_start3A_183 = arith.constant 128 : i32
    %dma_start3A_184 = arith.constant 0 : i32
    %dma_start3A_185 = tpu.memref_slice %arg27[%dma_start3A_183, %dma_start3A_184] : memref<320x16xf32, #tpu.memory_space<vmem>> -> memref<128x16xf32, #tpu.memory_space<vmem>>
    %dma_start3A_186 = arith.constant 128 : i32
    %dma_start3A_187 = tpu.memref_slice %arg23[%dma_start3A_186] : memref<320xi32, #tpu.memory_space<vmem>> -> memref<128xi32, #tpu.memory_space<vmem>>
    %dma_start3A_188 = arith.constant 0 : i32
    %dma_start3A_189 = arith.constant 0 : i32
    %dma_start3A_190 = tpu.memref_slice %arg7[%dma_start3A_188, %dma_start3A_189] : memref<50x16xf32, #tpu.memory_space<hbm>> -> memref<50x16xf32, #tpu.memory_space<hbm>>
    tpu.enqueue_indirect_dma source(%dma_start3A_190 : memref<50x16xf32, #tpu.memory_space<hbm>>) target(%dma_start3A_185 : memref<128x16xf32, #tpu.memory_space<vmem>>) offsets(%dma_start3A_187 : memref<128xi32, #tpu.memory_space<vmem>>) semaphore(%arg31 : memref<!tpu.dma_semaphore, #tpu.memory_space<semaphore_mem>>)
    %dma_start3A_191 = arith.constant 256 : i32
    %dma_start3A_192 = arith.constant 0 : i32
    %dma_start3A_193 = tpu.memref_slice %arg27[%dma_start3A_191, %dma_start3A_192] : memref<320x16xf32, #tpu.memory_space<vmem>> -> memref<64x16xf32, #tpu.memory_space<vmem>>
    %dma_start3A_194 = arith.constant 256 : i32
    %dma_start3A_195 = tpu.memref_slice %arg23[%dma_start3A_194] : memref<320xi32, #tpu.memory_space<vmem>> -> memref<64xi32, #tpu.memory_space<vmem>>
    %dma_start3A_196 = arith.constant 0 : i32
    %dma_start3A_197 = arith.constant 0 : i32
    %dma_start3A_198 = tpu.memref_slice %arg7[%dma_start3A_196, %dma_start3A_197] : memref<50x16xf32, #tpu.memory_space<hbm>> -> memref<50x16xf32, #tpu.memory_space<hbm>>
    tpu.enqueue_indirect_dma source(%dma_start3A_198 : memref<50x16xf32, #tpu.memory_space<hbm>>) target(%dma_start3A_193 : memref<64x16xf32, #tpu.memory_space<vmem>>) offsets(%dma_start3A_195 : memref<64xi32, #tpu.memory_space<vmem>>) semaphore(%arg31 : memref<!tpu.dma_semaphore, #tpu.memory_space<semaphore_mem>>)
    %dma_start3A_199 = arith.constant 0 : i32
    %dma_start3A_200 = arith.constant 0 : i32
    %dma_start3A_201 = tpu.memref_slice %arg28[%dma_start3A_199, %dma_start3A_200] : memref<320x16xf32, #tpu.memory_space<vmem>> -> memref<128x16xf32, #tpu.memory_space<vmem>>
    %dma_start3A_202 = arith.constant 0 : i32
    %dma_start3A_203 = tpu.memref_slice %arg24[%dma_start3A_202] : memref<320xi32, #tpu.memory_space<vmem>> -> memref<128xi32, #tpu.memory_space<vmem>>
    %dma_start3A_204 = arith.constant 0 : i32
    %dma_start3A_205 = arith.constant 0 : i32
    %dma_start3A_206 = tpu.memref_slice %arg8[%dma_start3A_204, %dma_start3A_205] : memref<512x16xf32, #tpu.memory_space<hbm>> -> memref<512x16xf32, #tpu.memory_space<hbm>>
    tpu.enqueue_indirect_dma source(%dma_start3A_206 : memref<512x16xf32, #tpu.memory_space<hbm>>) target(%dma_start3A_201 : memref<128x16xf32, #tpu.memory_space<vmem>>) offsets(%dma_start3A_203 : memref<128xi32, #tpu.memory_space<vmem>>) semaphore(%arg31 : memref<!tpu.dma_semaphore, #tpu.memory_space<semaphore_mem>>)
    %dma_start3A_207 = arith.constant 128 : i32
    %dma_start3A_208 = arith.constant 0 : i32
    %dma_start3A_209 = tpu.memref_slice %arg28[%dma_start3A_207, %dma_start3A_208] : memref<320x16xf32, #tpu.memory_space<vmem>> -> memref<128x16xf32, #tpu.memory_space<vmem>>
    %dma_start3A_210 = arith.constant 128 : i32
    %dma_start3A_211 = tpu.memref_slice %arg24[%dma_start3A_210] : memref<320xi32, #tpu.memory_space<vmem>> -> memref<128xi32, #tpu.memory_space<vmem>>
    %dma_start3A_212 = arith.constant 0 : i32
    %dma_start3A_213 = arith.constant 0 : i32
    %dma_start3A_214 = tpu.memref_slice %arg8[%dma_start3A_212, %dma_start3A_213] : memref<512x16xf32, #tpu.memory_space<hbm>> -> memref<512x16xf32, #tpu.memory_space<hbm>>
    tpu.enqueue_indirect_dma source(%dma_start3A_214 : memref<512x16xf32, #tpu.memory_space<hbm>>) target(%dma_start3A_209 : memref<128x16xf32, #tpu.memory_space<vmem>>) offsets(%dma_start3A_211 : memref<128xi32, #tpu.memory_space<vmem>>) semaphore(%arg31 : memref<!tpu.dma_semaphore, #tpu.memory_space<semaphore_mem>>)
    %dma_start3A_215 = arith.constant 256 : i32
    %dma_start3A_216 = arith.constant 0 : i32
    %dma_start3A_217 = tpu.memref_slice %arg28[%dma_start3A_215, %dma_start3A_216] : memref<320x16xf32, #tpu.memory_space<vmem>> -> memref<64x16xf32, #tpu.memory_space<vmem>>
    %dma_start3A_218 = arith.constant 256 : i32
    %dma_start3A_219 = tpu.memref_slice %arg24[%dma_start3A_218] : memref<320xi32, #tpu.memory_space<vmem>> -> memref<64xi32, #tpu.memory_space<vmem>>
    %dma_start3A_220 = arith.constant 0 : i32
    %dma_start3A_221 = arith.constant 0 : i32
    %dma_start3A_222 = tpu.memref_slice %arg8[%dma_start3A_220, %dma_start3A_221] : memref<512x16xf32, #tpu.memory_space<hbm>> -> memref<512x16xf32, #tpu.memory_space<hbm>>
    tpu.enqueue_indirect_dma source(%dma_start3A_222 : memref<512x16xf32, #tpu.memory_space<hbm>>) target(%dma_start3A_217 : memref<64x16xf32, #tpu.memory_space<vmem>>) offsets(%dma_start3A_219 : memref<64xi32, #tpu.memory_space<vmem>>) semaphore(%arg31 : memref<!tpu.dma_semaphore, #tpu.memory_space<semaphore_mem>>)
    %dma_start3A_223 = arith.constant 0 : i32
    %dma_start3A_224 = arith.constant 0 : i32
    %dma_start3A_225 = tpu.memref_slice %arg29[%dma_start3A_223, %dma_start3A_224] : memref<320x16xf32, #tpu.memory_space<vmem>> -> memref<128x16xf32, #tpu.memory_space<vmem>>
    %dma_start3A_226 = arith.constant 0 : i32
    %dma_start3A_227 = tpu.memref_slice %arg25[%dma_start3A_226] : memref<320xi32, #tpu.memory_space<vmem>> -> memref<128xi32, #tpu.memory_space<vmem>>
    %dma_start3A_228 = arith.constant 0 : i32
    %dma_start3A_229 = arith.constant 0 : i32
    %dma_start3A_230 = tpu.memref_slice %arg9[%dma_start3A_228, %dma_start3A_229] : memref<512x16xf32, #tpu.memory_space<hbm>> -> memref<512x16xf32, #tpu.memory_space<hbm>>
    tpu.enqueue_indirect_dma source(%dma_start3A_230 : memref<512x16xf32, #tpu.memory_space<hbm>>) target(%dma_start3A_225 : memref<128x16xf32, #tpu.memory_space<vmem>>) offsets(%dma_start3A_227 : memref<128xi32, #tpu.memory_space<vmem>>) semaphore(%arg31 : memref<!tpu.dma_semaphore, #tpu.memory_space<semaphore_mem>>)
    %dma_start3A_231 = arith.constant 128 : i32
    %dma_start3A_232 = arith.constant 0 : i32
    %dma_start3A_233 = tpu.memref_slice %arg29[%dma_start3A_231, %dma_start3A_232] : memref<320x16xf32, #tpu.memory_space<vmem>> -> memref<128x16xf32, #tpu.memory_space<vmem>>
    %dma_start3A_234 = arith.constant 128 : i32
    %dma_start3A_235 = tpu.memref_slice %arg25[%dma_start3A_234] : memref<320xi32, #tpu.memory_space<vmem>> -> memref<128xi32, #tpu.memory_space<vmem>>
    %dma_start3A_236 = arith.constant 0 : i32
    %dma_start3A_237 = arith.constant 0 : i32
    %dma_start3A_238 = tpu.memref_slice %arg9[%dma_start3A_236, %dma_start3A_237] : memref<512x16xf32, #tpu.memory_space<hbm>> -> memref<512x16xf32, #tpu.memory_space<hbm>>
    tpu.enqueue_indirect_dma source(%dma_start3A_238 : memref<512x16xf32, #tpu.memory_space<hbm>>) target(%dma_start3A_233 : memref<128x16xf32, #tpu.memory_space<vmem>>) offsets(%dma_start3A_235 : memref<128xi32, #tpu.memory_space<vmem>>) semaphore(%arg31 : memref<!tpu.dma_semaphore, #tpu.memory_space<semaphore_mem>>)
    %dma_start3A_239 = arith.constant 256 : i32
    %dma_start3A_240 = arith.constant 0 : i32
    %dma_start3A_241 = tpu.memref_slice %arg29[%dma_start3A_239, %dma_start3A_240] : memref<320x16xf32, #tpu.memory_space<vmem>> -> memref<64x16xf32, #tpu.memory_space<vmem>>
    %dma_start3A_242 = arith.constant 256 : i32
    %dma_start3A_243 = tpu.memref_slice %arg25[%dma_start3A_242] : memref<320xi32, #tpu.memory_space<vmem>> -> memref<64xi32, #tpu.memory_space<vmem>>
    %dma_start3A_244 = arith.constant 0 : i32
    %dma_start3A_245 = arith.constant 0 : i32
    %dma_start3A_246 = tpu.memref_slice %arg9[%dma_start3A_244, %dma_start3A_245] : memref<512x16xf32, #tpu.memory_space<hbm>> -> memref<512x16xf32, #tpu.memory_space<hbm>>
    tpu.enqueue_indirect_dma source(%dma_start3A_246 : memref<512x16xf32, #tpu.memory_space<hbm>>) target(%dma_start3A_241 : memref<64x16xf32, #tpu.memory_space<vmem>>) offsets(%dma_start3A_243 : memref<64xi32, #tpu.memory_space<vmem>>) semaphore(%arg31 : memref<!tpu.dma_semaphore, #tpu.memory_space<semaphore_mem>>)
    %dma_wait3A_247 = arith.constant 0 : i32
    %dma_wait3A_248 = arith.constant 0 : i32
    %dma_wait3A_249 = tpu.memref_slice %arg15[%dma_wait3A_247, %dma_wait3A_248] : memref<320x128xf32, #tpu.memory_space<vmem>> -> memref<128x128xf32, #tpu.memory_space<vmem>>
    %dma_wait3A_250 = arith.constant 0 : i32
    %dma_wait3A_251 = tpu.memref_slice %arg11[%dma_wait3A_250] : memref<320xi32, #tpu.memory_space<vmem>> -> memref<128xi32, #tpu.memory_space<vmem>>
    %dma_wait3A_252 = arith.constant 0 : i32
    %dma_wait3A_253 = arith.constant 0 : i32
    %dma_wait3A_254 = tpu.memref_slice %arg6[%dma_wait3A_252, %dma_wait3A_253] : memref<100000x128xf32, #tpu.memory_space<hbm>> -> memref<100000x128xf32, #tpu.memory_space<hbm>>
    tpu.wait_indirect_dma semaphore(%arg20 : memref<!tpu.dma_semaphore, #tpu.memory_space<semaphore_mem>>) src(%dma_wait3A_254 : memref<100000x128xf32, #tpu.memory_space<hbm>>) dst(%dma_wait3A_249 : memref<128x128xf32, #tpu.memory_space<vmem>>)
    %dma_wait3A_255 = arith.constant 128 : i32
    %dma_wait3A_256 = arith.constant 0 : i32
    %dma_wait3A_257 = tpu.memref_slice %arg15[%dma_wait3A_255, %dma_wait3A_256] : memref<320x128xf32, #tpu.memory_space<vmem>> -> memref<128x128xf32, #tpu.memory_space<vmem>>
    %dma_wait3A_258 = arith.constant 128 : i32
    %dma_wait3A_259 = tpu.memref_slice %arg11[%dma_wait3A_258] : memref<320xi32, #tpu.memory_space<vmem>> -> memref<128xi32, #tpu.memory_space<vmem>>
    %dma_wait3A_260 = arith.constant 0 : i32
    %dma_wait3A_261 = arith.constant 0 : i32
    %dma_wait3A_262 = tpu.memref_slice %arg6[%dma_wait3A_260, %dma_wait3A_261] : memref<100000x128xf32, #tpu.memory_space<hbm>> -> memref<100000x128xf32, #tpu.memory_space<hbm>>
    tpu.wait_indirect_dma semaphore(%arg20 : memref<!tpu.dma_semaphore, #tpu.memory_space<semaphore_mem>>) src(%dma_wait3A_262 : memref<100000x128xf32, #tpu.memory_space<hbm>>) dst(%dma_wait3A_257 : memref<128x128xf32, #tpu.memory_space<vmem>>)
    %dma_wait3A_263 = arith.constant 256 : i32
    %dma_wait3A_264 = arith.constant 0 : i32
    %dma_wait3A_265 = tpu.memref_slice %arg15[%dma_wait3A_263, %dma_wait3A_264] : memref<320x128xf32, #tpu.memory_space<vmem>> -> memref<64x128xf32, #tpu.memory_space<vmem>>
    %dma_wait3A_266 = arith.constant 256 : i32
    %dma_wait3A_267 = tpu.memref_slice %arg11[%dma_wait3A_266] : memref<320xi32, #tpu.memory_space<vmem>> -> memref<64xi32, #tpu.memory_space<vmem>>
    %dma_wait3A_268 = arith.constant 0 : i32
    %dma_wait3A_269 = arith.constant 0 : i32
    %dma_wait3A_270 = tpu.memref_slice %arg6[%dma_wait3A_268, %dma_wait3A_269] : memref<100000x128xf32, #tpu.memory_space<hbm>> -> memref<100000x128xf32, #tpu.memory_space<hbm>>
    tpu.wait_indirect_dma semaphore(%arg20 : memref<!tpu.dma_semaphore, #tpu.memory_space<semaphore_mem>>) src(%dma_wait3A_270 : memref<100000x128xf32, #tpu.memory_space<hbm>>) dst(%dma_wait3A_265 : memref<64x128xf32, #tpu.memory_space<vmem>>)
    %dma_wait3A_271 = arith.constant 0 : i32
    %dma_wait3A_272 = arith.constant 0 : i32
    %dma_wait3A_273 = tpu.memref_slice %arg16[%dma_wait3A_271, %dma_wait3A_272] : memref<320x16xf32, #tpu.memory_space<vmem>> -> memref<128x16xf32, #tpu.memory_space<vmem>>
    %dma_wait3A_274 = arith.constant 0 : i32
    %dma_wait3A_275 = tpu.memref_slice %arg12[%dma_wait3A_274] : memref<320xi32, #tpu.memory_space<vmem>> -> memref<128xi32, #tpu.memory_space<vmem>>
    %dma_wait3A_276 = arith.constant 0 : i32
    %dma_wait3A_277 = arith.constant 0 : i32
    %dma_wait3A_278 = tpu.memref_slice %arg7[%dma_wait3A_276, %dma_wait3A_277] : memref<50x16xf32, #tpu.memory_space<hbm>> -> memref<50x16xf32, #tpu.memory_space<hbm>>
    tpu.wait_indirect_dma semaphore(%arg20 : memref<!tpu.dma_semaphore, #tpu.memory_space<semaphore_mem>>) src(%dma_wait3A_278 : memref<50x16xf32, #tpu.memory_space<hbm>>) dst(%dma_wait3A_273 : memref<128x16xf32, #tpu.memory_space<vmem>>)
    %dma_wait3A_279 = arith.constant 128 : i32
    %dma_wait3A_280 = arith.constant 0 : i32
    %dma_wait3A_281 = tpu.memref_slice %arg16[%dma_wait3A_279, %dma_wait3A_280] : memref<320x16xf32, #tpu.memory_space<vmem>> -> memref<128x16xf32, #tpu.memory_space<vmem>>
    %dma_wait3A_282 = arith.constant 128 : i32
    %dma_wait3A_283 = tpu.memref_slice %arg12[%dma_wait3A_282] : memref<320xi32, #tpu.memory_space<vmem>> -> memref<128xi32, #tpu.memory_space<vmem>>
    %dma_wait3A_284 = arith.constant 0 : i32
    %dma_wait3A_285 = arith.constant 0 : i32
    %dma_wait3A_286 = tpu.memref_slice %arg7[%dma_wait3A_284, %dma_wait3A_285] : memref<50x16xf32, #tpu.memory_space<hbm>> -> memref<50x16xf32, #tpu.memory_space<hbm>>
    tpu.wait_indirect_dma semaphore(%arg20 : memref<!tpu.dma_semaphore, #tpu.memory_space<semaphore_mem>>) src(%dma_wait3A_286 : memref<50x16xf32, #tpu.memory_space<hbm>>) dst(%dma_wait3A_281 : memref<128x16xf32, #tpu.memory_space<vmem>>)
    %dma_wait3A_287 = arith.constant 256 : i32
    %dma_wait3A_288 = arith.constant 0 : i32
    %dma_wait3A_289 = tpu.memref_slice %arg16[%dma_wait3A_287, %dma_wait3A_288] : memref<320x16xf32, #tpu.memory_space<vmem>> -> memref<64x16xf32, #tpu.memory_space<vmem>>
    %dma_wait3A_290 = arith.constant 256 : i32
    %dma_wait3A_291 = tpu.memref_slice %arg12[%dma_wait3A_290] : memref<320xi32, #tpu.memory_space<vmem>> -> memref<64xi32, #tpu.memory_space<vmem>>
    %dma_wait3A_292 = arith.constant 0 : i32
    %dma_wait3A_293 = arith.constant 0 : i32
    %dma_wait3A_294 = tpu.memref_slice %arg7[%dma_wait3A_292, %dma_wait3A_293] : memref<50x16xf32, #tpu.memory_space<hbm>> -> memref<50x16xf32, #tpu.memory_space<hbm>>
    tpu.wait_indirect_dma semaphore(%arg20 : memref<!tpu.dma_semaphore, #tpu.memory_space<semaphore_mem>>) src(%dma_wait3A_294 : memref<50x16xf32, #tpu.memory_space<hbm>>) dst(%dma_wait3A_289 : memref<64x16xf32, #tpu.memory_space<vmem>>)
    %dma_wait3A_295 = arith.constant 0 : i32
    %dma_wait3A_296 = arith.constant 0 : i32
    %dma_wait3A_297 = tpu.memref_slice %arg17[%dma_wait3A_295, %dma_wait3A_296] : memref<320x16xf32, #tpu.memory_space<vmem>> -> memref<128x16xf32, #tpu.memory_space<vmem>>
    %dma_wait3A_298 = arith.constant 0 : i32
    %dma_wait3A_299 = tpu.memref_slice %arg13[%dma_wait3A_298] : memref<320xi32, #tpu.memory_space<vmem>> -> memref<128xi32, #tpu.memory_space<vmem>>
    %dma_wait3A_300 = arith.constant 0 : i32
    %dma_wait3A_301 = arith.constant 0 : i32
    %dma_wait3A_302 = tpu.memref_slice %arg8[%dma_wait3A_300, %dma_wait3A_301] : memref<512x16xf32, #tpu.memory_space<hbm>> -> memref<512x16xf32, #tpu.memory_space<hbm>>
    tpu.wait_indirect_dma semaphore(%arg20 : memref<!tpu.dma_semaphore, #tpu.memory_space<semaphore_mem>>) src(%dma_wait3A_302 : memref<512x16xf32, #tpu.memory_space<hbm>>) dst(%dma_wait3A_297 : memref<128x16xf32, #tpu.memory_space<vmem>>)
    %dma_wait3A_303 = arith.constant 128 : i32
    %dma_wait3A_304 = arith.constant 0 : i32
    %dma_wait3A_305 = tpu.memref_slice %arg17[%dma_wait3A_303, %dma_wait3A_304] : memref<320x16xf32, #tpu.memory_space<vmem>> -> memref<128x16xf32, #tpu.memory_space<vmem>>
    %dma_wait3A_306 = arith.constant 128 : i32
    %dma_wait3A_307 = tpu.memref_slice %arg13[%dma_wait3A_306] : memref<320xi32, #tpu.memory_space<vmem>> -> memref<128xi32, #tpu.memory_space<vmem>>
    %dma_wait3A_308 = arith.constant 0 : i32
    %dma_wait3A_309 = arith.constant 0 : i32
    %dma_wait3A_310 = tpu.memref_slice %arg8[%dma_wait3A_308, %dma_wait3A_309] : memref<512x16xf32, #tpu.memory_space<hbm>> -> memref<512x16xf32, #tpu.memory_space<hbm>>
    tpu.wait_indirect_dma semaphore(%arg20 : memref<!tpu.dma_semaphore, #tpu.memory_space<semaphore_mem>>) src(%dma_wait3A_310 : memref<512x16xf32, #tpu.memory_space<hbm>>) dst(%dma_wait3A_305 : memref<128x16xf32, #tpu.memory_space<vmem>>)
    %dma_wait3A_311 = arith.constant 256 : i32
    %dma_wait3A_312 = arith.constant 0 : i32
    %dma_wait3A_313 = tpu.memref_slice %arg17[%dma_wait3A_311, %dma_wait3A_312] : memref<320x16xf32, #tpu.memory_space<vmem>> -> memref<64x16xf32, #tpu.memory_space<vmem>>
    %dma_wait3A_314 = arith.constant 256 : i32
    %dma_wait3A_315 = tpu.memref_slice %arg13[%dma_wait3A_314] : memref<320xi32, #tpu.memory_space<vmem>> -> memref<64xi32, #tpu.memory_space<vmem>>
    %dma_wait3A_316 = arith.constant 0 : i32
    %dma_wait3A_317 = arith.constant 0 : i32
    %dma_wait3A_318 = tpu.memref_slice %arg8[%dma_wait3A_316, %dma_wait3A_317] : memref<512x16xf32, #tpu.memory_space<hbm>> -> memref<512x16xf32, #tpu.memory_space<hbm>>
    tpu.wait_indirect_dma semaphore(%arg20 : memref<!tpu.dma_semaphore, #tpu.memory_space<semaphore_mem>>) src(%dma_wait3A_318 : memref<512x16xf32, #tpu.memory_space<hbm>>) dst(%dma_wait3A_313 : memref<64x16xf32, #tpu.memory_space<vmem>>)
    %dma_wait3A_319 = arith.constant 0 : i32
    %dma_wait3A_320 = arith.constant 0 : i32
    %dma_wait3A_321 = tpu.memref_slice %arg18[%dma_wait3A_319, %dma_wait3A_320] : memref<320x16xf32, #tpu.memory_space<vmem>> -> memref<128x16xf32, #tpu.memory_space<vmem>>
    %dma_wait3A_322 = arith.constant 0 : i32
    %dma_wait3A_323 = tpu.memref_slice %arg14[%dma_wait3A_322] : memref<320xi32, #tpu.memory_space<vmem>> -> memref<128xi32, #tpu.memory_space<vmem>>
    %dma_wait3A_324 = arith.constant 0 : i32
    %dma_wait3A_325 = arith.constant 0 : i32
    %dma_wait3A_326 = tpu.memref_slice %arg9[%dma_wait3A_324, %dma_wait3A_325] : memref<512x16xf32, #tpu.memory_space<hbm>> -> memref<512x16xf32, #tpu.memory_space<hbm>>
    tpu.wait_indirect_dma semaphore(%arg20 : memref<!tpu.dma_semaphore, #tpu.memory_space<semaphore_mem>>) src(%dma_wait3A_326 : memref<512x16xf32, #tpu.memory_space<hbm>>) dst(%dma_wait3A_321 : memref<128x16xf32, #tpu.memory_space<vmem>>)
    %dma_wait3A_327 = arith.constant 128 : i32
    %dma_wait3A_328 = arith.constant 0 : i32
    %dma_wait3A_329 = tpu.memref_slice %arg18[%dma_wait3A_327, %dma_wait3A_328] : memref<320x16xf32, #tpu.memory_space<vmem>> -> memref<128x16xf32, #tpu.memory_space<vmem>>
    %dma_wait3A_330 = arith.constant 128 : i32
    %dma_wait3A_331 = tpu.memref_slice %arg14[%dma_wait3A_330] : memref<320xi32, #tpu.memory_space<vmem>> -> memref<128xi32, #tpu.memory_space<vmem>>
    %dma_wait3A_332 = arith.constant 0 : i32
    %dma_wait3A_333 = arith.constant 0 : i32
    %dma_wait3A_334 = tpu.memref_slice %arg9[%dma_wait3A_332, %dma_wait3A_333] : memref<512x16xf32, #tpu.memory_space<hbm>> -> memref<512x16xf32, #tpu.memory_space<hbm>>
    tpu.wait_indirect_dma semaphore(%arg20 : memref<!tpu.dma_semaphore, #tpu.memory_space<semaphore_mem>>) src(%dma_wait3A_334 : memref<512x16xf32, #tpu.memory_space<hbm>>) dst(%dma_wait3A_329 : memref<128x16xf32, #tpu.memory_space<vmem>>)
    %dma_wait3A_335 = arith.constant 256 : i32
    %dma_wait3A_336 = arith.constant 0 : i32
    %dma_wait3A_337 = tpu.memref_slice %arg18[%dma_wait3A_335, %dma_wait3A_336] : memref<320x16xf32, #tpu.memory_space<vmem>> -> memref<64x16xf32, #tpu.memory_space<vmem>>
    %dma_wait3A_338 = arith.constant 256 : i32
    %dma_wait3A_339 = tpu.memref_slice %arg14[%dma_wait3A_338] : memref<320xi32, #tpu.memory_space<vmem>> -> memref<64xi32, #tpu.memory_space<vmem>>
    %dma_wait3A_340 = arith.constant 0 : i32
    %dma_wait3A_341 = arith.constant 0 : i32
    %dma_wait3A_342 = tpu.memref_slice %arg9[%dma_wait3A_340, %dma_wait3A_341] : memref<512x16xf32, #tpu.memory_space<hbm>> -> memref<512x16xf32, #tpu.memory_space<hbm>>
    tpu.wait_indirect_dma semaphore(%arg20 : memref<!tpu.dma_semaphore, #tpu.memory_space<semaphore_mem>>) src(%dma_wait3A_342 : memref<512x16xf32, #tpu.memory_space<hbm>>) dst(%dma_wait3A_337 : memref<64x16xf32, #tpu.memory_space<vmem>>)
    %mul3A_343 = arith.constant 128 : i32
    %mul3A_344 = arith.muli %add3A, %mul3A_343 : i32
    %mul3A_345 = arith.constant 200 : i32
    %mul3A_346 = arith.muli %mul3A_344, %mul3A_345 : i32
    %add3A_347 = arith.constant 0 : i32
    %add3A_348 = arith.addi %mul3A_346, %add3A_347 : i32
    %dma_start3A_349 = arith.constant 0 : i32
    %dma_start3A_350 = tpu.memref_slice %arg10[%add3A_348, %dma_start3A_349] : memref<819200x176xf32, #tpu.memory_space<hbm>> -> memref<320x128xf32, #tpu.memory_space<hbm>>
    %dma_start3A_351 = arith.constant 0 : i32
    %dma_start3A_352 = tpu.memref_slice %arg10[%add3A_348, %dma_start3A_351] : memref<819200x176xf32, #tpu.memory_space<hbm>> -> memref<320x128xf32, #tpu.memory_space<hbm>>
    tpu.enqueue_dma source(%arg15 : memref<320x128xf32, #tpu.memory_space<vmem>>) target(%dma_start3A_352 : memref<320x128xf32, #tpu.memory_space<hbm>>) target_semaphore(%arg21 : memref<!tpu.dma_semaphore, #tpu.memory_space<semaphore_mem>>)
    %dma_start3A_353 = arith.constant 128 : i32
    %dma_start3A_354 = tpu.memref_slice %arg10[%add3A_348, %dma_start3A_353] : memref<819200x176xf32, #tpu.memory_space<hbm>> -> memref<320x16xf32, #tpu.memory_space<hbm>>
    %dma_start3A_355 = arith.constant 128 : i32
    %dma_start3A_356 = tpu.memref_slice %arg10[%add3A_348, %dma_start3A_355] : memref<819200x176xf32, #tpu.memory_space<hbm>> -> memref<320x16xf32, #tpu.memory_space<hbm>>
    tpu.enqueue_dma source(%arg16 : memref<320x16xf32, #tpu.memory_space<vmem>>) target(%dma_start3A_356 : memref<320x16xf32, #tpu.memory_space<hbm>>) target_semaphore(%arg21 : memref<!tpu.dma_semaphore, #tpu.memory_space<semaphore_mem>>)
    %dma_start3A_357 = arith.constant 144 : i32
    %dma_start3A_358 = tpu.memref_slice %arg10[%add3A_348, %dma_start3A_357] : memref<819200x176xf32, #tpu.memory_space<hbm>> -> memref<320x16xf32, #tpu.memory_space<hbm>>
    %dma_start3A_359 = arith.constant 144 : i32
    %dma_start3A_360 = tpu.memref_slice %arg10[%add3A_348, %dma_start3A_359] : memref<819200x176xf32, #tpu.memory_space<hbm>> -> memref<320x16xf32, #tpu.memory_space<hbm>>
    tpu.enqueue_dma source(%arg17 : memref<320x16xf32, #tpu.memory_space<vmem>>) target(%dma_start3A_360 : memref<320x16xf32, #tpu.memory_space<hbm>>) target_semaphore(%arg21 : memref<!tpu.dma_semaphore, #tpu.memory_space<semaphore_mem>>)
    %dma_start3A_361 = arith.constant 160 : i32
    %dma_start3A_362 = tpu.memref_slice %arg10[%add3A_348, %dma_start3A_361] : memref<819200x176xf32, #tpu.memory_space<hbm>> -> memref<320x16xf32, #tpu.memory_space<hbm>>
    %dma_start3A_363 = arith.constant 160 : i32
    %dma_start3A_364 = tpu.memref_slice %arg10[%add3A_348, %dma_start3A_363] : memref<819200x176xf32, #tpu.memory_space<hbm>> -> memref<320x16xf32, #tpu.memory_space<hbm>>
    tpu.enqueue_dma source(%arg18 : memref<320x16xf32, #tpu.memory_space<vmem>>) target(%dma_start3A_364 : memref<320x16xf32, #tpu.memory_space<hbm>>) target_semaphore(%arg21 : memref<!tpu.dma_semaphore, #tpu.memory_space<semaphore_mem>>)
    %mul3A_365 = arith.constant 128 : i32
    %mul3A_366 = arith.muli %add3A, %mul3A_365 : i32
    %mul3A_367 = arith.constant 200 : i32
    %mul3A_368 = arith.muli %mul3A_366, %mul3A_367 : i32
    %add3A_369 = arith.constant 640 : i32
    %add3A_370 = arith.addi %mul3A_368, %add3A_369 : i32
    %dma_start3A_371 = tpu.memref_slice %arg2[%add3A_370] : memref<819200xi32, #tpu.memory_space<hbm>> -> memref<320xi32, #tpu.memory_space<hbm>>
    %dma_start3A_372 = tpu.memref_slice %arg2[%add3A_370] : memref<819200xi32, #tpu.memory_space<hbm>> -> memref<320xi32, #tpu.memory_space<hbm>>
    tpu.enqueue_dma source(%dma_start3A_372 : memref<320xi32, #tpu.memory_space<hbm>>) target(%arg11 : memref<320xi32, #tpu.memory_space<vmem>>) target_semaphore(%arg19 : memref<!tpu.dma_semaphore, #tpu.memory_space<semaphore_mem>>)
    %dma_start3A_373 = tpu.memref_slice %arg3[%add3A_370] : memref<819200xi32, #tpu.memory_space<hbm>> -> memref<320xi32, #tpu.memory_space<hbm>>
    %dma_start3A_374 = tpu.memref_slice %arg3[%add3A_370] : memref<819200xi32, #tpu.memory_space<hbm>> -> memref<320xi32, #tpu.memory_space<hbm>>
    tpu.enqueue_dma source(%dma_start3A_374 : memref<320xi32, #tpu.memory_space<hbm>>) target(%arg12 : memref<320xi32, #tpu.memory_space<vmem>>) target_semaphore(%arg19 : memref<!tpu.dma_semaphore, #tpu.memory_space<semaphore_mem>>)
    %dma_start3A_375 = tpu.memref_slice %arg4[%add3A_370] : memref<819200xi32, #tpu.memory_space<hbm>> -> memref<320xi32, #tpu.memory_space<hbm>>
    %dma_start3A_376 = tpu.memref_slice %arg4[%add3A_370] : memref<819200xi32, #tpu.memory_space<hbm>> -> memref<320xi32, #tpu.memory_space<hbm>>
    tpu.enqueue_dma source(%dma_start3A_376 : memref<320xi32, #tpu.memory_space<hbm>>) target(%arg13 : memref<320xi32, #tpu.memory_space<vmem>>) target_semaphore(%arg19 : memref<!tpu.dma_semaphore, #tpu.memory_space<semaphore_mem>>)
    %dma_start3A_377 = tpu.memref_slice %arg5[%add3A_370] : memref<819200xi32, #tpu.memory_space<hbm>> -> memref<320xi32, #tpu.memory_space<hbm>>
    %dma_start3A_378 = tpu.memref_slice %arg5[%add3A_370] : memref<819200xi32, #tpu.memory_space<hbm>> -> memref<320xi32, #tpu.memory_space<hbm>>
    tpu.enqueue_dma source(%dma_start3A_378 : memref<320xi32, #tpu.memory_space<hbm>>) target(%arg14 : memref<320xi32, #tpu.memory_space<vmem>>) target_semaphore(%arg19 : memref<!tpu.dma_semaphore, #tpu.memory_space<semaphore_mem>>)
    %scan3A = arith.constant 0 : i32
    %scan3A_379 = arith.constant 1 : i32
    %scan3A_380 = arith.constant 39 : i32
    %scan3A_381 = arith.addi %scan3A_379, %scan3A_380 : i32
    %scan3A_382 = arith.constant 1 : i32
    %scan3A_383 = scf.for %scan3A_547 = %scan3A_379 to %scan3A_381 step %scan3A_382 iter_args(%scan3A_548 = %scan3A) -> (i32)  : i32 {
      %mul3A_549 = arith.constant 2 : i32
      %mul3A_550 = arith.muli %mul3A_549, %scan3A_547 : i32
      %add3A_551 = arith.constant 1 : i32
      %add3A_552 = arith.addi %mul3A_550, %add3A_551 : i32
      %mul3A_553 = arith.constant 128 : i32
      %mul3A_554 = arith.muli %add3A, %mul3A_553 : i32
      %mul3A_555 = arith.constant 200 : i32
      %mul3A_556 = arith.muli %mul3A_554, %mul3A_555 : i32
      %mul3A_557 = arith.constant 320 : i32
      %mul3A_558 = arith.muli %mul3A_550, %mul3A_557 : i32
      %add3A_559 = arith.addi %mul3A_556, %mul3A_558 : i32
      %dma_wait3A_560 = tpu.memref_slice %arg2[%add3A_559] : memref<819200xi32, #tpu.memory_space<hbm>> -> memref<320xi32, #tpu.memory_space<hbm>>
      %dma_wait3A_561 = tpu.memref_slice %arg2[%add3A_559] : memref<819200xi32, #tpu.memory_space<hbm>> -> memref<320xi32, #tpu.memory_space<hbm>>
      tpu.wait_dma2 semaphore(%arg19 : memref<!tpu.dma_semaphore, #tpu.memory_space<semaphore_mem>>) src(%dma_wait3A_561 : memref<320xi32, #tpu.memory_space<hbm>>) dst(%arg11 : memref<320xi32, #tpu.memory_space<vmem>>)
      %dma_wait3A_562 = tpu.memref_slice %arg3[%add3A_559] : memref<819200xi32, #tpu.memory_space<hbm>> -> memref<320xi32, #tpu.memory_space<hbm>>
      %dma_wait3A_563 = tpu.memref_slice %arg3[%add3A_559] : memref<819200xi32, #tpu.memory_space<hbm>> -> memref<320xi32, #tpu.memory_space<hbm>>
      tpu.wait_dma2 semaphore(%arg19 : memref<!tpu.dma_semaphore, #tpu.memory_space<semaphore_mem>>) src(%dma_wait3A_563 : memref<320xi32, #tpu.memory_space<hbm>>) dst(%arg12 : memref<320xi32, #tpu.memory_space<vmem>>)
      %dma_wait3A_564 = tpu.memref_slice %arg4[%add3A_559] : memref<819200xi32, #tpu.memory_space<hbm>> -> memref<320xi32, #tpu.memory_space<hbm>>
      %dma_wait3A_565 = tpu.memref_slice %arg4[%add3A_559] : memref<819200xi32, #tpu.memory_space<hbm>> -> memref<320xi32, #tpu.memory_space<hbm>>
      tpu.wait_dma2 semaphore(%arg19 : memref<!tpu.dma_semaphore, #tpu.memory_space<semaphore_mem>>) src(%dma_wait3A_565 : memref<320xi32, #tpu.memory_space<hbm>>) dst(%arg13 : memref<320xi32, #tpu.memory_space<vmem>>)
      %dma_wait3A_566 = tpu.memref_slice %arg5[%add3A_559] : memref<819200xi32, #tpu.memory_space<hbm>> -> memref<320xi32, #tpu.memory_space<hbm>>
      %dma_wait3A_567 = tpu.memref_slice %arg5[%add3A_559] : memref<819200xi32, #tpu.memory_space<hbm>> -> memref<320xi32, #tpu.memory_space<hbm>>
      tpu.wait_dma2 semaphore(%arg19 : memref<!tpu.dma_semaphore, #tpu.memory_space<semaphore_mem>>) src(%dma_wait3A_567 : memref<320xi32, #tpu.memory_space<hbm>>) dst(%arg14 : memref<320xi32, #tpu.memory_space<vmem>>)
      %sub3A = arith.constant 2 : i32
      %sub3A_568 = arith.subi %mul3A_550, %sub3A : i32
      %mul3A_569 = arith.constant 128 : i32
      %mul3A_570 = arith.muli %add3A, %mul3A_569 : i32
      %mul3A_571 = arith.constant 200 : i32
      %mul3A_572 = arith.muli %mul3A_570, %mul3A_571 : i32
      %mul3A_573 = arith.constant 320 : i32
      %mul3A_574 = arith.muli %sub3A_568, %mul3A_573 : i32
      %add3A_575 = arith.addi %mul3A_572, %mul3A_574 : i32
      %dma_wait3A_576 = arith.constant 0 : i32
      %dma_wait3A_577 = tpu.memref_slice %arg10[%add3A_575, %dma_wait3A_576] : memref<819200x176xf32, #tpu.memory_space<hbm>> -> memref<320x128xf32, #tpu.memory_space<hbm>>
      %dma_wait3A_578 = arith.constant 0 : i32
      %dma_wait3A_579 = tpu.memref_slice %arg10[%add3A_575, %dma_wait3A_578] : memref<819200x176xf32, #tpu.memory_space<hbm>> -> memref<320x128xf32, #tpu.memory_space<hbm>>
      tpu.wait_dma2 semaphore(%arg21 : memref<!tpu.dma_semaphore, #tpu.memory_space<semaphore_mem>>) src(%arg15 : memref<320x128xf32, #tpu.memory_space<vmem>>) dst(%dma_wait3A_579 : memref<320x128xf32, #tpu.memory_space<hbm>>)
      %dma_wait3A_580 = arith.constant 128 : i32
      %dma_wait3A_581 = tpu.memref_slice %arg10[%add3A_575, %dma_wait3A_580] : memref<819200x176xf32, #tpu.memory_space<hbm>> -> memref<320x16xf32, #tpu.memory_space<hbm>>
      %dma_wait3A_582 = arith.constant 128 : i32
      %dma_wait3A_583 = tpu.memref_slice %arg10[%add3A_575, %dma_wait3A_582] : memref<819200x176xf32, #tpu.memory_space<hbm>> -> memref<320x16xf32, #tpu.memory_space<hbm>>
      tpu.wait_dma2 semaphore(%arg21 : memref<!tpu.dma_semaphore, #tpu.memory_space<semaphore_mem>>) src(%arg16 : memref<320x16xf32, #tpu.memory_space<vmem>>) dst(%dma_wait3A_583 : memref<320x16xf32, #tpu.memory_space<hbm>>)
      %dma_wait3A_584 = arith.constant 144 : i32
      %dma_wait3A_585 = tpu.memref_slice %arg10[%add3A_575, %dma_wait3A_584] : memref<819200x176xf32, #tpu.memory_space<hbm>> -> memref<320x16xf32, #tpu.memory_space<hbm>>
      %dma_wait3A_586 = arith.constant 144 : i32
      %dma_wait3A_587 = tpu.memref_slice %arg10[%add3A_575, %dma_wait3A_586] : memref<819200x176xf32, #tpu.memory_space<hbm>> -> memref<320x16xf32, #tpu.memory_space<hbm>>
      tpu.wait_dma2 semaphore(%arg21 : memref<!tpu.dma_semaphore, #tpu.memory_space<semaphore_mem>>) src(%arg17 : memref<320x16xf32, #tpu.memory_space<vmem>>) dst(%dma_wait3A_587 : memref<320x16xf32, #tpu.memory_space<hbm>>)
      %dma_wait3A_588 = arith.constant 160 : i32
      %dma_wait3A_589 = tpu.memref_slice %arg10[%add3A_575, %dma_wait3A_588] : memref<819200x176xf32, #tpu.memory_space<hbm>> -> memref<320x16xf32, #tpu.memory_space<hbm>>
      %dma_wait3A_590 = arith.constant 160 : i32
      %dma_wait3A_591 = tpu.memref_slice %arg10[%add3A_575, %dma_wait3A_590] : memref<819200x176xf32, #tpu.memory_space<hbm>> -> memref<320x16xf32, #tpu.memory_space<hbm>>
      tpu.wait_dma2 semaphore(%arg21 : memref<!tpu.dma_semaphore, #tpu.memory_space<semaphore_mem>>) src(%arg18 : memref<320x16xf32, #tpu.memory_space<vmem>>) dst(%dma_wait3A_591 : memref<320x16xf32, #tpu.memory_space<hbm>>)
      %dma_start3A_592 = arith.constant 0 : i32
      %dma_start3A_593 = arith.constant 0 : i32
      %dma_start3A_594 = tpu.memref_slice %arg15[%dma_start3A_592, %dma_start3A_593] : memref<320x128xf32, #tpu.memory_space<vmem>> -> memref<128x128xf32, #tpu.memory_space<vmem>>
      %dma_start3A_595 = arith.constant 0 : i32
      %dma_start3A_596 = tpu.memref_slice %arg11[%dma_start3A_595] : memref<320xi32, #tpu.memory_space<vmem>> -> memref<128xi32, #tpu.memory_space<vmem>>
      %dma_start3A_597 = arith.constant 0 : i32
      %dma_start3A_598 = arith.constant 0 : i32
      %dma_start3A_599 = tpu.memref_slice %arg6[%dma_start3A_597, %dma_start3A_598] : memref<100000x128xf32, #tpu.memory_space<hbm>> -> memref<100000x128xf32, #tpu.memory_space<hbm>>
      tpu.enqueue_indirect_dma source(%dma_start3A_599 : memref<100000x128xf32, #tpu.memory_space<hbm>>) target(%dma_start3A_594 : memref<128x128xf32, #tpu.memory_space<vmem>>) offsets(%dma_start3A_596 : memref<128xi32, #tpu.memory_space<vmem>>) semaphore(%arg20 : memref<!tpu.dma_semaphore, #tpu.memory_space<semaphore_mem>>)
      %dma_start3A_600 = arith.constant 128 : i32
      %dma_start3A_601 = arith.constant 0 : i32
      %dma_start3A_602 = tpu.memref_slice %arg15[%dma_start3A_600, %dma_start3A_601] : memref<320x128xf32, #tpu.memory_space<vmem>> -> memref<128x128xf32, #tpu.memory_space<vmem>>
      %dma_start3A_603 = arith.constant 128 : i32
      %dma_start3A_604 = tpu.memref_slice %arg11[%dma_start3A_603] : memref<320xi32, #tpu.memory_space<vmem>> -> memref<128xi32, #tpu.memory_space<vmem>>
      %dma_start3A_605 = arith.constant 0 : i32
      %dma_start3A_606 = arith.constant 0 : i32
      %dma_start3A_607 = tpu.memref_slice %arg6[%dma_start3A_605, %dma_start3A_606] : memref<100000x128xf32, #tpu.memory_space<hbm>> -> memref<100000x128xf32, #tpu.memory_space<hbm>>
      tpu.enqueue_indirect_dma source(%dma_start3A_607 : memref<100000x128xf32, #tpu.memory_space<hbm>>) target(%dma_start3A_602 : memref<128x128xf32, #tpu.memory_space<vmem>>) offsets(%dma_start3A_604 : memref<128xi32, #tpu.memory_space<vmem>>) semaphore(%arg20 : memref<!tpu.dma_semaphore, #tpu.memory_space<semaphore_mem>>)
      %dma_start3A_608 = arith.constant 256 : i32
      %dma_start3A_609 = arith.constant 0 : i32
      %dma_start3A_610 = tpu.memref_slice %arg15[%dma_start3A_608, %dma_start3A_609] : memref<320x128xf32, #tpu.memory_space<vmem>> -> memref<64x128xf32, #tpu.memory_space<vmem>>
      %dma_start3A_611 = arith.constant 256 : i32
      %dma_start3A_612 = tpu.memref_slice %arg11[%dma_start3A_611] : memref<320xi32, #tpu.memory_space<vmem>> -> memref<64xi32, #tpu.memory_space<vmem>>
      %dma_start3A_613 = arith.constant 0 : i32
      %dma_start3A_614 = arith.constant 0 : i32
      %dma_start3A_615 = tpu.memref_slice %arg6[%dma_start3A_613, %dma_start3A_614] : memref<100000x128xf32, #tpu.memory_space<hbm>> -> memref<100000x128xf32, #tpu.memory_space<hbm>>
      tpu.enqueue_indirect_dma source(%dma_start3A_615 : memref<100000x128xf32, #tpu.memory_space<hbm>>) target(%dma_start3A_610 : memref<64x128xf32, #tpu.memory_space<vmem>>) offsets(%dma_start3A_612 : memref<64xi32, #tpu.memory_space<vmem>>) semaphore(%arg20 : memref<!tpu.dma_semaphore, #tpu.memory_space<semaphore_mem>>)
      %dma_start3A_616 = arith.constant 0 : i32
      %dma_start3A_617 = arith.constant 0 : i32
      %dma_start3A_618 = tpu.memref_slice %arg16[%dma_start3A_616, %dma_start3A_617] : memref<320x16xf32, #tpu.memory_space<vmem>> -> memref<128x16xf32, #tpu.memory_space<vmem>>
      %dma_start3A_619 = arith.constant 0 : i32
      %dma_start3A_620 = tpu.memref_slice %arg12[%dma_start3A_619] : memref<320xi32, #tpu.memory_space<vmem>> -> memref<128xi32, #tpu.memory_space<vmem>>
      %dma_start3A_621 = arith.constant 0 : i32
      %dma_start3A_622 = arith.constant 0 : i32
      %dma_start3A_623 = tpu.memref_slice %arg7[%dma_start3A_621, %dma_start3A_622] : memref<50x16xf32, #tpu.memory_space<hbm>> -> memref<50x16xf32, #tpu.memory_space<hbm>>
      tpu.enqueue_indirect_dma source(%dma_start3A_623 : memref<50x16xf32, #tpu.memory_space<hbm>>) target(%dma_start3A_618 : memref<128x16xf32, #tpu.memory_space<vmem>>) offsets(%dma_start3A_620 : memref<128xi32, #tpu.memory_space<vmem>>) semaphore(%arg20 : memref<!tpu.dma_semaphore, #tpu.memory_space<semaphore_mem>>)
      %dma_start3A_624 = arith.constant 128 : i32
      %dma_start3A_625 = arith.constant 0 : i32
      %dma_start3A_626 = tpu.memref_slice %arg16[%dma_start3A_624, %dma_start3A_625] : memref<320x16xf32, #tpu.memory_space<vmem>> -> memref<128x16xf32, #tpu.memory_space<vmem>>
      %dma_start3A_627 = arith.constant 128 : i32
      %dma_start3A_628 = tpu.memref_slice %arg12[%dma_start3A_627] : memref<320xi32, #tpu.memory_space<vmem>> -> memref<128xi32, #tpu.memory_space<vmem>>
      %dma_start3A_629 = arith.constant 0 : i32
      %dma_start3A_630 = arith.constant 0 : i32
      %dma_start3A_631 = tpu.memref_slice %arg7[%dma_start3A_629, %dma_start3A_630] : memref<50x16xf32, #tpu.memory_space<hbm>> -> memref<50x16xf32, #tpu.memory_space<hbm>>
      tpu.enqueue_indirect_dma source(%dma_start3A_631 : memref<50x16xf32, #tpu.memory_space<hbm>>) target(%dma_start3A_626 : memref<128x16xf32, #tpu.memory_space<vmem>>) offsets(%dma_start3A_628 : memref<128xi32, #tpu.memory_space<vmem>>) semaphore(%arg20 : memref<!tpu.dma_semaphore, #tpu.memory_space<semaphore_mem>>)
      %dma_start3A_632 = arith.constant 256 : i32
      %dma_start3A_633 = arith.constant 0 : i32
      %dma_start3A_634 = tpu.memref_slice %arg16[%dma_start3A_632, %dma_start3A_633] : memref<320x16xf32, #tpu.memory_space<vmem>> -> memref<64x16xf32, #tpu.memory_space<vmem>>
      %dma_start3A_635 = arith.constant 256 : i32
      %dma_start3A_636 = tpu.memref_slice %arg12[%dma_start3A_635] : memref<320xi32, #tpu.memory_space<vmem>> -> memref<64xi32, #tpu.memory_space<vmem>>
      %dma_start3A_637 = arith.constant 0 : i32
      %dma_start3A_638 = arith.constant 0 : i32
      %dma_start3A_639 = tpu.memref_slice %arg7[%dma_start3A_637, %dma_start3A_638] : memref<50x16xf32, #tpu.memory_space<hbm>> -> memref<50x16xf32, #tpu.memory_space<hbm>>
      tpu.enqueue_indirect_dma source(%dma_start3A_639 : memref<50x16xf32, #tpu.memory_space<hbm>>) target(%dma_start3A_634 : memref<64x16xf32, #tpu.memory_space<vmem>>) offsets(%dma_start3A_636 : memref<64xi32, #tpu.memory_space<vmem>>) semaphore(%arg20 : memref<!tpu.dma_semaphore, #tpu.memory_space<semaphore_mem>>)
      %dma_start3A_640 = arith.constant 0 : i32
      %dma_start3A_641 = arith.constant 0 : i32
      %dma_start3A_642 = tpu.memref_slice %arg17[%dma_start3A_640, %dma_start3A_641] : memref<320x16xf32, #tpu.memory_space<vmem>> -> memref<128x16xf32, #tpu.memory_space<vmem>>
      %dma_start3A_643 = arith.constant 0 : i32
      %dma_start3A_644 = tpu.memref_slice %arg13[%dma_start3A_643] : memref<320xi32, #tpu.memory_space<vmem>> -> memref<128xi32, #tpu.memory_space<vmem>>
      %dma_start3A_645 = arith.constant 0 : i32
      %dma_start3A_646 = arith.constant 0 : i32
      %dma_start3A_647 = tpu.memref_slice %arg8[%dma_start3A_645, %dma_start3A_646] : memref<512x16xf32, #tpu.memory_space<hbm>> -> memref<512x16xf32, #tpu.memory_space<hbm>>
      tpu.enqueue_indirect_dma source(%dma_start3A_647 : memref<512x16xf32, #tpu.memory_space<hbm>>) target(%dma_start3A_642 : memref<128x16xf32, #tpu.memory_space<vmem>>) offsets(%dma_start3A_644 : memref<128xi32, #tpu.memory_space<vmem>>) semaphore(%arg20 : memref<!tpu.dma_semaphore, #tpu.memory_space<semaphore_mem>>)
      %dma_start3A_648 = arith.constant 128 : i32
      %dma_start3A_649 = arith.constant 0 : i32
      %dma_start3A_650 = tpu.memref_slice %arg17[%dma_start3A_648, %dma_start3A_649] : memref<320x16xf32, #tpu.memory_space<vmem>> -> memref<128x16xf32, #tpu.memory_space<vmem>>
      %dma_start3A_651 = arith.constant 128 : i32
      %dma_start3A_652 = tpu.memref_slice %arg13[%dma_start3A_651] : memref<320xi32, #tpu.memory_space<vmem>> -> memref<128xi32, #tpu.memory_space<vmem>>
      %dma_start3A_653 = arith.constant 0 : i32
      %dma_start3A_654 = arith.constant 0 : i32
      %dma_start3A_655 = tpu.memref_slice %arg8[%dma_start3A_653, %dma_start3A_654] : memref<512x16xf32, #tpu.memory_space<hbm>> -> memref<512x16xf32, #tpu.memory_space<hbm>>
      tpu.enqueue_indirect_dma source(%dma_start3A_655 : memref<512x16xf32, #tpu.memory_space<hbm>>) target(%dma_start3A_650 : memref<128x16xf32, #tpu.memory_space<vmem>>) offsets(%dma_start3A_652 : memref<128xi32, #tpu.memory_space<vmem>>) semaphore(%arg20 : memref<!tpu.dma_semaphore, #tpu.memory_space<semaphore_mem>>)
      %dma_start3A_656 = arith.constant 256 : i32
      %dma_start3A_657 = arith.constant 0 : i32
      %dma_start3A_658 = tpu.memref_slice %arg17[%dma_start3A_656, %dma_start3A_657] : memref<320x16xf32, #tpu.memory_space<vmem>> -> memref<64x16xf32, #tpu.memory_space<vmem>>
      %dma_start3A_659 = arith.constant 256 : i32
      %dma_start3A_660 = tpu.memref_slice %arg13[%dma_start3A_659] : memref<320xi32, #tpu.memory_space<vmem>> -> memref<64xi32, #tpu.memory_space<vmem>>
      %dma_start3A_661 = arith.constant 0 : i32
      %dma_start3A_662 = arith.constant 0 : i32
      %dma_start3A_663 = tpu.memref_slice %arg8[%dma_start3A_661, %dma_start3A_662] : memref<512x16xf32, #tpu.memory_space<hbm>> -> memref<512x16xf32, #tpu.memory_space<hbm>>
      tpu.enqueue_indirect_dma source(%dma_start3A_663 : memref<512x16xf32, #tpu.memory_space<hbm>>) target(%dma_start3A_658 : memref<64x16xf32, #tpu.memory_space<vmem>>) offsets(%dma_start3A_660 : memref<64xi32, #tpu.memory_space<vmem>>) semaphore(%arg20 : memref<!tpu.dma_semaphore, #tpu.memory_space<semaphore_mem>>)
      %dma_start3A_664 = arith.constant 0 : i32
      %dma_start3A_665 = arith.constant 0 : i32
      %dma_start3A_666 = tpu.memref_slice %arg18[%dma_start3A_664, %dma_start3A_665] : memref<320x16xf32, #tpu.memory_space<vmem>> -> memref<128x16xf32, #tpu.memory_space<vmem>>
      %dma_start3A_667 = arith.constant 0 : i32
      %dma_start3A_668 = tpu.memref_slice %arg14[%dma_start3A_667] : memref<320xi32, #tpu.memory_space<vmem>> -> memref<128xi32, #tpu.memory_space<vmem>>
      %dma_start3A_669 = arith.constant 0 : i32
      %dma_start3A_670 = arith.constant 0 : i32
      %dma_start3A_671 = tpu.memref_slice %arg9[%dma_start3A_669, %dma_start3A_670] : memref<512x16xf32, #tpu.memory_space<hbm>> -> memref<512x16xf32, #tpu.memory_space<hbm>>
      tpu.enqueue_indirect_dma source(%dma_start3A_671 : memref<512x16xf32, #tpu.memory_space<hbm>>) target(%dma_start3A_666 : memref<128x16xf32, #tpu.memory_space<vmem>>) offsets(%dma_start3A_668 : memref<128xi32, #tpu.memory_space<vmem>>) semaphore(%arg20 : memref<!tpu.dma_semaphore, #tpu.memory_space<semaphore_mem>>)
      %dma_start3A_672 = arith.constant 128 : i32
      %dma_start3A_673 = arith.constant 0 : i32
      %dma_start3A_674 = tpu.memref_slice %arg18[%dma_start3A_672, %dma_start3A_673] : memref<320x16xf32, #tpu.memory_space<vmem>> -> memref<128x16xf32, #tpu.memory_space<vmem>>
      %dma_start3A_675 = arith.constant 128 : i32
      %dma_start3A_676 = tpu.memref_slice %arg14[%dma_start3A_675] : memref<320xi32, #tpu.memory_space<vmem>> -> memref<128xi32, #tpu.memory_space<vmem>>
      %dma_start3A_677 = arith.constant 0 : i32
      %dma_start3A_678 = arith.constant 0 : i32
      %dma_start3A_679 = tpu.memref_slice %arg9[%dma_start3A_677, %dma_start3A_678] : memref<512x16xf32, #tpu.memory_space<hbm>> -> memref<512x16xf32, #tpu.memory_space<hbm>>
      tpu.enqueue_indirect_dma source(%dma_start3A_679 : memref<512x16xf32, #tpu.memory_space<hbm>>) target(%dma_start3A_674 : memref<128x16xf32, #tpu.memory_space<vmem>>) offsets(%dma_start3A_676 : memref<128xi32, #tpu.memory_space<vmem>>) semaphore(%arg20 : memref<!tpu.dma_semaphore, #tpu.memory_space<semaphore_mem>>)
      %dma_start3A_680 = arith.constant 256 : i32
      %dma_start3A_681 = arith.constant 0 : i32
      %dma_start3A_682 = tpu.memref_slice %arg18[%dma_start3A_680, %dma_start3A_681] : memref<320x16xf32, #tpu.memory_space<vmem>> -> memref<64x16xf32, #tpu.memory_space<vmem>>
      %dma_start3A_683 = arith.constant 256 : i32
      %dma_start3A_684 = tpu.memref_slice %arg14[%dma_start3A_683] : memref<320xi32, #tpu.memory_space<vmem>> -> memref<64xi32, #tpu.memory_space<vmem>>
      %dma_start3A_685 = arith.constant 0 : i32
      %dma_start3A_686 = arith.constant 0 : i32
      %dma_start3A_687 = tpu.memref_slice %arg9[%dma_start3A_685, %dma_start3A_686] : memref<512x16xf32, #tpu.memory_space<hbm>> -> memref<512x16xf32, #tpu.memory_space<hbm>>
      tpu.enqueue_indirect_dma source(%dma_start3A_687 : memref<512x16xf32, #tpu.memory_space<hbm>>) target(%dma_start3A_682 : memref<64x16xf32, #tpu.memory_space<vmem>>) offsets(%dma_start3A_684 : memref<64xi32, #tpu.memory_space<vmem>>) semaphore(%arg20 : memref<!tpu.dma_semaphore, #tpu.memory_space<semaphore_mem>>)
      %dma_wait3A_688 = arith.constant 0 : i32
      %dma_wait3A_689 = arith.constant 0 : i32
      %dma_wait3A_690 = tpu.memref_slice %arg26[%dma_wait3A_688, %dma_wait3A_689] : memref<320x128xf32, #tpu.memory_space<vmem>> -> memref<128x128xf32, #tpu.memory_space<vmem>>
      %dma_wait3A_691 = arith.constant 0 : i32
      %dma_wait3A_692 = tpu.memref_slice %arg22[%dma_wait3A_691] : memref<320xi32, #tpu.memory_space<vmem>> -> memref<128xi32, #tpu.memory_space<vmem>>
      %dma_wait3A_693 = arith.constant 0 : i32
      %dma_wait3A_694 = arith.constant 0 : i32
      %dma_wait3A_695 = tpu.memref_slice %arg6[%dma_wait3A_693, %dma_wait3A_694] : memref<100000x128xf32, #tpu.memory_space<hbm>> -> memref<100000x128xf32, #tpu.memory_space<hbm>>
      tpu.wait_indirect_dma semaphore(%arg31 : memref<!tpu.dma_semaphore, #tpu.memory_space<semaphore_mem>>) src(%dma_wait3A_695 : memref<100000x128xf32, #tpu.memory_space<hbm>>) dst(%dma_wait3A_690 : memref<128x128xf32, #tpu.memory_space<vmem>>)
      %dma_wait3A_696 = arith.constant 128 : i32
      %dma_wait3A_697 = arith.constant 0 : i32
      %dma_wait3A_698 = tpu.memref_slice %arg26[%dma_wait3A_696, %dma_wait3A_697] : memref<320x128xf32, #tpu.memory_space<vmem>> -> memref<128x128xf32, #tpu.memory_space<vmem>>
      %dma_wait3A_699 = arith.constant 128 : i32
      %dma_wait3A_700 = tpu.memref_slice %arg22[%dma_wait3A_699] : memref<320xi32, #tpu.memory_space<vmem>> -> memref<128xi32, #tpu.memory_space<vmem>>
      %dma_wait3A_701 = arith.constant 0 : i32
      %dma_wait3A_702 = arith.constant 0 : i32
      %dma_wait3A_703 = tpu.memref_slice %arg6[%dma_wait3A_701, %dma_wait3A_702] : memref<100000x128xf32, #tpu.memory_space<hbm>> -> memref<100000x128xf32, #tpu.memory_space<hbm>>
      tpu.wait_indirect_dma semaphore(%arg31 : memref<!tpu.dma_semaphore, #tpu.memory_space<semaphore_mem>>) src(%dma_wait3A_703 : memref<100000x128xf32, #tpu.memory_space<hbm>>) dst(%dma_wait3A_698 : memref<128x128xf32, #tpu.memory_space<vmem>>)
      %dma_wait3A_704 = arith.constant 256 : i32
      %dma_wait3A_705 = arith.constant 0 : i32
      %dma_wait3A_706 = tpu.memref_slice %arg26[%dma_wait3A_704, %dma_wait3A_705] : memref<320x128xf32, #tpu.memory_space<vmem>> -> memref<64x128xf32, #tpu.memory_space<vmem>>
      %dma_wait3A_707 = arith.constant 256 : i32
      %dma_wait3A_708 = tpu.memref_slice %arg22[%dma_wait3A_707] : memref<320xi32, #tpu.memory_space<vmem>> -> memref<64xi32, #tpu.memory_space<vmem>>
      %dma_wait3A_709 = arith.constant 0 : i32
      %dma_wait3A_710 = arith.constant 0 : i32
      %dma_wait3A_711 = tpu.memref_slice %arg6[%dma_wait3A_709, %dma_wait3A_710] : memref<100000x128xf32, #tpu.memory_space<hbm>> -> memref<100000x128xf32, #tpu.memory_space<hbm>>
      tpu.wait_indirect_dma semaphore(%arg31 : memref<!tpu.dma_semaphore, #tpu.memory_space<semaphore_mem>>) src(%dma_wait3A_711 : memref<100000x128xf32, #tpu.memory_space<hbm>>) dst(%dma_wait3A_706 : memref<64x128xf32, #tpu.memory_space<vmem>>)
      %dma_wait3A_712 = arith.constant 0 : i32
      %dma_wait3A_713 = arith.constant 0 : i32
      %dma_wait3A_714 = tpu.memref_slice %arg27[%dma_wait3A_712, %dma_wait3A_713] : memref<320x16xf32, #tpu.memory_space<vmem>> -> memref<128x16xf32, #tpu.memory_space<vmem>>
      %dma_wait3A_715 = arith.constant 0 : i32
      %dma_wait3A_716 = tpu.memref_slice %arg23[%dma_wait3A_715] : memref<320xi32, #tpu.memory_space<vmem>> -> memref<128xi32, #tpu.memory_space<vmem>>
      %dma_wait3A_717 = arith.constant 0 : i32
      %dma_wait3A_718 = arith.constant 0 : i32
      %dma_wait3A_719 = tpu.memref_slice %arg7[%dma_wait3A_717, %dma_wait3A_718] : memref<50x16xf32, #tpu.memory_space<hbm>> -> memref<50x16xf32, #tpu.memory_space<hbm>>
      tpu.wait_indirect_dma semaphore(%arg31 : memref<!tpu.dma_semaphore, #tpu.memory_space<semaphore_mem>>) src(%dma_wait3A_719 : memref<50x16xf32, #tpu.memory_space<hbm>>) dst(%dma_wait3A_714 : memref<128x16xf32, #tpu.memory_space<vmem>>)
      %dma_wait3A_720 = arith.constant 128 : i32
      %dma_wait3A_721 = arith.constant 0 : i32
      %dma_wait3A_722 = tpu.memref_slice %arg27[%dma_wait3A_720, %dma_wait3A_721] : memref<320x16xf32, #tpu.memory_space<vmem>> -> memref<128x16xf32, #tpu.memory_space<vmem>>
      %dma_wait3A_723 = arith.constant 128 : i32
      %dma_wait3A_724 = tpu.memref_slice %arg23[%dma_wait3A_723] : memref<320xi32, #tpu.memory_space<vmem>> -> memref<128xi32, #tpu.memory_space<vmem>>
      %dma_wait3A_725 = arith.constant 0 : i32
      %dma_wait3A_726 = arith.constant 0 : i32
      %dma_wait3A_727 = tpu.memref_slice %arg7[%dma_wait3A_725, %dma_wait3A_726] : memref<50x16xf32, #tpu.memory_space<hbm>> -> memref<50x16xf32, #tpu.memory_space<hbm>>
      tpu.wait_indirect_dma semaphore(%arg31 : memref<!tpu.dma_semaphore, #tpu.memory_space<semaphore_mem>>) src(%dma_wait3A_727 : memref<50x16xf32, #tpu.memory_space<hbm>>) dst(%dma_wait3A_722 : memref<128x16xf32, #tpu.memory_space<vmem>>)
      %dma_wait3A_728 = arith.constant 256 : i32
      %dma_wait3A_729 = arith.constant 0 : i32
      %dma_wait3A_730 = tpu.memref_slice %arg27[%dma_wait3A_728, %dma_wait3A_729] : memref<320x16xf32, #tpu.memory_space<vmem>> -> memref<64x16xf32, #tpu.memory_space<vmem>>
      %dma_wait3A_731 = arith.constant 256 : i32
      %dma_wait3A_732 = tpu.memref_slice %arg23[%dma_wait3A_731] : memref<320xi32, #tpu.memory_space<vmem>> -> memref<64xi32, #tpu.memory_space<vmem>>
      %dma_wait3A_733 = arith.constant 0 : i32
      %dma_wait3A_734 = arith.constant 0 : i32
      %dma_wait3A_735 = tpu.memref_slice %arg7[%dma_wait3A_733, %dma_wait3A_734] : memref<50x16xf32, #tpu.memory_space<hbm>> -> memref<50x16xf32, #tpu.memory_space<hbm>>
      tpu.wait_indirect_dma semaphore(%arg31 : memref<!tpu.dma_semaphore, #tpu.memory_space<semaphore_mem>>) src(%dma_wait3A_735 : memref<50x16xf32, #tpu.memory_space<hbm>>) dst(%dma_wait3A_730 : memref<64x16xf32, #tpu.memory_space<vmem>>)
      %dma_wait3A_736 = arith.constant 0 : i32
      %dma_wait3A_737 = arith.constant 0 : i32
      %dma_wait3A_738 = tpu.memref_slice %arg28[%dma_wait3A_736, %dma_wait3A_737] : memref<320x16xf32, #tpu.memory_space<vmem>> -> memref<128x16xf32, #tpu.memory_space<vmem>>
      %dma_wait3A_739 = arith.constant 0 : i32
      %dma_wait3A_740 = tpu.memref_slice %arg24[%dma_wait3A_739] : memref<320xi32, #tpu.memory_space<vmem>> -> memref<128xi32, #tpu.memory_space<vmem>>
      %dma_wait3A_741 = arith.constant 0 : i32
      %dma_wait3A_742 = arith.constant 0 : i32
      %dma_wait3A_743 = tpu.memref_slice %arg8[%dma_wait3A_741, %dma_wait3A_742] : memref<512x16xf32, #tpu.memory_space<hbm>> -> memref<512x16xf32, #tpu.memory_space<hbm>>
      tpu.wait_indirect_dma semaphore(%arg31 : memref<!tpu.dma_semaphore, #tpu.memory_space<semaphore_mem>>) src(%dma_wait3A_743 : memref<512x16xf32, #tpu.memory_space<hbm>>) dst(%dma_wait3A_738 : memref<128x16xf32, #tpu.memory_space<vmem>>)
      %dma_wait3A_744 = arith.constant 128 : i32
      %dma_wait3A_745 = arith.constant 0 : i32
      %dma_wait3A_746 = tpu.memref_slice %arg28[%dma_wait3A_744, %dma_wait3A_745] : memref<320x16xf32, #tpu.memory_space<vmem>> -> memref<128x16xf32, #tpu.memory_space<vmem>>
      %dma_wait3A_747 = arith.constant 128 : i32
      %dma_wait3A_748 = tpu.memref_slice %arg24[%dma_wait3A_747] : memref<320xi32, #tpu.memory_space<vmem>> -> memref<128xi32, #tpu.memory_space<vmem>>
      %dma_wait3A_749 = arith.constant 0 : i32
      %dma_wait3A_750 = arith.constant 0 : i32
      %dma_wait3A_751 = tpu.memref_slice %arg8[%dma_wait3A_749, %dma_wait3A_750] : memref<512x16xf32, #tpu.memory_space<hbm>> -> memref<512x16xf32, #tpu.memory_space<hbm>>
      tpu.wait_indirect_dma semaphore(%arg31 : memref<!tpu.dma_semaphore, #tpu.memory_space<semaphore_mem>>) src(%dma_wait3A_751 : memref<512x16xf32, #tpu.memory_space<hbm>>) dst(%dma_wait3A_746 : memref<128x16xf32, #tpu.memory_space<vmem>>)
      %dma_wait3A_752 = arith.constant 256 : i32
      %dma_wait3A_753 = arith.constant 0 : i32
      %dma_wait3A_754 = tpu.memref_slice %arg28[%dma_wait3A_752, %dma_wait3A_753] : memref<320x16xf32, #tpu.memory_space<vmem>> -> memref<64x16xf32, #tpu.memory_space<vmem>>
      %dma_wait3A_755 = arith.constant 256 : i32
      %dma_wait3A_756 = tpu.memref_slice %arg24[%dma_wait3A_755] : memref<320xi32, #tpu.memory_space<vmem>> -> memref<64xi32, #tpu.memory_space<vmem>>
      %dma_wait3A_757 = arith.constant 0 : i32
      %dma_wait3A_758 = arith.constant 0 : i32
      %dma_wait3A_759 = tpu.memref_slice %arg8[%dma_wait3A_757, %dma_wait3A_758] : memref<512x16xf32, #tpu.memory_space<hbm>> -> memref<512x16xf32, #tpu.memory_space<hbm>>
      tpu.wait_indirect_dma semaphore(%arg31 : memref<!tpu.dma_semaphore, #tpu.memory_space<semaphore_mem>>) src(%dma_wait3A_759 : memref<512x16xf32, #tpu.memory_space<hbm>>) dst(%dma_wait3A_754 : memref<64x16xf32, #tpu.memory_space<vmem>>)
      %dma_wait3A_760 = arith.constant 0 : i32
      %dma_wait3A_761 = arith.constant 0 : i32
      %dma_wait3A_762 = tpu.memref_slice %arg29[%dma_wait3A_760, %dma_wait3A_761] : memref<320x16xf32, #tpu.memory_space<vmem>> -> memref<128x16xf32, #tpu.memory_space<vmem>>
      %dma_wait3A_763 = arith.constant 0 : i32
      %dma_wait3A_764 = tpu.memref_slice %arg25[%dma_wait3A_763] : memref<320xi32, #tpu.memory_space<vmem>> -> memref<128xi32, #tpu.memory_space<vmem>>
      %dma_wait3A_765 = arith.constant 0 : i32
      %dma_wait3A_766 = arith.constant 0 : i32
      %dma_wait3A_767 = tpu.memref_slice %arg9[%dma_wait3A_765, %dma_wait3A_766] : memref<512x16xf32, #tpu.memory_space<hbm>> -> memref<512x16xf32, #tpu.memory_space<hbm>>
      tpu.wait_indirect_dma semaphore(%arg31 : memref<!tpu.dma_semaphore, #tpu.memory_space<semaphore_mem>>) src(%dma_wait3A_767 : memref<512x16xf32, #tpu.memory_space<hbm>>) dst(%dma_wait3A_762 : memref<128x16xf32, #tpu.memory_space<vmem>>)
      %dma_wait3A_768 = arith.constant 128 : i32
      %dma_wait3A_769 = arith.constant 0 : i32
      %dma_wait3A_770 = tpu.memref_slice %arg29[%dma_wait3A_768, %dma_wait3A_769] : memref<320x16xf32, #tpu.memory_space<vmem>> -> memref<128x16xf32, #tpu.memory_space<vmem>>
      %dma_wait3A_771 = arith.constant 128 : i32
      %dma_wait3A_772 = tpu.memref_slice %arg25[%dma_wait3A_771] : memref<320xi32, #tpu.memory_space<vmem>> -> memref<128xi32, #tpu.memory_space<vmem>>
      %dma_wait3A_773 = arith.constant 0 : i32
      %dma_wait3A_774 = arith.constant 0 : i32
      %dma_wait3A_775 = tpu.memref_slice %arg9[%dma_wait3A_773, %dma_wait3A_774] : memref<512x16xf32, #tpu.memory_space<hbm>> -> memref<512x16xf32, #tpu.memory_space<hbm>>
      tpu.wait_indirect_dma semaphore(%arg31 : memref<!tpu.dma_semaphore, #tpu.memory_space<semaphore_mem>>) src(%dma_wait3A_775 : memref<512x16xf32, #tpu.memory_space<hbm>>) dst(%dma_wait3A_770 : memref<128x16xf32, #tpu.memory_space<vmem>>)
      %dma_wait3A_776 = arith.constant 256 : i32
      %dma_wait3A_777 = arith.constant 0 : i32
      %dma_wait3A_778 = tpu.memref_slice %arg29[%dma_wait3A_776, %dma_wait3A_777] : memref<320x16xf32, #tpu.memory_space<vmem>> -> memref<64x16xf32, #tpu.memory_space<vmem>>
      %dma_wait3A_779 = arith.constant 256 : i32
      %dma_wait3A_780 = tpu.memref_slice %arg25[%dma_wait3A_779] : memref<320xi32, #tpu.memory_space<vmem>> -> memref<64xi32, #tpu.memory_space<vmem>>
      %dma_wait3A_781 = arith.constant 0 : i32
      %dma_wait3A_782 = arith.constant 0 : i32
      %dma_wait3A_783 = tpu.memref_slice %arg9[%dma_wait3A_781, %dma_wait3A_782] : memref<512x16xf32, #tpu.memory_space<hbm>> -> memref<512x16xf32, #tpu.memory_space<hbm>>
      tpu.wait_indirect_dma semaphore(%arg31 : memref<!tpu.dma_semaphore, #tpu.memory_space<semaphore_mem>>) src(%dma_wait3A_783 : memref<512x16xf32, #tpu.memory_space<hbm>>) dst(%dma_wait3A_778 : memref<64x16xf32, #tpu.memory_space<vmem>>)
      %sub3A_784 = arith.constant 2 : i32
      %sub3A_785 = arith.subi %add3A_552, %sub3A_784 : i32
      %mul3A_786 = arith.constant 128 : i32
      %mul3A_787 = arith.muli %add3A, %mul3A_786 : i32
      %mul3A_788 = arith.constant 200 : i32
      %mul3A_789 = arith.muli %mul3A_787, %mul3A_788 : i32
      %mul3A_790 = arith.constant 320 : i32
      %mul3A_791 = arith.muli %sub3A_785, %mul3A_790 : i32
      %add3A_792 = arith.addi %mul3A_789, %mul3A_791 : i32
      %dma_start3A_793 = arith.constant 0 : i32
      %dma_start3A_794 = tpu.memref_slice %arg10[%add3A_792, %dma_start3A_793] : memref<819200x176xf32, #tpu.memory_space<hbm>> -> memref<320x128xf32, #tpu.memory_space<hbm>>
      %dma_start3A_795 = arith.constant 0 : i32
      %dma_start3A_796 = tpu.memref_slice %arg10[%add3A_792, %dma_start3A_795] : memref<819200x176xf32, #tpu.memory_space<hbm>> -> memref<320x128xf32, #tpu.memory_space<hbm>>
      tpu.enqueue_dma source(%arg26 : memref<320x128xf32, #tpu.memory_space<vmem>>) target(%dma_start3A_796 : memref<320x128xf32, #tpu.memory_space<hbm>>) target_semaphore(%arg32 : memref<!tpu.dma_semaphore, #tpu.memory_space<semaphore_mem>>)
      %dma_start3A_797 = arith.constant 128 : i32
      %dma_start3A_798 = tpu.memref_slice %arg10[%add3A_792, %dma_start3A_797] : memref<819200x176xf32, #tpu.memory_space<hbm>> -> memref<320x16xf32, #tpu.memory_space<hbm>>
      %dma_start3A_799 = arith.constant 128 : i32
      %dma_start3A_800 = tpu.memref_slice %arg10[%add3A_792, %dma_start3A_799] : memref<819200x176xf32, #tpu.memory_space<hbm>> -> memref<320x16xf32, #tpu.memory_space<hbm>>
      tpu.enqueue_dma source(%arg27 : memref<320x16xf32, #tpu.memory_space<vmem>>) target(%dma_start3A_800 : memref<320x16xf32, #tpu.memory_space<hbm>>) target_semaphore(%arg32 : memref<!tpu.dma_semaphore, #tpu.memory_space<semaphore_mem>>)
      %dma_start3A_801 = arith.constant 144 : i32
      %dma_start3A_802 = tpu.memref_slice %arg10[%add3A_792, %dma_start3A_801] : memref<819200x176xf32, #tpu.memory_space<hbm>> -> memref<320x16xf32, #tpu.memory_space<hbm>>
      %dma_start3A_803 = arith.constant 144 : i32
      %dma_start3A_804 = tpu.memref_slice %arg10[%add3A_792, %dma_start3A_803] : memref<819200x176xf32, #tpu.memory_space<hbm>> -> memref<320x16xf32, #tpu.memory_space<hbm>>
      tpu.enqueue_dma source(%arg28 : memref<320x16xf32, #tpu.memory_space<vmem>>) target(%dma_start3A_804 : memref<320x16xf32, #tpu.memory_space<hbm>>) target_semaphore(%arg32 : memref<!tpu.dma_semaphore, #tpu.memory_space<semaphore_mem>>)
      %dma_start3A_805 = arith.constant 160 : i32
      %dma_start3A_806 = tpu.memref_slice %arg10[%add3A_792, %dma_start3A_805] : memref<819200x176xf32, #tpu.memory_space<hbm>> -> memref<320x16xf32, #tpu.memory_space<hbm>>
      %dma_start3A_807 = arith.constant 160 : i32
      %dma_start3A_808 = tpu.memref_slice %arg10[%add3A_792, %dma_start3A_807] : memref<819200x176xf32, #tpu.memory_space<hbm>> -> memref<320x16xf32, #tpu.memory_space<hbm>>
      tpu.enqueue_dma source(%arg29 : memref<320x16xf32, #tpu.memory_space<vmem>>) target(%dma_start3A_808 : memref<320x16xf32, #tpu.memory_space<hbm>>) target_semaphore(%arg32 : memref<!tpu.dma_semaphore, #tpu.memory_space<semaphore_mem>>)
      %mul3A_809 = arith.constant 128 : i32
      %mul3A_810 = arith.muli %add3A, %mul3A_809 : i32
      %mul3A_811 = arith.constant 200 : i32
      %mul3A_812 = arith.muli %mul3A_810, %mul3A_811 : i32
      %mul3A_813 = arith.constant 320 : i32
      %mul3A_814 = arith.muli %add3A_552, %mul3A_813 : i32
      %add3A_815 = arith.addi %mul3A_812, %mul3A_814 : i32
      %dma_start3A_816 = tpu.memref_slice %arg2[%add3A_815] : memref<819200xi32, #tpu.memory_space<hbm>> -> memref<320xi32, #tpu.memory_space<hbm>>
      %dma_start3A_817 = tpu.memref_slice %arg2[%add3A_815] : memref<819200xi32, #tpu.memory_space<hbm>> -> memref<320xi32, #tpu.memory_space<hbm>>
      tpu.enqueue_dma source(%dma_start3A_817 : memref<320xi32, #tpu.memory_space<hbm>>) target(%arg22 : memref<320xi32, #tpu.memory_space<vmem>>) target_semaphore(%arg30 : memref<!tpu.dma_semaphore, #tpu.memory_space<semaphore_mem>>)
      %dma_start3A_818 = tpu.memref_slice %arg3[%add3A_815] : memref<819200xi32, #tpu.memory_space<hbm>> -> memref<320xi32, #tpu.memory_space<hbm>>
      %dma_start3A_819 = tpu.memref_slice %arg3[%add3A_815] : memref<819200xi32, #tpu.memory_space<hbm>> -> memref<320xi32, #tpu.memory_space<hbm>>
      tpu.enqueue_dma source(%dma_start3A_819 : memref<320xi32, #tpu.memory_space<hbm>>) target(%arg23 : memref<320xi32, #tpu.memory_space<vmem>>) target_semaphore(%arg30 : memref<!tpu.dma_semaphore, #tpu.memory_space<semaphore_mem>>)
      %dma_start3A_820 = tpu.memref_slice %arg4[%add3A_815] : memref<819200xi32, #tpu.memory_space<hbm>> -> memref<320xi32, #tpu.memory_space<hbm>>
      %dma_start3A_821 = tpu.memref_slice %arg4[%add3A_815] : memref<819200xi32, #tpu.memory_space<hbm>> -> memref<320xi32, #tpu.memory_space<hbm>>
      tpu.enqueue_dma source(%dma_start3A_821 : memref<320xi32, #tpu.memory_space<hbm>>) target(%arg24 : memref<320xi32, #tpu.memory_space<vmem>>) target_semaphore(%arg30 : memref<!tpu.dma_semaphore, #tpu.memory_space<semaphore_mem>>)
      %dma_start3A_822 = tpu.memref_slice %arg5[%add3A_815] : memref<819200xi32, #tpu.memory_space<hbm>> -> memref<320xi32, #tpu.memory_space<hbm>>
      %dma_start3A_823 = tpu.memref_slice %arg5[%add3A_815] : memref<819200xi32, #tpu.memory_space<hbm>> -> memref<320xi32, #tpu.memory_space<hbm>>
      tpu.enqueue_dma source(%dma_start3A_823 : memref<320xi32, #tpu.memory_space<hbm>>) target(%arg25 : memref<320xi32, #tpu.memory_space<vmem>>) target_semaphore(%arg30 : memref<!tpu.dma_semaphore, #tpu.memory_space<semaphore_mem>>)
      %mul3A_824 = arith.constant 128 : i32
      %mul3A_825 = arith.muli %add3A, %mul3A_824 : i32
      %mul3A_826 = arith.constant 200 : i32
      %mul3A_827 = arith.muli %mul3A_825, %mul3A_826 : i32
      %mul3A_828 = arith.constant 320 : i32
      %mul3A_829 = arith.muli %add3A_552, %mul3A_828 : i32
      %add3A_830 = arith.addi %mul3A_827, %mul3A_829 : i32
      %dma_wait3A_831 = tpu.memref_slice %arg2[%add3A_830] : memref<819200xi32, #tpu.memory_space<hbm>> -> memref<320xi32, #tpu.memory_space<hbm>>
      %dma_wait3A_832 = tpu.memref_slice %arg2[%add3A_830] : memref<819200xi32, #tpu.memory_space<hbm>> -> memref<320xi32, #tpu.memory_space<hbm>>
      tpu.wait_dma2 semaphore(%arg30 : memref<!tpu.dma_semaphore, #tpu.memory_space<semaphore_mem>>) src(%dma_wait3A_832 : memref<320xi32, #tpu.memory_space<hbm>>) dst(%arg22 : memref<320xi32, #tpu.memory_space<vmem>>)
      %dma_wait3A_833 = tpu.memref_slice %arg3[%add3A_830] : memref<819200xi32, #tpu.memory_space<hbm>> -> memref<320xi32, #tpu.memory_space<hbm>>
      %dma_wait3A_834 = tpu.memref_slice %arg3[%add3A_830] : memref<819200xi32, #tpu.memory_space<hbm>> -> memref<320xi32, #tpu.memory_space<hbm>>
      tpu.wait_dma2 semaphore(%arg30 : memref<!tpu.dma_semaphore, #tpu.memory_space<semaphore_mem>>) src(%dma_wait3A_834 : memref<320xi32, #tpu.memory_space<hbm>>) dst(%arg23 : memref<320xi32, #tpu.memory_space<vmem>>)
      %dma_wait3A_835 = tpu.memref_slice %arg4[%add3A_830] : memref<819200xi32, #tpu.memory_space<hbm>> -> memref<320xi32, #tpu.memory_space<hbm>>
      %dma_wait3A_836 = tpu.memref_slice %arg4[%add3A_830] : memref<819200xi32, #tpu.memory_space<hbm>> -> memref<320xi32, #tpu.memory_space<hbm>>
      tpu.wait_dma2 semaphore(%arg30 : memref<!tpu.dma_semaphore, #tpu.memory_space<semaphore_mem>>) src(%dma_wait3A_836 : memref<320xi32, #tpu.memory_space<hbm>>) dst(%arg24 : memref<320xi32, #tpu.memory_space<vmem>>)
      %dma_wait3A_837 = tpu.memref_slice %arg5[%add3A_830] : memref<819200xi32, #tpu.memory_space<hbm>> -> memref<320xi32, #tpu.memory_space<hbm>>
      %dma_wait3A_838 = tpu.memref_slice %arg5[%add3A_830] : memref<819200xi32, #tpu.memory_space<hbm>> -> memref<320xi32, #tpu.memory_space<hbm>>
      tpu.wait_dma2 semaphore(%arg30 : memref<!tpu.dma_semaphore, #tpu.memory_space<semaphore_mem>>) src(%dma_wait3A_838 : memref<320xi32, #tpu.memory_space<hbm>>) dst(%arg25 : memref<320xi32, #tpu.memory_space<vmem>>)
      %sub3A_839 = arith.constant 2 : i32
      %sub3A_840 = arith.subi %add3A_552, %sub3A_839 : i32
      %mul3A_841 = arith.constant 128 : i32
      %mul3A_842 = arith.muli %add3A, %mul3A_841 : i32
      %mul3A_843 = arith.constant 200 : i32
      %mul3A_844 = arith.muli %mul3A_842, %mul3A_843 : i32
      %mul3A_845 = arith.constant 320 : i32
      %mul3A_846 = arith.muli %sub3A_840, %mul3A_845 : i32
      %add3A_847 = arith.addi %mul3A_844, %mul3A_846 : i32
      %dma_wait3A_848 = arith.constant 0 : i32
      %dma_wait3A_849 = tpu.memref_slice %arg10[%add3A_847, %dma_wait3A_848] : memref<819200x176xf32, #tpu.memory_space<hbm>> -> memref<320x128xf32, #tpu.memory_space<hbm>>
      %dma_wait3A_850 = arith.constant 0 : i32
      %dma_wait3A_851 = tpu.memref_slice %arg10[%add3A_847, %dma_wait3A_850] : memref<819200x176xf32, #tpu.memory_space<hbm>> -> memref<320x128xf32, #tpu.memory_space<hbm>>
      tpu.wait_dma2 semaphore(%arg32 : memref<!tpu.dma_semaphore, #tpu.memory_space<semaphore_mem>>) src(%arg26 : memref<320x128xf32, #tpu.memory_space<vmem>>) dst(%dma_wait3A_851 : memref<320x128xf32, #tpu.memory_space<hbm>>)
      %dma_wait3A_852 = arith.constant 128 : i32
      %dma_wait3A_853 = tpu.memref_slice %arg10[%add3A_847, %dma_wait3A_852] : memref<819200x176xf32, #tpu.memory_space<hbm>> -> memref<320x16xf32, #tpu.memory_space<hbm>>
      %dma_wait3A_854 = arith.constant 128 : i32
      %dma_wait3A_855 = tpu.memref_slice %arg10[%add3A_847, %dma_wait3A_854] : memref<819200x176xf32, #tpu.memory_space<hbm>> -> memref<320x16xf32, #tpu.memory_space<hbm>>
      tpu.wait_dma2 semaphore(%arg32 : memref<!tpu.dma_semaphore, #tpu.memory_space<semaphore_mem>>) src(%arg27 : memref<320x16xf32, #tpu.memory_space<vmem>>) dst(%dma_wait3A_855 : memref<320x16xf32, #tpu.memory_space<hbm>>)
      %dma_wait3A_856 = arith.constant 144 : i32
      %dma_wait3A_857 = tpu.memref_slice %arg10[%add3A_847, %dma_wait3A_856] : memref<819200x176xf32, #tpu.memory_space<hbm>> -> memref<320x16xf32, #tpu.memory_space<hbm>>
      %dma_wait3A_858 = arith.constant 144 : i32
      %dma_wait3A_859 = tpu.memref_slice %arg10[%add3A_847, %dma_wait3A_858] : memref<819200x176xf32, #tpu.memory_space<hbm>> -> memref<320x16xf32, #tpu.memory_space<hbm>>
      tpu.wait_dma2 semaphore(%arg32 : memref<!tpu.dma_semaphore, #tpu.memory_space<semaphore_mem>>) src(%arg28 : memref<320x16xf32, #tpu.memory_space<vmem>>) dst(%dma_wait3A_859 : memref<320x16xf32, #tpu.memory_space<hbm>>)
      %dma_wait3A_860 = arith.constant 160 : i32
      %dma_wait3A_861 = tpu.memref_slice %arg10[%add3A_847, %dma_wait3A_860] : memref<819200x176xf32, #tpu.memory_space<hbm>> -> memref<320x16xf32, #tpu.memory_space<hbm>>
      %dma_wait3A_862 = arith.constant 160 : i32
      %dma_wait3A_863 = tpu.memref_slice %arg10[%add3A_847, %dma_wait3A_862] : memref<819200x176xf32, #tpu.memory_space<hbm>> -> memref<320x16xf32, #tpu.memory_space<hbm>>
      tpu.wait_dma2 semaphore(%arg32 : memref<!tpu.dma_semaphore, #tpu.memory_space<semaphore_mem>>) src(%arg29 : memref<320x16xf32, #tpu.memory_space<vmem>>) dst(%dma_wait3A_863 : memref<320x16xf32, #tpu.memory_space<hbm>>)
      %dma_start3A_864 = arith.constant 0 : i32
      %dma_start3A_865 = arith.constant 0 : i32
      %dma_start3A_866 = tpu.memref_slice %arg26[%dma_start3A_864, %dma_start3A_865] : memref<320x128xf32, #tpu.memory_space<vmem>> -> memref<128x128xf32, #tpu.memory_space<vmem>>
      %dma_start3A_867 = arith.constant 0 : i32
      %dma_start3A_868 = tpu.memref_slice %arg22[%dma_start3A_867] : memref<320xi32, #tpu.memory_space<vmem>> -> memref<128xi32, #tpu.memory_space<vmem>>
      %dma_start3A_869 = arith.constant 0 : i32
      %dma_start3A_870 = arith.constant 0 : i32
      %dma_start3A_871 = tpu.memref_slice %arg6[%dma_start3A_869, %dma_start3A_870] : memref<100000x128xf32, #tpu.memory_space<hbm>> -> memref<100000x128xf32, #tpu.memory_space<hbm>>
      tpu.enqueue_indirect_dma source(%dma_start3A_871 : memref<100000x128xf32, #tpu.memory_space<hbm>>) target(%dma_start3A_866 : memref<128x128xf32, #tpu.memory_space<vmem>>) offsets(%dma_start3A_868 : memref<128xi32, #tpu.memory_space<vmem>>) semaphore(%arg31 : memref<!tpu.dma_semaphore, #tpu.memory_space<semaphore_mem>>)
      %dma_start3A_872 = arith.constant 128 : i32
      %dma_start3A_873 = arith.constant 0 : i32
      %dma_start3A_874 = tpu.memref_slice %arg26[%dma_start3A_872, %dma_start3A_873] : memref<320x128xf32, #tpu.memory_space<vmem>> -> memref<128x128xf32, #tpu.memory_space<vmem>>
      %dma_start3A_875 = arith.constant 128 : i32
      %dma_start3A_876 = tpu.memref_slice %arg22[%dma_start3A_875] : memref<320xi32, #tpu.memory_space<vmem>> -> memref<128xi32, #tpu.memory_space<vmem>>
      %dma_start3A_877 = arith.constant 0 : i32
      %dma_start3A_878 = arith.constant 0 : i32
      %dma_start3A_879 = tpu.memref_slice %arg6[%dma_start3A_877, %dma_start3A_878] : memref<100000x128xf32, #tpu.memory_space<hbm>> -> memref<100000x128xf32, #tpu.memory_space<hbm>>
      tpu.enqueue_indirect_dma source(%dma_start3A_879 : memref<100000x128xf32, #tpu.memory_space<hbm>>) target(%dma_start3A_874 : memref<128x128xf32, #tpu.memory_space<vmem>>) offsets(%dma_start3A_876 : memref<128xi32, #tpu.memory_space<vmem>>) semaphore(%arg31 : memref<!tpu.dma_semaphore, #tpu.memory_space<semaphore_mem>>)
      %dma_start3A_880 = arith.constant 256 : i32
      %dma_start3A_881 = arith.constant 0 : i32
      %dma_start3A_882 = tpu.memref_slice %arg26[%dma_start3A_880, %dma_start3A_881] : memref<320x128xf32, #tpu.memory_space<vmem>> -> memref<64x128xf32, #tpu.memory_space<vmem>>
      %dma_start3A_883 = arith.constant 256 : i32
      %dma_start3A_884 = tpu.memref_slice %arg22[%dma_start3A_883] : memref<320xi32, #tpu.memory_space<vmem>> -> memref<64xi32, #tpu.memory_space<vmem>>
      %dma_start3A_885 = arith.constant 0 : i32
      %dma_start3A_886 = arith.constant 0 : i32
      %dma_start3A_887 = tpu.memref_slice %arg6[%dma_start3A_885, %dma_start3A_886] : memref<100000x128xf32, #tpu.memory_space<hbm>> -> memref<100000x128xf32, #tpu.memory_space<hbm>>
      tpu.enqueue_indirect_dma source(%dma_start3A_887 : memref<100000x128xf32, #tpu.memory_space<hbm>>) target(%dma_start3A_882 : memref<64x128xf32, #tpu.memory_space<vmem>>) offsets(%dma_start3A_884 : memref<64xi32, #tpu.memory_space<vmem>>) semaphore(%arg31 : memref<!tpu.dma_semaphore, #tpu.memory_space<semaphore_mem>>)
      %dma_start3A_888 = arith.constant 0 : i32
      %dma_start3A_889 = arith.constant 0 : i32
      %dma_start3A_890 = tpu.memref_slice %arg27[%dma_start3A_888, %dma_start3A_889] : memref<320x16xf32, #tpu.memory_space<vmem>> -> memref<128x16xf32, #tpu.memory_space<vmem>>
      %dma_start3A_891 = arith.constant 0 : i32
      %dma_start3A_892 = tpu.memref_slice %arg23[%dma_start3A_891] : memref<320xi32, #tpu.memory_space<vmem>> -> memref<128xi32, #tpu.memory_space<vmem>>
      %dma_start3A_893 = arith.constant 0 : i32
      %dma_start3A_894 = arith.constant 0 : i32
      %dma_start3A_895 = tpu.memref_slice %arg7[%dma_start3A_893, %dma_start3A_894] : memref<50x16xf32, #tpu.memory_space<hbm>> -> memref<50x16xf32, #tpu.memory_space<hbm>>
      tpu.enqueue_indirect_dma source(%dma_start3A_895 : memref<50x16xf32, #tpu.memory_space<hbm>>) target(%dma_start3A_890 : memref<128x16xf32, #tpu.memory_space<vmem>>) offsets(%dma_start3A_892 : memref<128xi32, #tpu.memory_space<vmem>>) semaphore(%arg31 : memref<!tpu.dma_semaphore, #tpu.memory_space<semaphore_mem>>)
      %dma_start3A_896 = arith.constant 128 : i32
      %dma_start3A_897 = arith.constant 0 : i32
      %dma_start3A_898 = tpu.memref_slice %arg27[%dma_start3A_896, %dma_start3A_897] : memref<320x16xf32, #tpu.memory_space<vmem>> -> memref<128x16xf32, #tpu.memory_space<vmem>>
      %dma_start3A_899 = arith.constant 128 : i32
      %dma_start3A_900 = tpu.memref_slice %arg23[%dma_start3A_899] : memref<320xi32, #tpu.memory_space<vmem>> -> memref<128xi32, #tpu.memory_space<vmem>>
      %dma_start3A_901 = arith.constant 0 : i32
      %dma_start3A_902 = arith.constant 0 : i32
      %dma_start3A_903 = tpu.memref_slice %arg7[%dma_start3A_901, %dma_start3A_902] : memref<50x16xf32, #tpu.memory_space<hbm>> -> memref<50x16xf32, #tpu.memory_space<hbm>>
      tpu.enqueue_indirect_dma source(%dma_start3A_903 : memref<50x16xf32, #tpu.memory_space<hbm>>) target(%dma_start3A_898 : memref<128x16xf32, #tpu.memory_space<vmem>>) offsets(%dma_start3A_900 : memref<128xi32, #tpu.memory_space<vmem>>) semaphore(%arg31 : memref<!tpu.dma_semaphore, #tpu.memory_space<semaphore_mem>>)
      %dma_start3A_904 = arith.constant 256 : i32
      %dma_start3A_905 = arith.constant 0 : i32
      %dma_start3A_906 = tpu.memref_slice %arg27[%dma_start3A_904, %dma_start3A_905] : memref<320x16xf32, #tpu.memory_space<vmem>> -> memref<64x16xf32, #tpu.memory_space<vmem>>
      %dma_start3A_907 = arith.constant 256 : i32
      %dma_start3A_908 = tpu.memref_slice %arg23[%dma_start3A_907] : memref<320xi32, #tpu.memory_space<vmem>> -> memref<64xi32, #tpu.memory_space<vmem>>
      %dma_start3A_909 = arith.constant 0 : i32
      %dma_start3A_910 = arith.constant 0 : i32
      %dma_start3A_911 = tpu.memref_slice %arg7[%dma_start3A_909, %dma_start3A_910] : memref<50x16xf32, #tpu.memory_space<hbm>> -> memref<50x16xf32, #tpu.memory_space<hbm>>
      tpu.enqueue_indirect_dma source(%dma_start3A_911 : memref<50x16xf32, #tpu.memory_space<hbm>>) target(%dma_start3A_906 : memref<64x16xf32, #tpu.memory_space<vmem>>) offsets(%dma_start3A_908 : memref<64xi32, #tpu.memory_space<vmem>>) semaphore(%arg31 : memref<!tpu.dma_semaphore, #tpu.memory_space<semaphore_mem>>)
      %dma_start3A_912 = arith.constant 0 : i32
      %dma_start3A_913 = arith.constant 0 : i32
      %dma_start3A_914 = tpu.memref_slice %arg28[%dma_start3A_912, %dma_start3A_913] : memref<320x16xf32, #tpu.memory_space<vmem>> -> memref<128x16xf32, #tpu.memory_space<vmem>>
      %dma_start3A_915 = arith.constant 0 : i32
      %dma_start3A_916 = tpu.memref_slice %arg24[%dma_start3A_915] : memref<320xi32, #tpu.memory_space<vmem>> -> memref<128xi32, #tpu.memory_space<vmem>>
      %dma_start3A_917 = arith.constant 0 : i32
      %dma_start3A_918 = arith.constant 0 : i32
      %dma_start3A_919 = tpu.memref_slice %arg8[%dma_start3A_917, %dma_start3A_918] : memref<512x16xf32, #tpu.memory_space<hbm>> -> memref<512x16xf32, #tpu.memory_space<hbm>>
      tpu.enqueue_indirect_dma source(%dma_start3A_919 : memref<512x16xf32, #tpu.memory_space<hbm>>) target(%dma_start3A_914 : memref<128x16xf32, #tpu.memory_space<vmem>>) offsets(%dma_start3A_916 : memref<128xi32, #tpu.memory_space<vmem>>) semaphore(%arg31 : memref<!tpu.dma_semaphore, #tpu.memory_space<semaphore_mem>>)
      %dma_start3A_920 = arith.constant 128 : i32
      %dma_start3A_921 = arith.constant 0 : i32
      %dma_start3A_922 = tpu.memref_slice %arg28[%dma_start3A_920, %dma_start3A_921] : memref<320x16xf32, #tpu.memory_space<vmem>> -> memref<128x16xf32, #tpu.memory_space<vmem>>
      %dma_start3A_923 = arith.constant 128 : i32
      %dma_start3A_924 = tpu.memref_slice %arg24[%dma_start3A_923] : memref<320xi32, #tpu.memory_space<vmem>> -> memref<128xi32, #tpu.memory_space<vmem>>
      %dma_start3A_925 = arith.constant 0 : i32
      %dma_start3A_926 = arith.constant 0 : i32
      %dma_start3A_927 = tpu.memref_slice %arg8[%dma_start3A_925, %dma_start3A_926] : memref<512x16xf32, #tpu.memory_space<hbm>> -> memref<512x16xf32, #tpu.memory_space<hbm>>
      tpu.enqueue_indirect_dma source(%dma_start3A_927 : memref<512x16xf32, #tpu.memory_space<hbm>>) target(%dma_start3A_922 : memref<128x16xf32, #tpu.memory_space<vmem>>) offsets(%dma_start3A_924 : memref<128xi32, #tpu.memory_space<vmem>>) semaphore(%arg31 : memref<!tpu.dma_semaphore, #tpu.memory_space<semaphore_mem>>)
      %dma_start3A_928 = arith.constant 256 : i32
      %dma_start3A_929 = arith.constant 0 : i32
      %dma_start3A_930 = tpu.memref_slice %arg28[%dma_start3A_928, %dma_start3A_929] : memref<320x16xf32, #tpu.memory_space<vmem>> -> memref<64x16xf32, #tpu.memory_space<vmem>>
      %dma_start3A_931 = arith.constant 256 : i32
      %dma_start3A_932 = tpu.memref_slice %arg24[%dma_start3A_931] : memref<320xi32, #tpu.memory_space<vmem>> -> memref<64xi32, #tpu.memory_space<vmem>>
      %dma_start3A_933 = arith.constant 0 : i32
      %dma_start3A_934 = arith.constant 0 : i32
      %dma_start3A_935 = tpu.memref_slice %arg8[%dma_start3A_933, %dma_start3A_934] : memref<512x16xf32, #tpu.memory_space<hbm>> -> memref<512x16xf32, #tpu.memory_space<hbm>>
      tpu.enqueue_indirect_dma source(%dma_start3A_935 : memref<512x16xf32, #tpu.memory_space<hbm>>) target(%dma_start3A_930 : memref<64x16xf32, #tpu.memory_space<vmem>>) offsets(%dma_start3A_932 : memref<64xi32, #tpu.memory_space<vmem>>) semaphore(%arg31 : memref<!tpu.dma_semaphore, #tpu.memory_space<semaphore_mem>>)
      %dma_start3A_936 = arith.constant 0 : i32
      %dma_start3A_937 = arith.constant 0 : i32
      %dma_start3A_938 = tpu.memref_slice %arg29[%dma_start3A_936, %dma_start3A_937] : memref<320x16xf32, #tpu.memory_space<vmem>> -> memref<128x16xf32, #tpu.memory_space<vmem>>
      %dma_start3A_939 = arith.constant 0 : i32
      %dma_start3A_940 = tpu.memref_slice %arg25[%dma_start3A_939] : memref<320xi32, #tpu.memory_space<vmem>> -> memref<128xi32, #tpu.memory_space<vmem>>
      %dma_start3A_941 = arith.constant 0 : i32
      %dma_start3A_942 = arith.constant 0 : i32
      %dma_start3A_943 = tpu.memref_slice %arg9[%dma_start3A_941, %dma_start3A_942] : memref<512x16xf32, #tpu.memory_space<hbm>> -> memref<512x16xf32, #tpu.memory_space<hbm>>
      tpu.enqueue_indirect_dma source(%dma_start3A_943 : memref<512x16xf32, #tpu.memory_space<hbm>>) target(%dma_start3A_938 : memref<128x16xf32, #tpu.memory_space<vmem>>) offsets(%dma_start3A_940 : memref<128xi32, #tpu.memory_space<vmem>>) semaphore(%arg31 : memref<!tpu.dma_semaphore, #tpu.memory_space<semaphore_mem>>)
      %dma_start3A_944 = arith.constant 128 : i32
      %dma_start3A_945 = arith.constant 0 : i32
      %dma_start3A_946 = tpu.memref_slice %arg29[%dma_start3A_944, %dma_start3A_945] : memref<320x16xf32, #tpu.memory_space<vmem>> -> memref<128x16xf32, #tpu.memory_space<vmem>>
      %dma_start3A_947 = arith.constant 128 : i32
      %dma_start3A_948 = tpu.memref_slice %arg25[%dma_start3A_947] : memref<320xi32, #tpu.memory_space<vmem>> -> memref<128xi32, #tpu.memory_space<vmem>>
      %dma_start3A_949 = arith.constant 0 : i32
      %dma_start3A_950 = arith.constant 0 : i32
      %dma_start3A_951 = tpu.memref_slice %arg9[%dma_start3A_949, %dma_start3A_950] : memref<512x16xf32, #tpu.memory_space<hbm>> -> memref<512x16xf32, #tpu.memory_space<hbm>>
      tpu.enqueue_indirect_dma source(%dma_start3A_951 : memref<512x16xf32, #tpu.memory_space<hbm>>) target(%dma_start3A_946 : memref<128x16xf32, #tpu.memory_space<vmem>>) offsets(%dma_start3A_948 : memref<128xi32, #tpu.memory_space<vmem>>) semaphore(%arg31 : memref<!tpu.dma_semaphore, #tpu.memory_space<semaphore_mem>>)
      %dma_start3A_952 = arith.constant 256 : i32
      %dma_start3A_953 = arith.constant 0 : i32
      %dma_start3A_954 = tpu.memref_slice %arg29[%dma_start3A_952, %dma_start3A_953] : memref<320x16xf32, #tpu.memory_space<vmem>> -> memref<64x16xf32, #tpu.memory_space<vmem>>
      %dma_start3A_955 = arith.constant 256 : i32
      %dma_start3A_956 = tpu.memref_slice %arg25[%dma_start3A_955] : memref<320xi32, #tpu.memory_space<vmem>> -> memref<64xi32, #tpu.memory_space<vmem>>
      %dma_start3A_957 = arith.constant 0 : i32
      %dma_start3A_958 = arith.constant 0 : i32
      %dma_start3A_959 = tpu.memref_slice %arg9[%dma_start3A_957, %dma_start3A_958] : memref<512x16xf32, #tpu.memory_space<hbm>> -> memref<512x16xf32, #tpu.memory_space<hbm>>
      tpu.enqueue_indirect_dma source(%dma_start3A_959 : memref<512x16xf32, #tpu.memory_space<hbm>>) target(%dma_start3A_954 : memref<64x16xf32, #tpu.memory_space<vmem>>) offsets(%dma_start3A_956 : memref<64xi32, #tpu.memory_space<vmem>>) semaphore(%arg31 : memref<!tpu.dma_semaphore, #tpu.memory_space<semaphore_mem>>)
      %dma_wait3A_960 = arith.constant 0 : i32
      %dma_wait3A_961 = arith.constant 0 : i32
      %dma_wait3A_962 = tpu.memref_slice %arg15[%dma_wait3A_960, %dma_wait3A_961] : memref<320x128xf32, #tpu.memory_space<vmem>> -> memref<128x128xf32, #tpu.memory_space<vmem>>
      %dma_wait3A_963 = arith.constant 0 : i32
      %dma_wait3A_964 = tpu.memref_slice %arg11[%dma_wait3A_963] : memref<320xi32, #tpu.memory_space<vmem>> -> memref<128xi32, #tpu.memory_space<vmem>>
      %dma_wait3A_965 = arith.constant 0 : i32
      %dma_wait3A_966 = arith.constant 0 : i32
      %dma_wait3A_967 = tpu.memref_slice %arg6[%dma_wait3A_965, %dma_wait3A_966] : memref<100000x128xf32, #tpu.memory_space<hbm>> -> memref<100000x128xf32, #tpu.memory_space<hbm>>
      tpu.wait_indirect_dma semaphore(%arg20 : memref<!tpu.dma_semaphore, #tpu.memory_space<semaphore_mem>>) src(%dma_wait3A_967 : memref<100000x128xf32, #tpu.memory_space<hbm>>) dst(%dma_wait3A_962 : memref<128x128xf32, #tpu.memory_space<vmem>>)
      %dma_wait3A_968 = arith.constant 128 : i32
      %dma_wait3A_969 = arith.constant 0 : i32
      %dma_wait3A_970 = tpu.memref_slice %arg15[%dma_wait3A_968, %dma_wait3A_969] : memref<320x128xf32, #tpu.memory_space<vmem>> -> memref<128x128xf32, #tpu.memory_space<vmem>>
      %dma_wait3A_971 = arith.constant 128 : i32
      %dma_wait3A_972 = tpu.memref_slice %arg11[%dma_wait3A_971] : memref<320xi32, #tpu.memory_space<vmem>> -> memref<128xi32, #tpu.memory_space<vmem>>
      %dma_wait3A_973 = arith.constant 0 : i32
      %dma_wait3A_974 = arith.constant 0 : i32
      %dma_wait3A_975 = tpu.memref_slice %arg6[%dma_wait3A_973, %dma_wait3A_974] : memref<100000x128xf32, #tpu.memory_space<hbm>> -> memref<100000x128xf32, #tpu.memory_space<hbm>>
      tpu.wait_indirect_dma semaphore(%arg20 : memref<!tpu.dma_semaphore, #tpu.memory_space<semaphore_mem>>) src(%dma_wait3A_975 : memref<100000x128xf32, #tpu.memory_space<hbm>>) dst(%dma_wait3A_970 : memref<128x128xf32, #tpu.memory_space<vmem>>)
      %dma_wait3A_976 = arith.constant 256 : i32
      %dma_wait3A_977 = arith.constant 0 : i32
      %dma_wait3A_978 = tpu.memref_slice %arg15[%dma_wait3A_976, %dma_wait3A_977] : memref<320x128xf32, #tpu.memory_space<vmem>> -> memref<64x128xf32, #tpu.memory_space<vmem>>
      %dma_wait3A_979 = arith.constant 256 : i32
      %dma_wait3A_980 = tpu.memref_slice %arg11[%dma_wait3A_979] : memref<320xi32, #tpu.memory_space<vmem>> -> memref<64xi32, #tpu.memory_space<vmem>>
      %dma_wait3A_981 = arith.constant 0 : i32
      %dma_wait3A_982 = arith.constant 0 : i32
      %dma_wait3A_983 = tpu.memref_slice %arg6[%dma_wait3A_981, %dma_wait3A_982] : memref<100000x128xf32, #tpu.memory_space<hbm>> -> memref<100000x128xf32, #tpu.memory_space<hbm>>
      tpu.wait_indirect_dma semaphore(%arg20 : memref<!tpu.dma_semaphore, #tpu.memory_space<semaphore_mem>>) src(%dma_wait3A_983 : memref<100000x128xf32, #tpu.memory_space<hbm>>) dst(%dma_wait3A_978 : memref<64x128xf32, #tpu.memory_space<vmem>>)
      %dma_wait3A_984 = arith.constant 0 : i32
      %dma_wait3A_985 = arith.constant 0 : i32
      %dma_wait3A_986 = tpu.memref_slice %arg16[%dma_wait3A_984, %dma_wait3A_985] : memref<320x16xf32, #tpu.memory_space<vmem>> -> memref<128x16xf32, #tpu.memory_space<vmem>>
      %dma_wait3A_987 = arith.constant 0 : i32
      %dma_wait3A_988 = tpu.memref_slice %arg12[%dma_wait3A_987] : memref<320xi32, #tpu.memory_space<vmem>> -> memref<128xi32, #tpu.memory_space<vmem>>
      %dma_wait3A_989 = arith.constant 0 : i32
      %dma_wait3A_990 = arith.constant 0 : i32
      %dma_wait3A_991 = tpu.memref_slice %arg7[%dma_wait3A_989, %dma_wait3A_990] : memref<50x16xf32, #tpu.memory_space<hbm>> -> memref<50x16xf32, #tpu.memory_space<hbm>>
      tpu.wait_indirect_dma semaphore(%arg20 : memref<!tpu.dma_semaphore, #tpu.memory_space<semaphore_mem>>) src(%dma_wait3A_991 : memref<50x16xf32, #tpu.memory_space<hbm>>) dst(%dma_wait3A_986 : memref<128x16xf32, #tpu.memory_space<vmem>>)
      %dma_wait3A_992 = arith.constant 128 : i32
      %dma_wait3A_993 = arith.constant 0 : i32
      %dma_wait3A_994 = tpu.memref_slice %arg16[%dma_wait3A_992, %dma_wait3A_993] : memref<320x16xf32, #tpu.memory_space<vmem>> -> memref<128x16xf32, #tpu.memory_space<vmem>>
      %dma_wait3A_995 = arith.constant 128 : i32
      %dma_wait3A_996 = tpu.memref_slice %arg12[%dma_wait3A_995] : memref<320xi32, #tpu.memory_space<vmem>> -> memref<128xi32, #tpu.memory_space<vmem>>
      %dma_wait3A_997 = arith.constant 0 : i32
      %dma_wait3A_998 = arith.constant 0 : i32
      %dma_wait3A_999 = tpu.memref_slice %arg7[%dma_wait3A_997, %dma_wait3A_998] : memref<50x16xf32, #tpu.memory_space<hbm>> -> memref<50x16xf32, #tpu.memory_space<hbm>>
      tpu.wait_indirect_dma semaphore(%arg20 : memref<!tpu.dma_semaphore, #tpu.memory_space<semaphore_mem>>) src(%dma_wait3A_999 : memref<50x16xf32, #tpu.memory_space<hbm>>) dst(%dma_wait3A_994 : memref<128x16xf32, #tpu.memory_space<vmem>>)
      %dma_wait3A_1000 = arith.constant 256 : i32
      %dma_wait3A_1001 = arith.constant 0 : i32
      %dma_wait3A_1002 = tpu.memref_slice %arg16[%dma_wait3A_1000, %dma_wait3A_1001] : memref<320x16xf32, #tpu.memory_space<vmem>> -> memref<64x16xf32, #tpu.memory_space<vmem>>
      %dma_wait3A_1003 = arith.constant 256 : i32
      %dma_wait3A_1004 = tpu.memref_slice %arg12[%dma_wait3A_1003] : memref<320xi32, #tpu.memory_space<vmem>> -> memref<64xi32, #tpu.memory_space<vmem>>
      %dma_wait3A_1005 = arith.constant 0 : i32
      %dma_wait3A_1006 = arith.constant 0 : i32
      %dma_wait3A_1007 = tpu.memref_slice %arg7[%dma_wait3A_1005, %dma_wait3A_1006] : memref<50x16xf32, #tpu.memory_space<hbm>> -> memref<50x16xf32, #tpu.memory_space<hbm>>
      tpu.wait_indirect_dma semaphore(%arg20 : memref<!tpu.dma_semaphore, #tpu.memory_space<semaphore_mem>>) src(%dma_wait3A_1007 : memref<50x16xf32, #tpu.memory_space<hbm>>) dst(%dma_wait3A_1002 : memref<64x16xf32, #tpu.memory_space<vmem>>)
      %dma_wait3A_1008 = arith.constant 0 : i32
      %dma_wait3A_1009 = arith.constant 0 : i32
      %dma_wait3A_1010 = tpu.memref_slice %arg17[%dma_wait3A_1008, %dma_wait3A_1009] : memref<320x16xf32, #tpu.memory_space<vmem>> -> memref<128x16xf32, #tpu.memory_space<vmem>>
      %dma_wait3A_1011 = arith.constant 0 : i32
      %dma_wait3A_1012 = tpu.memref_slice %arg13[%dma_wait3A_1011] : memref<320xi32, #tpu.memory_space<vmem>> -> memref<128xi32, #tpu.memory_space<vmem>>
      %dma_wait3A_1013 = arith.constant 0 : i32
      %dma_wait3A_1014 = arith.constant 0 : i32
      %dma_wait3A_1015 = tpu.memref_slice %arg8[%dma_wait3A_1013, %dma_wait3A_1014] : memref<512x16xf32, #tpu.memory_space<hbm>> -> memref<512x16xf32, #tpu.memory_space<hbm>>
      tpu.wait_indirect_dma semaphore(%arg20 : memref<!tpu.dma_semaphore, #tpu.memory_space<semaphore_mem>>) src(%dma_wait3A_1015 : memref<512x16xf32, #tpu.memory_space<hbm>>) dst(%dma_wait3A_1010 : memref<128x16xf32, #tpu.memory_space<vmem>>)
      %dma_wait3A_1016 = arith.constant 128 : i32
      %dma_wait3A_1017 = arith.constant 0 : i32
      %dma_wait3A_1018 = tpu.memref_slice %arg17[%dma_wait3A_1016, %dma_wait3A_1017] : memref<320x16xf32, #tpu.memory_space<vmem>> -> memref<128x16xf32, #tpu.memory_space<vmem>>
      %dma_wait3A_1019 = arith.constant 128 : i32
      %dma_wait3A_1020 = tpu.memref_slice %arg13[%dma_wait3A_1019] : memref<320xi32, #tpu.memory_space<vmem>> -> memref<128xi32, #tpu.memory_space<vmem>>
      %dma_wait3A_1021 = arith.constant 0 : i32
      %dma_wait3A_1022 = arith.constant 0 : i32
      %dma_wait3A_1023 = tpu.memref_slice %arg8[%dma_wait3A_1021, %dma_wait3A_1022] : memref<512x16xf32, #tpu.memory_space<hbm>> -> memref<512x16xf32, #tpu.memory_space<hbm>>
      tpu.wait_indirect_dma semaphore(%arg20 : memref<!tpu.dma_semaphore, #tpu.memory_space<semaphore_mem>>) src(%dma_wait3A_1023 : memref<512x16xf32, #tpu.memory_space<hbm>>) dst(%dma_wait3A_1018 : memref<128x16xf32, #tpu.memory_space<vmem>>)
      %dma_wait3A_1024 = arith.constant 256 : i32
      %dma_wait3A_1025 = arith.constant 0 : i32
      %dma_wait3A_1026 = tpu.memref_slice %arg17[%dma_wait3A_1024, %dma_wait3A_1025] : memref<320x16xf32, #tpu.memory_space<vmem>> -> memref<64x16xf32, #tpu.memory_space<vmem>>
      %dma_wait3A_1027 = arith.constant 256 : i32
      %dma_wait3A_1028 = tpu.memref_slice %arg13[%dma_wait3A_1027] : memref<320xi32, #tpu.memory_space<vmem>> -> memref<64xi32, #tpu.memory_space<vmem>>
      %dma_wait3A_1029 = arith.constant 0 : i32
      %dma_wait3A_1030 = arith.constant 0 : i32
      %dma_wait3A_1031 = tpu.memref_slice %arg8[%dma_wait3A_1029, %dma_wait3A_1030] : memref<512x16xf32, #tpu.memory_space<hbm>> -> memref<512x16xf32, #tpu.memory_space<hbm>>
      tpu.wait_indirect_dma semaphore(%arg20 : memref<!tpu.dma_semaphore, #tpu.memory_space<semaphore_mem>>) src(%dma_wait3A_1031 : memref<512x16xf32, #tpu.memory_space<hbm>>) dst(%dma_wait3A_1026 : memref<64x16xf32, #tpu.memory_space<vmem>>)
      %dma_wait3A_1032 = arith.constant 0 : i32
      %dma_wait3A_1033 = arith.constant 0 : i32
      %dma_wait3A_1034 = tpu.memref_slice %arg18[%dma_wait3A_1032, %dma_wait3A_1033] : memref<320x16xf32, #tpu.memory_space<vmem>> -> memref<128x16xf32, #tpu.memory_space<vmem>>
      %dma_wait3A_1035 = arith.constant 0 : i32
      %dma_wait3A_1036 = tpu.memref_slice %arg14[%dma_wait3A_1035] : memref<320xi32, #tpu.memory_space<vmem>> -> memref<128xi32, #tpu.memory_space<vmem>>
      %dma_wait3A_1037 = arith.constant 0 : i32
      %dma_wait3A_1038 = arith.constant 0 : i32
      %dma_wait3A_1039 = tpu.memref_slice %arg9[%dma_wait3A_1037, %dma_wait3A_1038] : memref<512x16xf32, #tpu.memory_space<hbm>> -> memref<512x16xf32, #tpu.memory_space<hbm>>
      tpu.wait_indirect_dma semaphore(%arg20 : memref<!tpu.dma_semaphore, #tpu.memory_space<semaphore_mem>>) src(%dma_wait3A_1039 : memref<512x16xf32, #tpu.memory_space<hbm>>) dst(%dma_wait3A_1034 : memref<128x16xf32, #tpu.memory_space<vmem>>)
      %dma_wait3A_1040 = arith.constant 128 : i32
      %dma_wait3A_1041 = arith.constant 0 : i32
      %dma_wait3A_1042 = tpu.memref_slice %arg18[%dma_wait3A_1040, %dma_wait3A_1041] : memref<320x16xf32, #tpu.memory_space<vmem>> -> memref<128x16xf32, #tpu.memory_space<vmem>>
      %dma_wait3A_1043 = arith.constant 128 : i32
      %dma_wait3A_1044 = tpu.memref_slice %arg14[%dma_wait3A_1043] : memref<320xi32, #tpu.memory_space<vmem>> -> memref<128xi32, #tpu.memory_space<vmem>>
      %dma_wait3A_1045 = arith.constant 0 : i32
      %dma_wait3A_1046 = arith.constant 0 : i32
      %dma_wait3A_1047 = tpu.memref_slice %arg9[%dma_wait3A_1045, %dma_wait3A_1046] : memref<512x16xf32, #tpu.memory_space<hbm>> -> memref<512x16xf32, #tpu.memory_space<hbm>>
      tpu.wait_indirect_dma semaphore(%arg20 : memref<!tpu.dma_semaphore, #tpu.memory_space<semaphore_mem>>) src(%dma_wait3A_1047 : memref<512x16xf32, #tpu.memory_space<hbm>>) dst(%dma_wait3A_1042 : memref<128x16xf32, #tpu.memory_space<vmem>>)
      %dma_wait3A_1048 = arith.constant 256 : i32
      %dma_wait3A_1049 = arith.constant 0 : i32
      %dma_wait3A_1050 = tpu.memref_slice %arg18[%dma_wait3A_1048, %dma_wait3A_1049] : memref<320x16xf32, #tpu.memory_space<vmem>> -> memref<64x16xf32, #tpu.memory_space<vmem>>
      %dma_wait3A_1051 = arith.constant 256 : i32
      %dma_wait3A_1052 = tpu.memref_slice %arg14[%dma_wait3A_1051] : memref<320xi32, #tpu.memory_space<vmem>> -> memref<64xi32, #tpu.memory_space<vmem>>
      %dma_wait3A_1053 = arith.constant 0 : i32
      %dma_wait3A_1054 = arith.constant 0 : i32
      %dma_wait3A_1055 = tpu.memref_slice %arg9[%dma_wait3A_1053, %dma_wait3A_1054] : memref<512x16xf32, #tpu.memory_space<hbm>> -> memref<512x16xf32, #tpu.memory_space<hbm>>
      tpu.wait_indirect_dma semaphore(%arg20 : memref<!tpu.dma_semaphore, #tpu.memory_space<semaphore_mem>>) src(%dma_wait3A_1055 : memref<512x16xf32, #tpu.memory_space<hbm>>) dst(%dma_wait3A_1050 : memref<64x16xf32, #tpu.memory_space<vmem>>)
      %mul3A_1056 = arith.constant 128 : i32
      %mul3A_1057 = arith.muli %add3A, %mul3A_1056 : i32
      %mul3A_1058 = arith.constant 200 : i32
      %mul3A_1059 = arith.muli %mul3A_1057, %mul3A_1058 : i32
      %mul3A_1060 = arith.constant 320 : i32
      %mul3A_1061 = arith.muli %mul3A_550, %mul3A_1060 : i32
      %add3A_1062 = arith.addi %mul3A_1059, %mul3A_1061 : i32
      %dma_start3A_1063 = arith.constant 0 : i32
      %dma_start3A_1064 = tpu.memref_slice %arg10[%add3A_1062, %dma_start3A_1063] : memref<819200x176xf32, #tpu.memory_space<hbm>> -> memref<320x128xf32, #tpu.memory_space<hbm>>
      %dma_start3A_1065 = arith.constant 0 : i32
      %dma_start3A_1066 = tpu.memref_slice %arg10[%add3A_1062, %dma_start3A_1065] : memref<819200x176xf32, #tpu.memory_space<hbm>> -> memref<320x128xf32, #tpu.memory_space<hbm>>
      tpu.enqueue_dma source(%arg15 : memref<320x128xf32, #tpu.memory_space<vmem>>) target(%dma_start3A_1066 : memref<320x128xf32, #tpu.memory_space<hbm>>) target_semaphore(%arg21 : memref<!tpu.dma_semaphore, #tpu.memory_space<semaphore_mem>>)
      %dma_start3A_1067 = arith.constant 128 : i32
      %dma_start3A_1068 = tpu.memref_slice %arg10[%add3A_1062, %dma_start3A_1067] : memref<819200x176xf32, #tpu.memory_space<hbm>> -> memref<320x16xf32, #tpu.memory_space<hbm>>
      %dma_start3A_1069 = arith.constant 128 : i32
      %dma_start3A_1070 = tpu.memref_slice %arg10[%add3A_1062, %dma_start3A_1069] : memref<819200x176xf32, #tpu.memory_space<hbm>> -> memref<320x16xf32, #tpu.memory_space<hbm>>
      tpu.enqueue_dma source(%arg16 : memref<320x16xf32, #tpu.memory_space<vmem>>) target(%dma_start3A_1070 : memref<320x16xf32, #tpu.memory_space<hbm>>) target_semaphore(%arg21 : memref<!tpu.dma_semaphore, #tpu.memory_space<semaphore_mem>>)
      %dma_start3A_1071 = arith.constant 144 : i32
      %dma_start3A_1072 = tpu.memref_slice %arg10[%add3A_1062, %dma_start3A_1071] : memref<819200x176xf32, #tpu.memory_space<hbm>> -> memref<320x16xf32, #tpu.memory_space<hbm>>
      %dma_start3A_1073 = arith.constant 144 : i32
      %dma_start3A_1074 = tpu.memref_slice %arg10[%add3A_1062, %dma_start3A_1073] : memref<819200x176xf32, #tpu.memory_space<hbm>> -> memref<320x16xf32, #tpu.memory_space<hbm>>
      tpu.enqueue_dma source(%arg17 : memref<320x16xf32, #tpu.memory_space<vmem>>) target(%dma_start3A_1074 : memref<320x16xf32, #tpu.memory_space<hbm>>) target_semaphore(%arg21 : memref<!tpu.dma_semaphore, #tpu.memory_space<semaphore_mem>>)
      %dma_start3A_1075 = arith.constant 160 : i32
      %dma_start3A_1076 = tpu.memref_slice %arg10[%add3A_1062, %dma_start3A_1075] : memref<819200x176xf32, #tpu.memory_space<hbm>> -> memref<320x16xf32, #tpu.memory_space<hbm>>
      %dma_start3A_1077 = arith.constant 160 : i32
      %dma_start3A_1078 = tpu.memref_slice %arg10[%add3A_1062, %dma_start3A_1077] : memref<819200x176xf32, #tpu.memory_space<hbm>> -> memref<320x16xf32, #tpu.memory_space<hbm>>
      tpu.enqueue_dma source(%arg18 : memref<320x16xf32, #tpu.memory_space<vmem>>) target(%dma_start3A_1078 : memref<320x16xf32, #tpu.memory_space<hbm>>) target_semaphore(%arg21 : memref<!tpu.dma_semaphore, #tpu.memory_space<semaphore_mem>>)
      %lt3A = arith.constant 39 : i32
      %lt3A_1079 = arith.cmpi slt, %scan3A_547, %lt3A : i32
      %convert_element_type3A = arith.extui %lt3A_1079 : i1 to i32
      %cond3A = arith.constant 0 : i32
      %cond3A_1080 = arith.cmpi ne, %convert_element_type3A, %cond3A : i32
      scf.if %cond3A_1080 {
        %add3A_1082 = arith.constant 1 : i32
        %add3A_1083 = arith.addi %add3A_552, %add3A_1082 : i32
        %mul3A_1084 = arith.constant 128 : i32
        %mul3A_1085 = arith.muli %add3A, %mul3A_1084 : i32
        %mul3A_1086 = arith.constant 200 : i32
        %mul3A_1087 = arith.muli %mul3A_1085, %mul3A_1086 : i32
        %mul3A_1088 = arith.constant 320 : i32
        %mul3A_1089 = arith.muli %add3A_1083, %mul3A_1088 : i32
        %add3A_1090 = arith.addi %mul3A_1087, %mul3A_1089 : i32
        %dma_start3A_1091 = tpu.memref_slice %arg2[%add3A_1090] : memref<819200xi32, #tpu.memory_space<hbm>> -> memref<320xi32, #tpu.memory_space<hbm>>
        %dma_start3A_1092 = tpu.memref_slice %arg2[%add3A_1090] : memref<819200xi32, #tpu.memory_space<hbm>> -> memref<320xi32, #tpu.memory_space<hbm>>
        tpu.enqueue_dma source(%dma_start3A_1092 : memref<320xi32, #tpu.memory_space<hbm>>) target(%arg11 : memref<320xi32, #tpu.memory_space<vmem>>) target_semaphore(%arg19 : memref<!tpu.dma_semaphore, #tpu.memory_space<semaphore_mem>>)
        %dma_start3A_1093 = tpu.memref_slice %arg3[%add3A_1090] : memref<819200xi32, #tpu.memory_space<hbm>> -> memref<320xi32, #tpu.memory_space<hbm>>
        %dma_start3A_1094 = tpu.memref_slice %arg3[%add3A_1090] : memref<819200xi32, #tpu.memory_space<hbm>> -> memref<320xi32, #tpu.memory_space<hbm>>
        tpu.enqueue_dma source(%dma_start3A_1094 : memref<320xi32, #tpu.memory_space<hbm>>) target(%arg12 : memref<320xi32, #tpu.memory_space<vmem>>) target_semaphore(%arg19 : memref<!tpu.dma_semaphore, #tpu.memory_space<semaphore_mem>>)
        %dma_start3A_1095 = tpu.memref_slice %arg4[%add3A_1090] : memref<819200xi32, #tpu.memory_space<hbm>> -> memref<320xi32, #tpu.memory_space<hbm>>
        %dma_start3A_1096 = tpu.memref_slice %arg4[%add3A_1090] : memref<819200xi32, #tpu.memory_space<hbm>> -> memref<320xi32, #tpu.memory_space<hbm>>
        tpu.enqueue_dma source(%dma_start3A_1096 : memref<320xi32, #tpu.memory_space<hbm>>) target(%arg13 : memref<320xi32, #tpu.memory_space<vmem>>) target_semaphore(%arg19 : memref<!tpu.dma_semaphore, #tpu.memory_space<semaphore_mem>>)
        %dma_start3A_1097 = tpu.memref_slice %arg5[%add3A_1090] : memref<819200xi32, #tpu.memory_space<hbm>> -> memref<320xi32, #tpu.memory_space<hbm>>
        %dma_start3A_1098 = tpu.memref_slice %arg5[%add3A_1090] : memref<819200xi32, #tpu.memory_space<hbm>> -> memref<320xi32, #tpu.memory_space<hbm>>
        tpu.enqueue_dma source(%dma_start3A_1098 : memref<320xi32, #tpu.memory_space<hbm>>) target(%arg14 : memref<320xi32, #tpu.memory_space<vmem>>) target_semaphore(%arg19 : memref<!tpu.dma_semaphore, #tpu.memory_space<semaphore_mem>>)
      } else {
      }
      %scan3A_1081 = arith.constant 0 : i32
      scf.yield %scan3A_1081 : i32
    }
    %scan3A_384 = arith.constant 39 : i32
    %dma_wait3A_385 = arith.constant 0 : i32
    %dma_wait3A_386 = arith.constant 0 : i32
    %dma_wait3A_387 = tpu.memref_slice %arg26[%dma_wait3A_385, %dma_wait3A_386] : memref<320x128xf32, #tpu.memory_space<vmem>> -> memref<128x128xf32, #tpu.memory_space<vmem>>
    %dma_wait3A_388 = arith.constant 0 : i32
    %dma_wait3A_389 = tpu.memref_slice %arg22[%dma_wait3A_388] : memref<320xi32, #tpu.memory_space<vmem>> -> memref<128xi32, #tpu.memory_space<vmem>>
    %dma_wait3A_390 = arith.constant 0 : i32
    %dma_wait3A_391 = arith.constant 0 : i32
    %dma_wait3A_392 = tpu.memref_slice %arg6[%dma_wait3A_390, %dma_wait3A_391] : memref<100000x128xf32, #tpu.memory_space<hbm>> -> memref<100000x128xf32, #tpu.memory_space<hbm>>
    tpu.wait_indirect_dma semaphore(%arg31 : memref<!tpu.dma_semaphore, #tpu.memory_space<semaphore_mem>>) src(%dma_wait3A_392 : memref<100000x128xf32, #tpu.memory_space<hbm>>) dst(%dma_wait3A_387 : memref<128x128xf32, #tpu.memory_space<vmem>>)
    %dma_wait3A_393 = arith.constant 128 : i32
    %dma_wait3A_394 = arith.constant 0 : i32
    %dma_wait3A_395 = tpu.memref_slice %arg26[%dma_wait3A_393, %dma_wait3A_394] : memref<320x128xf32, #tpu.memory_space<vmem>> -> memref<128x128xf32, #tpu.memory_space<vmem>>
    %dma_wait3A_396 = arith.constant 128 : i32
    %dma_wait3A_397 = tpu.memref_slice %arg22[%dma_wait3A_396] : memref<320xi32, #tpu.memory_space<vmem>> -> memref<128xi32, #tpu.memory_space<vmem>>
    %dma_wait3A_398 = arith.constant 0 : i32
    %dma_wait3A_399 = arith.constant 0 : i32
    %dma_wait3A_400 = tpu.memref_slice %arg6[%dma_wait3A_398, %dma_wait3A_399] : memref<100000x128xf32, #tpu.memory_space<hbm>> -> memref<100000x128xf32, #tpu.memory_space<hbm>>
    tpu.wait_indirect_dma semaphore(%arg31 : memref<!tpu.dma_semaphore, #tpu.memory_space<semaphore_mem>>) src(%dma_wait3A_400 : memref<100000x128xf32, #tpu.memory_space<hbm>>) dst(%dma_wait3A_395 : memref<128x128xf32, #tpu.memory_space<vmem>>)
    %dma_wait3A_401 = arith.constant 256 : i32
    %dma_wait3A_402 = arith.constant 0 : i32
    %dma_wait3A_403 = tpu.memref_slice %arg26[%dma_wait3A_401, %dma_wait3A_402] : memref<320x128xf32, #tpu.memory_space<vmem>> -> memref<64x128xf32, #tpu.memory_space<vmem>>
    %dma_wait3A_404 = arith.constant 256 : i32
    %dma_wait3A_405 = tpu.memref_slice %arg22[%dma_wait3A_404] : memref<320xi32, #tpu.memory_space<vmem>> -> memref<64xi32, #tpu.memory_space<vmem>>
    %dma_wait3A_406 = arith.constant 0 : i32
    %dma_wait3A_407 = arith.constant 0 : i32
    %dma_wait3A_408 = tpu.memref_slice %arg6[%dma_wait3A_406, %dma_wait3A_407] : memref<100000x128xf32, #tpu.memory_space<hbm>> -> memref<100000x128xf32, #tpu.memory_space<hbm>>
    tpu.wait_indirect_dma semaphore(%arg31 : memref<!tpu.dma_semaphore, #tpu.memory_space<semaphore_mem>>) src(%dma_wait3A_408 : memref<100000x128xf32, #tpu.memory_space<hbm>>) dst(%dma_wait3A_403 : memref<64x128xf32, #tpu.memory_space<vmem>>)
    %dma_wait3A_409 = arith.constant 0 : i32
    %dma_wait3A_410 = arith.constant 0 : i32
    %dma_wait3A_411 = tpu.memref_slice %arg27[%dma_wait3A_409, %dma_wait3A_410] : memref<320x16xf32, #tpu.memory_space<vmem>> -> memref<128x16xf32, #tpu.memory_space<vmem>>
    %dma_wait3A_412 = arith.constant 0 : i32
    %dma_wait3A_413 = tpu.memref_slice %arg23[%dma_wait3A_412] : memref<320xi32, #tpu.memory_space<vmem>> -> memref<128xi32, #tpu.memory_space<vmem>>
    %dma_wait3A_414 = arith.constant 0 : i32
    %dma_wait3A_415 = arith.constant 0 : i32
    %dma_wait3A_416 = tpu.memref_slice %arg7[%dma_wait3A_414, %dma_wait3A_415] : memref<50x16xf32, #tpu.memory_space<hbm>> -> memref<50x16xf32, #tpu.memory_space<hbm>>
    tpu.wait_indirect_dma semaphore(%arg31 : memref<!tpu.dma_semaphore, #tpu.memory_space<semaphore_mem>>) src(%dma_wait3A_416 : memref<50x16xf32, #tpu.memory_space<hbm>>) dst(%dma_wait3A_411 : memref<128x16xf32, #tpu.memory_space<vmem>>)
    %dma_wait3A_417 = arith.constant 128 : i32
    %dma_wait3A_418 = arith.constant 0 : i32
    %dma_wait3A_419 = tpu.memref_slice %arg27[%dma_wait3A_417, %dma_wait3A_418] : memref<320x16xf32, #tpu.memory_space<vmem>> -> memref<128x16xf32, #tpu.memory_space<vmem>>
    %dma_wait3A_420 = arith.constant 128 : i32
    %dma_wait3A_421 = tpu.memref_slice %arg23[%dma_wait3A_420] : memref<320xi32, #tpu.memory_space<vmem>> -> memref<128xi32, #tpu.memory_space<vmem>>
    %dma_wait3A_422 = arith.constant 0 : i32
    %dma_wait3A_423 = arith.constant 0 : i32
    %dma_wait3A_424 = tpu.memref_slice %arg7[%dma_wait3A_422, %dma_wait3A_423] : memref<50x16xf32, #tpu.memory_space<hbm>> -> memref<50x16xf32, #tpu.memory_space<hbm>>
    tpu.wait_indirect_dma semaphore(%arg31 : memref<!tpu.dma_semaphore, #tpu.memory_space<semaphore_mem>>) src(%dma_wait3A_424 : memref<50x16xf32, #tpu.memory_space<hbm>>) dst(%dma_wait3A_419 : memref<128x16xf32, #tpu.memory_space<vmem>>)
    %dma_wait3A_425 = arith.constant 256 : i32
    %dma_wait3A_426 = arith.constant 0 : i32
    %dma_wait3A_427 = tpu.memref_slice %arg27[%dma_wait3A_425, %dma_wait3A_426] : memref<320x16xf32, #tpu.memory_space<vmem>> -> memref<64x16xf32, #tpu.memory_space<vmem>>
    %dma_wait3A_428 = arith.constant 256 : i32
    %dma_wait3A_429 = tpu.memref_slice %arg23[%dma_wait3A_428] : memref<320xi32, #tpu.memory_space<vmem>> -> memref<64xi32, #tpu.memory_space<vmem>>
    %dma_wait3A_430 = arith.constant 0 : i32
    %dma_wait3A_431 = arith.constant 0 : i32
    %dma_wait3A_432 = tpu.memref_slice %arg7[%dma_wait3A_430, %dma_wait3A_431] : memref<50x16xf32, #tpu.memory_space<hbm>> -> memref<50x16xf32, #tpu.memory_space<hbm>>
    tpu.wait_indirect_dma semaphore(%arg31 : memref<!tpu.dma_semaphore, #tpu.memory_space<semaphore_mem>>) src(%dma_wait3A_432 : memref<50x16xf32, #tpu.memory_space<hbm>>) dst(%dma_wait3A_427 : memref<64x16xf32, #tpu.memory_space<vmem>>)
    %dma_wait3A_433 = arith.constant 0 : i32
    %dma_wait3A_434 = arith.constant 0 : i32
    %dma_wait3A_435 = tpu.memref_slice %arg28[%dma_wait3A_433, %dma_wait3A_434] : memref<320x16xf32, #tpu.memory_space<vmem>> -> memref<128x16xf32, #tpu.memory_space<vmem>>
    %dma_wait3A_436 = arith.constant 0 : i32
    %dma_wait3A_437 = tpu.memref_slice %arg24[%dma_wait3A_436] : memref<320xi32, #tpu.memory_space<vmem>> -> memref<128xi32, #tpu.memory_space<vmem>>
    %dma_wait3A_438 = arith.constant 0 : i32
    %dma_wait3A_439 = arith.constant 0 : i32
    %dma_wait3A_440 = tpu.memref_slice %arg8[%dma_wait3A_438, %dma_wait3A_439] : memref<512x16xf32, #tpu.memory_space<hbm>> -> memref<512x16xf32, #tpu.memory_space<hbm>>
    tpu.wait_indirect_dma semaphore(%arg31 : memref<!tpu.dma_semaphore, #tpu.memory_space<semaphore_mem>>) src(%dma_wait3A_440 : memref<512x16xf32, #tpu.memory_space<hbm>>) dst(%dma_wait3A_435 : memref<128x16xf32, #tpu.memory_space<vmem>>)
    %dma_wait3A_441 = arith.constant 128 : i32
    %dma_wait3A_442 = arith.constant 0 : i32
    %dma_wait3A_443 = tpu.memref_slice %arg28[%dma_wait3A_441, %dma_wait3A_442] : memref<320x16xf32, #tpu.memory_space<vmem>> -> memref<128x16xf32, #tpu.memory_space<vmem>>
    %dma_wait3A_444 = arith.constant 128 : i32
    %dma_wait3A_445 = tpu.memref_slice %arg24[%dma_wait3A_444] : memref<320xi32, #tpu.memory_space<vmem>> -> memref<128xi32, #tpu.memory_space<vmem>>
    %dma_wait3A_446 = arith.constant 0 : i32
    %dma_wait3A_447 = arith.constant 0 : i32
    %dma_wait3A_448 = tpu.memref_slice %arg8[%dma_wait3A_446, %dma_wait3A_447] : memref<512x16xf32, #tpu.memory_space<hbm>> -> memref<512x16xf32, #tpu.memory_space<hbm>>
    tpu.wait_indirect_dma semaphore(%arg31 : memref<!tpu.dma_semaphore, #tpu.memory_space<semaphore_mem>>) src(%dma_wait3A_448 : memref<512x16xf32, #tpu.memory_space<hbm>>) dst(%dma_wait3A_443 : memref<128x16xf32, #tpu.memory_space<vmem>>)
    %dma_wait3A_449 = arith.constant 256 : i32
    %dma_wait3A_450 = arith.constant 0 : i32
    %dma_wait3A_451 = tpu.memref_slice %arg28[%dma_wait3A_449, %dma_wait3A_450] : memref<320x16xf32, #tpu.memory_space<vmem>> -> memref<64x16xf32, #tpu.memory_space<vmem>>
    %dma_wait3A_452 = arith.constant 256 : i32
    %dma_wait3A_453 = tpu.memref_slice %arg24[%dma_wait3A_452] : memref<320xi32, #tpu.memory_space<vmem>> -> memref<64xi32, #tpu.memory_space<vmem>>
    %dma_wait3A_454 = arith.constant 0 : i32
    %dma_wait3A_455 = arith.constant 0 : i32
    %dma_wait3A_456 = tpu.memref_slice %arg8[%dma_wait3A_454, %dma_wait3A_455] : memref<512x16xf32, #tpu.memory_space<hbm>> -> memref<512x16xf32, #tpu.memory_space<hbm>>
    tpu.wait_indirect_dma semaphore(%arg31 : memref<!tpu.dma_semaphore, #tpu.memory_space<semaphore_mem>>) src(%dma_wait3A_456 : memref<512x16xf32, #tpu.memory_space<hbm>>) dst(%dma_wait3A_451 : memref<64x16xf32, #tpu.memory_space<vmem>>)
    %dma_wait3A_457 = arith.constant 0 : i32
    %dma_wait3A_458 = arith.constant 0 : i32
    %dma_wait3A_459 = tpu.memref_slice %arg29[%dma_wait3A_457, %dma_wait3A_458] : memref<320x16xf32, #tpu.memory_space<vmem>> -> memref<128x16xf32, #tpu.memory_space<vmem>>
    %dma_wait3A_460 = arith.constant 0 : i32
    %dma_wait3A_461 = tpu.memref_slice %arg25[%dma_wait3A_460] : memref<320xi32, #tpu.memory_space<vmem>> -> memref<128xi32, #tpu.memory_space<vmem>>
    %dma_wait3A_462 = arith.constant 0 : i32
    %dma_wait3A_463 = arith.constant 0 : i32
    %dma_wait3A_464 = tpu.memref_slice %arg9[%dma_wait3A_462, %dma_wait3A_463] : memref<512x16xf32, #tpu.memory_space<hbm>> -> memref<512x16xf32, #tpu.memory_space<hbm>>
    tpu.wait_indirect_dma semaphore(%arg31 : memref<!tpu.dma_semaphore, #tpu.memory_space<semaphore_mem>>) src(%dma_wait3A_464 : memref<512x16xf32, #tpu.memory_space<hbm>>) dst(%dma_wait3A_459 : memref<128x16xf32, #tpu.memory_space<vmem>>)
    %dma_wait3A_465 = arith.constant 128 : i32
    %dma_wait3A_466 = arith.constant 0 : i32
    %dma_wait3A_467 = tpu.memref_slice %arg29[%dma_wait3A_465, %dma_wait3A_466] : memref<320x16xf32, #tpu.memory_space<vmem>> -> memref<128x16xf32, #tpu.memory_space<vmem>>
    %dma_wait3A_468 = arith.constant 128 : i32
    %dma_wait3A_469 = tpu.memref_slice %arg25[%dma_wait3A_468] : memref<320xi32, #tpu.memory_space<vmem>> -> memref<128xi32, #tpu.memory_space<vmem>>
    %dma_wait3A_470 = arith.constant 0 : i32
    %dma_wait3A_471 = arith.constant 0 : i32
    %dma_wait3A_472 = tpu.memref_slice %arg9[%dma_wait3A_470, %dma_wait3A_471] : memref<512x16xf32, #tpu.memory_space<hbm>> -> memref<512x16xf32, #tpu.memory_space<hbm>>
    tpu.wait_indirect_dma semaphore(%arg31 : memref<!tpu.dma_semaphore, #tpu.memory_space<semaphore_mem>>) src(%dma_wait3A_472 : memref<512x16xf32, #tpu.memory_space<hbm>>) dst(%dma_wait3A_467 : memref<128x16xf32, #tpu.memory_space<vmem>>)
    %dma_wait3A_473 = arith.constant 256 : i32
    %dma_wait3A_474 = arith.constant 0 : i32
    %dma_wait3A_475 = tpu.memref_slice %arg29[%dma_wait3A_473, %dma_wait3A_474] : memref<320x16xf32, #tpu.memory_space<vmem>> -> memref<64x16xf32, #tpu.memory_space<vmem>>
    %dma_wait3A_476 = arith.constant 256 : i32
    %dma_wait3A_477 = tpu.memref_slice %arg25[%dma_wait3A_476] : memref<320xi32, #tpu.memory_space<vmem>> -> memref<64xi32, #tpu.memory_space<vmem>>
    %dma_wait3A_478 = arith.constant 0 : i32
    %dma_wait3A_479 = arith.constant 0 : i32
    %dma_wait3A_480 = tpu.memref_slice %arg9[%dma_wait3A_478, %dma_wait3A_479] : memref<512x16xf32, #tpu.memory_space<hbm>> -> memref<512x16xf32, #tpu.memory_space<hbm>>
    tpu.wait_indirect_dma semaphore(%arg31 : memref<!tpu.dma_semaphore, #tpu.memory_space<semaphore_mem>>) src(%dma_wait3A_480 : memref<512x16xf32, #tpu.memory_space<hbm>>) dst(%dma_wait3A_475 : memref<64x16xf32, #tpu.memory_space<vmem>>)
    %mul3A_481 = arith.constant 128 : i32
    %mul3A_482 = arith.muli %add3A, %mul3A_481 : i32
    %mul3A_483 = arith.constant 200 : i32
    %mul3A_484 = arith.muli %mul3A_482, %mul3A_483 : i32
    %add3A_485 = arith.constant 25280 : i32
    %add3A_486 = arith.addi %mul3A_484, %add3A_485 : i32
    %dma_start3A_487 = arith.constant 0 : i32
    %dma_start3A_488 = tpu.memref_slice %arg10[%add3A_486, %dma_start3A_487] : memref<819200x176xf32, #tpu.memory_space<hbm>> -> memref<320x128xf32, #tpu.memory_space<hbm>>
    %dma_start3A_489 = arith.constant 0 : i32
    %dma_start3A_490 = tpu.memref_slice %arg10[%add3A_486, %dma_start3A_489] : memref<819200x176xf32, #tpu.memory_space<hbm>> -> memref<320x128xf32, #tpu.memory_space<hbm>>
    tpu.enqueue_dma source(%arg26 : memref<320x128xf32, #tpu.memory_space<vmem>>) target(%dma_start3A_490 : memref<320x128xf32, #tpu.memory_space<hbm>>) target_semaphore(%arg32 : memref<!tpu.dma_semaphore, #tpu.memory_space<semaphore_mem>>)
    %dma_start3A_491 = arith.constant 128 : i32
    %dma_start3A_492 = tpu.memref_slice %arg10[%add3A_486, %dma_start3A_491] : memref<819200x176xf32, #tpu.memory_space<hbm>> -> memref<320x16xf32, #tpu.memory_space<hbm>>
    %dma_start3A_493 = arith.constant 128 : i32
    %dma_start3A_494 = tpu.memref_slice %arg10[%add3A_486, %dma_start3A_493] : memref<819200x176xf32, #tpu.memory_space<hbm>> -> memref<320x16xf32, #tpu.memory_space<hbm>>
    tpu.enqueue_dma source(%arg27 : memref<320x16xf32, #tpu.memory_space<vmem>>) target(%dma_start3A_494 : memref<320x16xf32, #tpu.memory_space<hbm>>) target_semaphore(%arg32 : memref<!tpu.dma_semaphore, #tpu.memory_space<semaphore_mem>>)
    %dma_start3A_495 = arith.constant 144 : i32
    %dma_start3A_496 = tpu.memref_slice %arg10[%add3A_486, %dma_start3A_495] : memref<819200x176xf32, #tpu.memory_space<hbm>> -> memref<320x16xf32, #tpu.memory_space<hbm>>
    %dma_start3A_497 = arith.constant 144 : i32
    %dma_start3A_498 = tpu.memref_slice %arg10[%add3A_486, %dma_start3A_497] : memref<819200x176xf32, #tpu.memory_space<hbm>> -> memref<320x16xf32, #tpu.memory_space<hbm>>
    tpu.enqueue_dma source(%arg28 : memref<320x16xf32, #tpu.memory_space<vmem>>) target(%dma_start3A_498 : memref<320x16xf32, #tpu.memory_space<hbm>>) target_semaphore(%arg32 : memref<!tpu.dma_semaphore, #tpu.memory_space<semaphore_mem>>)
    %dma_start3A_499 = arith.constant 160 : i32
    %dma_start3A_500 = tpu.memref_slice %arg10[%add3A_486, %dma_start3A_499] : memref<819200x176xf32, #tpu.memory_space<hbm>> -> memref<320x16xf32, #tpu.memory_space<hbm>>
    %dma_start3A_501 = arith.constant 160 : i32
    %dma_start3A_502 = tpu.memref_slice %arg10[%add3A_486, %dma_start3A_501] : memref<819200x176xf32, #tpu.memory_space<hbm>> -> memref<320x16xf32, #tpu.memory_space<hbm>>
    tpu.enqueue_dma source(%arg29 : memref<320x16xf32, #tpu.memory_space<vmem>>) target(%dma_start3A_502 : memref<320x16xf32, #tpu.memory_space<hbm>>) target_semaphore(%arg32 : memref<!tpu.dma_semaphore, #tpu.memory_space<semaphore_mem>>)
    %mul3A_503 = arith.constant 128 : i32
    %mul3A_504 = arith.muli %add3A, %mul3A_503 : i32
    %mul3A_505 = arith.constant 200 : i32
    %mul3A_506 = arith.muli %mul3A_504, %mul3A_505 : i32
    %add3A_507 = arith.constant 24960 : i32
    %add3A_508 = arith.addi %mul3A_506, %add3A_507 : i32
    %dma_wait3A_509 = arith.constant 0 : i32
    %dma_wait3A_510 = tpu.memref_slice %arg10[%add3A_508, %dma_wait3A_509] : memref<819200x176xf32, #tpu.memory_space<hbm>> -> memref<320x128xf32, #tpu.memory_space<hbm>>
    %dma_wait3A_511 = arith.constant 0 : i32
    %dma_wait3A_512 = tpu.memref_slice %arg10[%add3A_508, %dma_wait3A_511] : memref<819200x176xf32, #tpu.memory_space<hbm>> -> memref<320x128xf32, #tpu.memory_space<hbm>>
    tpu.wait_dma2 semaphore(%arg21 : memref<!tpu.dma_semaphore, #tpu.memory_space<semaphore_mem>>) src(%arg15 : memref<320x128xf32, #tpu.memory_space<vmem>>) dst(%dma_wait3A_512 : memref<320x128xf32, #tpu.memory_space<hbm>>)
    %dma_wait3A_513 = arith.constant 128 : i32
    %dma_wait3A_514 = tpu.memref_slice %arg10[%add3A_508, %dma_wait3A_513] : memref<819200x176xf32, #tpu.memory_space<hbm>> -> memref<320x16xf32, #tpu.memory_space<hbm>>
    %dma_wait3A_515 = arith.constant 128 : i32
    %dma_wait3A_516 = tpu.memref_slice %arg10[%add3A_508, %dma_wait3A_515] : memref<819200x176xf32, #tpu.memory_space<hbm>> -> memref<320x16xf32, #tpu.memory_space<hbm>>
    tpu.wait_dma2 semaphore(%arg21 : memref<!tpu.dma_semaphore, #tpu.memory_space<semaphore_mem>>) src(%arg16 : memref<320x16xf32, #tpu.memory_space<vmem>>) dst(%dma_wait3A_516 : memref<320x16xf32, #tpu.memory_space<hbm>>)
    %dma_wait3A_517 = arith.constant 144 : i32
    %dma_wait3A_518 = tpu.memref_slice %arg10[%add3A_508, %dma_wait3A_517] : memref<819200x176xf32, #tpu.memory_space<hbm>> -> memref<320x16xf32, #tpu.memory_space<hbm>>
    %dma_wait3A_519 = arith.constant 144 : i32
    %dma_wait3A_520 = tpu.memref_slice %arg10[%add3A_508, %dma_wait3A_519] : memref<819200x176xf32, #tpu.memory_space<hbm>> -> memref<320x16xf32, #tpu.memory_space<hbm>>
    tpu.wait_dma2 semaphore(%arg21 : memref<!tpu.dma_semaphore, #tpu.memory_space<semaphore_mem>>) src(%arg17 : memref<320x16xf32, #tpu.memory_space<vmem>>) dst(%dma_wait3A_520 : memref<320x16xf32, #tpu.memory_space<hbm>>)
    %dma_wait3A_521 = arith.constant 160 : i32
    %dma_wait3A_522 = tpu.memref_slice %arg10[%add3A_508, %dma_wait3A_521] : memref<819200x176xf32, #tpu.memory_space<hbm>> -> memref<320x16xf32, #tpu.memory_space<hbm>>
    %dma_wait3A_523 = arith.constant 160 : i32
    %dma_wait3A_524 = tpu.memref_slice %arg10[%add3A_508, %dma_wait3A_523] : memref<819200x176xf32, #tpu.memory_space<hbm>> -> memref<320x16xf32, #tpu.memory_space<hbm>>
    tpu.wait_dma2 semaphore(%arg21 : memref<!tpu.dma_semaphore, #tpu.memory_space<semaphore_mem>>) src(%arg18 : memref<320x16xf32, #tpu.memory_space<vmem>>) dst(%dma_wait3A_524 : memref<320x16xf32, #tpu.memory_space<hbm>>)
    %mul3A_525 = arith.constant 128 : i32
    %mul3A_526 = arith.muli %add3A, %mul3A_525 : i32
    %mul3A_527 = arith.constant 200 : i32
    %mul3A_528 = arith.muli %mul3A_526, %mul3A_527 : i32
    %add3A_529 = arith.constant 25280 : i32
    %add3A_530 = arith.addi %mul3A_528, %add3A_529 : i32
    %dma_wait3A_531 = arith.constant 0 : i32
    %dma_wait3A_532 = tpu.memref_slice %arg10[%add3A_530, %dma_wait3A_531] : memref<819200x176xf32, #tpu.memory_space<hbm>> -> memref<320x128xf32, #tpu.memory_space<hbm>>
    %dma_wait3A_533 = arith.constant 0 : i32
    %dma_wait3A_534 = tpu.memref_slice %arg10[%add3A_530, %dma_wait3A_533] : memref<819200x176xf32, #tpu.memory_space<hbm>> -> memref<320x128xf32, #tpu.memory_space<hbm>>
    tpu.wait_dma2 semaphore(%arg32 : memref<!tpu.dma_semaphore, #tpu.memory_space<semaphore_mem>>) src(%arg26 : memref<320x128xf32, #tpu.memory_space<vmem>>) dst(%dma_wait3A_534 : memref<320x128xf32, #tpu.memory_space<hbm>>)
    %dma_wait3A_535 = arith.constant 128 : i32
    %dma_wait3A_536 = tpu.memref_slice %arg10[%add3A_530, %dma_wait3A_535] : memref<819200x176xf32, #tpu.memory_space<hbm>> -> memref<320x16xf32, #tpu.memory_space<hbm>>
    %dma_wait3A_537 = arith.constant 128 : i32
    %dma_wait3A_538 = tpu.memref_slice %arg10[%add3A_530, %dma_wait3A_537] : memref<819200x176xf32, #tpu.memory_space<hbm>> -> memref<320x16xf32, #tpu.memory_space<hbm>>
    tpu.wait_dma2 semaphore(%arg32 : memref<!tpu.dma_semaphore, #tpu.memory_space<semaphore_mem>>) src(%arg27 : memref<320x16xf32, #tpu.memory_space<vmem>>) dst(%dma_wait3A_538 : memref<320x16xf32, #tpu.memory_space<hbm>>)
    %dma_wait3A_539 = arith.constant 144 : i32
    %dma_wait3A_540 = tpu.memref_slice %arg10[%add3A_530, %dma_wait3A_539] : memref<819200x176xf32, #tpu.memory_space<hbm>> -> memref<320x16xf32, #tpu.memory_space<hbm>>
    %dma_wait3A_541 = arith.constant 144 : i32
    %dma_wait3A_542 = tpu.memref_slice %arg10[%add3A_530, %dma_wait3A_541] : memref<819200x176xf32, #tpu.memory_space<hbm>> -> memref<320x16xf32, #tpu.memory_space<hbm>>
    tpu.wait_dma2 semaphore(%arg32 : memref<!tpu.dma_semaphore, #tpu.memory_space<semaphore_mem>>) src(%arg28 : memref<320x16xf32, #tpu.memory_space<vmem>>) dst(%dma_wait3A_542 : memref<320x16xf32, #tpu.memory_space<hbm>>)
    %dma_wait3A_543 = arith.constant 160 : i32
    %dma_wait3A_544 = tpu.memref_slice %arg10[%add3A_530, %dma_wait3A_543] : memref<819200x176xf32, #tpu.memory_space<hbm>> -> memref<320x16xf32, #tpu.memory_space<hbm>>
    %dma_wait3A_545 = arith.constant 160 : i32
    %dma_wait3A_546 = tpu.memref_slice %arg10[%add3A_530, %dma_wait3A_545] : memref<819200x176xf32, #tpu.memory_space<hbm>> -> memref<320x16xf32, #tpu.memory_space<hbm>>
    tpu.wait_dma2 semaphore(%arg32 : memref<!tpu.dma_semaphore, #tpu.memory_space<semaphore_mem>>) src(%arg29 : memref<320x16xf32, #tpu.memory_space<vmem>>) dst(%dma_wait3A_546 : memref<320x16xf32, #tpu.memory_space<hbm>>)
    return
  }
}

</mosaic_0001>

<sc_bundles>
// kernel: _embed.3.cloned.1.call-start
scs
__scs_entry_jumppad:
0x0: {  	(pc) =	sbr.rel $0x88, $3  }
0x1: {  	(tag) =	ssettag $0x0;
	lr =	simm.s32 $0x1  }
0x2: {  	[smem:$0x3F99] =	sst lr;
	_ =	strace $0xD0000000  }
0x3: {  	_ = 	snop  }
0x4: {  	_ = 	snop  }
0x5: {  	_ = 	snop  }
0x6: {  	_ = 	snop  }
0x7: {  	_ = 	snop  }
__scs_overlays_trampoline_lowered:
0x8: {  	[smem:$0x3FA8] =	sst s0  }
0x9: {  	[smem:$0x3FA9] =	sst s1  }
0xa: {  	[smem:$0x3FAA] =	sst s2  }
0xb: {  	[smem:$0x3FAB] =	sst s3  }
0xc: {  	[smem:$0x3FAC] =	sst s4  }
0xd: {  	[smem:$0x3FAD] =	sst s5  }
0xe: {  	[smem:$0x3FAE] =	sst s6  }
0xf: {  	[smem:$0x3FAF] =	sst s7  }
0x10: {  	[smem:$0x3FB0] =	sst s8  }
0x11: {  	[smem:$0x3FB1] =	sst s9;
	s0 =	simm.s32 @!p0 $0x0  }
0x12: {  	s1 =	sld [smem:$0x3F97];
	s0 =	simm.s32 @p0 $0x1  }
0x13: {  	[smem:$0x3FB2] =	sst s0;
	s0 =	simm.s32 @!p1 $0x0  }
0x14: {  	s2 =	sld [smem:$0x3F96];
	s0 =	simm.s32 @p1 $0x1  }
0x15: {  	[smem:$0x3FB3] =	sst s0;
	s0 =	simm.s32 @!p2 $0x0  }
0x16: {  	s3 =	sld [smem:$0x3FDB];
	s0 =	simm.s32 @p2 $0x1  }
0x17: {  	s4 =	simm.s32 $0x1BF5;
	[smem:$0x3FB5] =	sst s0  }
0x18: {  	s0 =	sld [smem:$0x3F98];
	_ =	swait.ge [sflag:s4], $0x0  }
0x19: {  	s7 =	sld [smem:$0x3F99]  }
0x1a: {  	s8 =	sadd.s32 $0xFFFFE003, lr  }
0x1b: {  	s9 =	sadd.s32 $0xFFFFFEF7, lr;
	s5 =	simm.s32 $0xFFFFFFFF;
	p2 =	slt.u32 s8, $0xFFFFF086  }
0x1c: {  	p1 =	slt.u32 s9, $0xF7A;
	s5 =	simm.s32 @!p2 $0x0  }
0x1d: {  	s5 =	simm.s32 @p1 $0x1;
	p0 =	seq.s32 s7, s2  }
0x1e: {  	s7 =	smul.u32 @!p0 $0xF7A, s2;
	p2 =	seq.s32 @!p0 s5, $0x0  }
0x1f: {  	s9 =	smul.u32 $0xF7A, s1;
	s8 =	simm.s32 @!p0 $0x1BF5;
	p2 =	por !p2, p0  }
0x20: {  	[sflag:s8] =	ssyncset.s32 @!p0 $0xFFFFF086;
	s6 =	sadd.s32 @!p0 s3, s7;
	s7 =	simm.s32 @!p0 $0x108  }
0x21: {  	s3 =	sadd.s32 s3, s9;
	s6 =	sadd.s32 @!p0 $0x88, s6;
	s7 =	simm.s32 @p2 $0x1082  }
0x22: {  	[simem:s7], [sflag:s8] =	dma.local @!p0 [hbm:s6], $0xF7A  }
0x23: {  	s9 =	sor.u32 $0xD0000000, s2;
	s6 =	simm.s32 $0x108;
	_ =	swait.ge @!p0 [sflag:s8], $0x0  }
0x24: {  	s3 =	sadd.s32 $0x88, s3;
	s6 =	simm.s32 @!p1 $0x1082;
	[sflag:s4] =	ssyncset.s32 $0xFFFFF086  }
0x25: {  	[simem:s6], [sflag:s4] =	dma.local [hbm:s3], $0xF7A  }
0x26: {  	[smem:$0x3F99] =	sst s1;
	(tag) =	ssettag s2;
	_ =	strace s9  }
0x27: {  	s1 =	sld [smem:$0x3FA9]  }
0x28: {  	s2 =	sld [smem:$0x3FAA]  }
0x29: {  	s4 =	sld [smem:$0x3FAC]  }
0x2a: {  	p0 =	seq.s32 s5, $0x0;
	s5 =	sld [smem:$0x3FAD]  }
0x2b: {  	s6 =	sld [smem:$0x3FAE]  }
0x2c: {  	s7 =	sld [smem:$0x3FAF]  }
0x2d: {  	s3 =	simm.s32 $0x108;
	s8 =	sld [smem:$0x3FB0]  }
0x2e: {  	s3 =	simm.s32 @!p0 $0x1082;
	s9 =	sld [smem:$0x3FB1]  }
0x2f: {  	lr =	sadd.s32 s0, s3;
	s0 =	sld [smem:$0x3FA8]  }
0x30: {  	s3 =	sld [smem:$0x3FAB]  }
0x31: {  	[smem:$0x3FB4] =	sst s10  }
0x32: {  	s10 =	sld [smem:$0x3FB2];
	_ =	sdelay $0x3  }
0x33: {  	p0 =	seq.s32 s10, $0x1;
	s10 =	sld [smem:$0x3FB4];
	_ =	sdelay $0x3  }
0x34: {  	[smem:$0x3FB4] =	sst s10  }
0x35: {  	s10 =	sld [smem:$0x3FB3];
	_ =	sdelay $0x3  }
0x36: {  	p1 =	seq.s32 s10, $0x1;
	s10 =	sld [smem:$0x3FB4];
	_ =	sdelay $0x3  }
0x37: {  	[smem:$0x3FB4] =	sst s10  }
0x38: {  	s10 =	sld [smem:$0x3FB5]  }
0x39: {  	_ = 	snop;
	(pc) =	sbr.ind lr, $3  }
0x3a: {  	_ = 	snop  }
0x3b: {  	_ = 	snop  }
0x3c: {  	p2 =	seq.s32 s10, $0x1;
	s10 =	sld [smem:$0x3FB4]  }
0x3d: {  	_ =	shalt  }
0x3e: {  	_ =	shalt  }
0x3f: {  	_ =	shalt  }
0x40: {  	_ =	shalt  }
0x41: {  	_ =	shalt  }
0x42: {  	_ =	shalt  }
0x43: {  	_ =	shalt  }
0x44: {  	_ =	shalt  }
0x45: {  	_ =	shalt  }
0x46: {  	_ =	shalt  }
0x47: {  	_ =	shalt  }
0x48: {  	_ =	shalt  }
0x49: {  	_ =	shalt  }
0x4a: {  	_ =	shalt  }
0x4b: {  	_ =	shalt  }
0x4c: {  	_ =	shalt  }
0x4d: {  	_ =	shalt  }
0x4e: {  	_ =	shalt  }
0x4f: {  	_ =	shalt  }
0x50: {  	_ =	shalt  }
0x51: {  	_ =	shalt  }
0x52: {  	_ =	shalt  }
0x53: {  	_ =	shalt  }
0x54: {  	_ =	shalt  }
0x55: {  	_ =	shalt  }
0x56: {  	_ =	shalt  }
0x57: {  	_ =	shalt  }
0x58: {  	_ =	shalt  }
0x59: {  	_ =	shalt  }
0x5a: {  	_ =	shalt  }
0x5b: {  	_ =	shalt  }
0x5c: {  	_ =	shalt  }
0x5d: {  	_ =	shalt  }
0x5e: {  	_ =	shalt  }
0x5f: {  	_ =	shalt  }
0x60: {  	_ =	shalt  }
0x61: {  	_ =	shalt  }
0x62: {  	_ =	shalt  }
0x63: {  	_ =	shalt  }
0x64: {  	_ =	shalt  }
0x65: {  	_ =	shalt  }
0x66: {  	_ =	shalt  }
0x67: {  	_ =	shalt  }
0x68: {  	_ =	shalt  }
0x69: {  	_ =	shalt  }
0x6a: {  	_ =	shalt  }
0x6b: {  	_ =	shalt  }
0x6c: {  	_ =	shalt  }
0x6d: {  	_ =	shalt  }
0x6e: {  	_ =	shalt  }
0x6f: {  	_ =	shalt  }
0x70: {  	_ =	shalt  }
0x71: {  	_ =	shalt  }
0x72: {  	_ =	shalt  }
0x73: {  	_ =	shalt  }
0x74: {  	_ =	shalt  }
0x75: {  	_ =	shalt  }
0x76: {  	_ =	shalt  }
0x77: {  	_ =	shalt  }
0x78: {  	_ =	shalt  }
0x79: {  	_ =	shalt  }
0x7a: {  	_ =	shalt  }
0x7b: {  	_ =	shalt  }
0x7c: {  	_ =	shalt  }
0x7d: {  	_ =	shalt  }
0x7e: {  	_ =	shalt  }
0x7f: {  	_ =	shalt  }
0x80: {  	_ =	shalt  }
0x81: {  	_ =	shalt  }
0x82: {  	_ =	shalt  }
0x83: {  	_ =	shalt  }
0x84: {  	_ =	shalt  }
0x85: {  	_ =	shalt  }
0x86: {  	_ =	shalt  }
0x87: {  	_ =	shalt  }
.Lfunc_end0:
.L_simem_size_0:
called_computation.1_lowered:
.L_overlay_start_0:
0x88: {  	s2 =	sld [smem:$0x3FD9]  }
0x89: {  	s3 =	sld [smem:$0x3FFE];
	_ =	sdelay $0x1  }
0x8a: {  	s1 =	srdreg.scid  }
0x8b: {  	s0 =	sand.u32 $0x1, s1  }
0x8c: {  	s17 =	sshll.u32 s0, $0xA;
	s2 =	sadd.s32 s3, s2  }
0x8d: {  	s2 =	sadd.s32 s2, s17  }
0x8e: {  	[smem:$0x3FC0] =	sst s2  }
0x8f: {  	_ = 	snop  }
0x90: {  	s2 =	sld [smem:$0x3FC9]  }
0x91: {  	s18 =	sld [smem:$0x3FC8]  }
0x92: {  	s4 =	sld [smem:$0x3FC7]  }
0x93: {  	s5 =	sld [smem:$0x3FC6]  }
0x94: {  	s6 =	sld [smem:$0x3FC5]  }
0x95: {  	s7 =	sld [smem:$0x3FD0];
	(tm) =	ssettm $0x1  }
0x96: {  	s8 =	sld [smem:$0x3FFB];
	_ =	sdelay $0x3  }
0x97: {  	_ =	strace s8  }
0x98: {  	s8 =	sld [smem:$0x3FFC];
	_ =	sdelay $0x3  }
0x99: {  	_ =	strace s8  }
0x9a: {  	s8 =	sld [smem:$0x3FFD];
	_ =	sdelay $0x3  }
0x9b: {  	_ =	strace s8  }
0x9c: {  	_ =	strace $0x8FFFFFFF  }
0x9d: {  	s19 =	sld [smem:$0x3FDB];
	_ =	sdelay $0x1  }
0x9e: {  	s9 =	simm.s32 $_scs_section_size  }
0x9f: {  	s10 =	simm.s32 $_size__tile_overlayer_lowered;
	s11 =	simm.s32 $_tile_overlayer_lowered  }
0xa0: {  	s22 =	simm.s32 $0x1BFF;
	s21 =	sshll.u32 s11, $0x1;
	s8 =	sadd.s32 s9, s19  }
0xa1: {  	s12 =	simm.s32 $0x0;
	s20 =	sshll.u32 s10, $0x1;
	s10 =	sadd.s32 s21, s8  }
0xa2: {  	[timem:s12], [sflag:s22] =	dma.local [hbm:s10], s20  }
0xa3: {  	_ =	swait.ge [sflag:s22], s20  }
0xa4: {  	s9 =	ssub.s32 $0x0, s20;
	[sflag:s22] =	ssyncset.done $0x0  }
0xa5: {  	[sflag:s22] =	ssyncadd.s32 s9;
	_ =	sdelay $0x1  }
0xa6: {  	s23 =	simm.s32 $0x1B8B  }
0xa7: {  	_ =	swait.ge [sflag:s23], $0x1  }
0xa8: {  	[sflag:s23] =	ssyncset.done $0x0  }
0xa9: {  	s25 =	simm.s32 $0x1B8E;
	s24 =	sld [smem:$0x3FFE];
	[sflag:s23] =	ssyncadd.s32 $0xFFFFFFFF  }
0xaa: {  	s26 =	simm.s32 $execute0_lowered;
	[smem:$0x3FD2] =	sst s25  }
0xab: {  	s10 =	sshll.u32 s26, $0x1;
	_ =	strace $0x80000046;
	[dreg:$0x1] =	wrdreg $0xFFFFFFFF  }
0xac: {  	s28 =	simm.s32 $_size_execute0_lowered;
	s8 =	sadd.s32 s8, s10;
	[dreg:$0x0] =	wrdreg $0x0  }
0xad: {  	s10 =	sshll.u32 s28, $0x1;
	[dreg:$0x2] =	wrdreg s8  }
0xae: {  	[dreg:$0x3] =	wrdreg s10  }
0xaf: {  	[dreg:$0x4] =	wrdreg $0xC0  }
0xb0: {  	_ =	task [dreg:s12], $0x5FFFF  }
0xb1: {  	[dreg:$0x1] =	wrdreg $0xFFFFFFFF  }
0xb2: {  	[dreg:$0x0] =	wrdreg $0x60  }
0xb3: {  	[dreg:$0x2] =	wrdreg s2  }
0xb4: {  	[dreg:$0x3] =	wrdreg s18  }
0xb5: {  	[dreg:$0x4] =	wrdreg s4  }
0xb6: {  	[dreg:$0x5] =	wrdreg s5  }
0xb7: {  	[dreg:$0x6] =	wrdreg s6  }
0xb8: {  	[dreg:$0x7] =	wrdreg s24  }
0xb9: {  	[dreg:$0x8] =	wrdreg s7  }
0xba: {  	[dreg:$0x9] =	wrdreg $0x9  }
0xbb: {  	_ =	task.clear_ibuf [dreg:s12], $0xAFFFF;
	_ =	strace $0x90000046  }
0xbc: {  	s29 =	simm.s32 $0x9;
	_ =	strace $0x80000048  }
0xbd: {  	_ =	swait.ge [sflag:s29], $0x1  }
0xbe: {  	[sflag:s29] =	ssyncadd.s32 $0xFFFFFFFF  }
0xbf: {  	_ =	strace $0x90000048  }
0xc0: {  	_ =	sfence  }
0xc1: {  	s30 =	sld [smem:$0x0];
	_ =	sdelay $0x2  }
0xc2: {  	s31 =	sshll.u32 s1, $0xD;
	s1 =	sshrl.u32 s1, $0x2  }
0xc3: {  	s3 =	sand.u32 $0x4000, s31;
	s1 =	sadd.s32 s1, s30  }
0xc4: {  	s0 =	sor.u32 s3, s0;
	s1 =	sshll.u32 s1, $0x11  }
0xc5: {  	s0 =	sor.u32 s1, s0  }
0xc6: {  	s0 =	sadd.s32 $0x8F2B, s0  }
0xc7: {  	[sflag:s0] =	ssyncadd.remote.s32 $0x1  }
0xc8: {  	_ =	sfence.sel $0xFFFF  }
0xc9: {  	[dreg:$0x0] =	wrdreg $0xFFFFFFFF;
	(pc) =	sbr.abs _section_cstart, $3  }
0xca: {  	[dreg:$0x1] =	wrdreg $0xFFFFFFFF  }
0xcb: {  	_ =	task.clear_ibuf [dreg:s12], $0x2FFFF;
	_ =	strace $0x9FFFFFFF  }
0xcc: {  	(tm) =	ssettm $0x7FFFFFFF  }
0xcd: {  	_ =	shalt  }
tec
execute0_lowered:
.L_overlay_start_1:
0x0: {  	(tag) =	ssettag $0x1  }
0x1: {  	s0 =	rddreg [dreg:$0x0]  }
0x2: {  	s1 =	srdreg.scid;
	s13 =	stileid.u32  }
0x3: {  	s2 =	rddreg [dreg:$0x1];
	s3 =	sand.u32 $0x1, s1;
	s12 =	sshll.u32 s13, $0x1  }
0x4: {  	s4 =	rddreg [dreg:$0x2];
	s11 =	smul.u32 $0xC800, s13;
	s5 =	sor.u32 s3, s12  }
0x5: {  	s6 =	rddreg [dreg:$0x3];
	s7 =	smul.u32 $0x6400, s5  }
0x6: {  	s8 =	rddreg [dreg:$0x6];
	s1 =	simm.s32 $0x0;
	s20 =	smul.u32 $0x6400, s3  }
0x7: {  	[smem:$0x7FF] =	sst s1;
	s7 =	sshrl.u32 s7, $0x3  }
0x8: {  	s22 =	sadd.s32 s20, s11;
	s20 =	rddreg [dreg:$0x4];
	s14 =	sadd.s32 s0, s7  }
0x9: {  	s15 =	sadd.s32 s2, s7;
	[dreg:$0x8] =	wrdreg s14  }
0xa: {  	s16 =	sadd.s32 s4, s7;
	[dreg:$0x9] =	wrdreg s15  }
0xb: {  	s17 =	sadd.s32 s6, s7;
	[dreg:$0xa] =	wrdreg s16  }
0xc: {  	s9 =	ssub.s32 $0x2, s3;
	s18 =	sor.u32 $0x28, s7;
	[dreg:$0xb] =	wrdreg s17  }
0xd: {  	s10 =	sshrl.u32 s9, $0x1;
	s12 =	sadd.s32 s0, s18;
	s16 =	rddreg [dreg:$0x5]  }
0xe: {  	s5 =	smul.u32 $0x44C000, s5;
	s19 =	sadd.s32 s2, s18;
	[dreg:$0xc] =	wrdreg s12  }
0xf: {  	s9 =	ssub.s32 s9, s10;
	s14 =	sadd.s32 s4, s18;
	[dreg:$0xd] =	wrdreg s19  }
0x10: {  	s21 =	sor.u32 $0x50, s7;
	s10 =	sadd.s32 s6, s18;
	[dreg:$0xe] =	wrdreg s14  }
0x11: {  	s5 =	sshrl.u32 s5, $0x3;
	s23 =	sadd.s32 s0, s21;
	[dreg:$0xf] =	wrdreg s10  }
0x12: {  	s24 =	sadd.s32 $0x500, s22;
	s26 =	sadd.s32 s2, s21;
	[dreg:$0x11] =	wrdreg s23  }
0x13: {  	s29 =	sadd.s32 s4, s21;
	s14 =	sadd.s32 s8, s5;
	[dreg:$0x12] =	wrdreg s26  }
0x14: {  	[dreg:$0x13] =	wrdreg s29;
	s10 =	sshrl.u32 s24, $0x3;
	s5 =	sadd.s32 s6, s21  }
0x15: {  	s30 =	simm.s32 $0xE600;
	[dreg:$0x14] =	wrdreg s5;
	s31 =	sadd.s32 s10, s6  }
0x16: {  	s25 =	smul.u32 $0x113000, s13;
	s12 =	sadd.s32 s10, s4;
	[dreg:$0x15] =	wrdreg s31  }
0x17: {  	s7 =	sor.u32 $0x3C0, s22;
	s13 =	sadd.s32 s10, s2;
	[dreg:$0x16] =	wrdreg s12  }
0x18: {  	s7 =	sshrl.u32 s7, $0x3;
	s15 =	sadd.s32 s10, s0;
	[dreg:$0x17] =	wrdreg s13  }
0x19: {  	s3 =	smul.u32 $0x89800, s3;
	s6 =	sadd.s32 s7, s6;
	[dreg:$0x18] =	wrdreg s15  }
0x1a: {  	s11 =	sadd.s32 s25, s8;
	s4 =	sadd.s32 s7, s4;
	[dreg:$0x19] =	wrdreg s6  }
0x1b: {  	s17 =	sadd.s32 s3, s11;
	s2 =	sadd.s32 s7, s2;
	[dreg:$0x1a] =	wrdreg s4  }
0x1c: {  	s18 =	smax.u32 s9, $0x1;
	s0 =	sadd.s32 s7, s0;
	[dreg:$0x1b] =	wrdreg s2  }
0x1d: {  	s9 =	simm.s32 $0x1;
	s11 =	simm.s32 $0x80;
	[dreg:$0x1c] =	wrdreg s0  }
0x1e: {  	s0 =	sadd.s32 $0x1B90, s17;
	_ =	strace $0x80000047;
	[dreg:$0x1d] =	wrdreg s18  }
0x1f: {  	s25 =	sadd.s32 $0x800, s16;
	s19 =	sadd.s32 $0x10, s14;
	[dreg:$0x1e] =	wrdreg s0  }
0x20: {  	s26 =	sadd.s32 $0xA00, s16;
	s21 =	sadd.s32 $0x12, s14;
	[dreg:$0x1f] =	wrdreg s19  }
0x21: {  	s28 =	sadd.s32 $0xE00, s16;
	s22 =	sadd.s32 $0x14, s14;
	[smem:$0x7F8] =	sst s21  }
0x22: {  	s8 =	simm.s32 $0x280;
	s23 =	sadd.s32 $0x87C80, s14;
	[smem:$0x7F9] =	sst s22  }
0x23: {  	s16 =	simm.s32 $0x2;
	s24 =	sadd.s32 $0x87C90, s14;
	[smem:$0x7FA] =	sst s23  }
0x24: {  	s29 =	sadd.s32 $0x87C92, s14;
	s7 =	simm.s32 $0x140;
	[smem:$0x7FB] =	sst s24  }
.Ltmp0:
0x25: {  	s31 =	sadd.s32 $0x87C94, s14;
	[smem:$0x7FC] =	sst s29;
	(pc) =	sbr.rel .LBB2_1-.Ltmp0, $4  }
0x26: {  	s12 =	simm.s32 $0x3C0;
	s15 =	simm.s32 $0x1AE00;
	[dreg:$0x10] =	wrdreg s14  }
0x27: {  	s17 =	simm.s32 $0xB0;
	s2 =	simm.s32 $0x0;
	[smem:$0x7FD] =	sst s31  }
0x28: {  	s14 =	simm.s32 $0x40;
	s0 =	simm.s32 $0x4;
	s18 =	simm.s32 $0x10  }
0x29: {  	s21 =	simm.s32 $0x3;
	s22 =	simm.s32 $0x5;
	s23 =	simm.s32 $0x6  }
.LBB2_4:
0x2a: {  	_ =	swait.ge [sflag:s22], $0x4000  }
0x2b: {  	[sflag:s22] =	ssyncset.done $0x0  }
0x2c: {  	[sflag:s22] =	ssyncadd.s32 $0xFFFFC000  }
0x2d: {  	_ =	swait.ge [sflag:s22], $0x4000  }
0x2e: {  	[sflag:s22] =	ssyncset.done $0x0  }
0x2f: {  	[sflag:s22] =	ssyncadd.s32 $0xFFFFC000  }
0x30: {  	_ =	swait.ge [sflag:s22], $0x2000  }
0x31: {  	[sflag:s22] =	ssyncset.done $0x0  }
0x32: {  	[sflag:s22] =	ssyncadd.s32 $0xFFFFE000  }
0x33: {  	_ =	swait.ge [sflag:s22], $0x800  }
0x34: {  	[sflag:s22] =	ssyncset.done $0x0  }
0x35: {  	[sflag:s22] =	ssyncadd.s32 $0xFFFFF800  }
0x36: {  	_ =	swait.ge [sflag:s22], $0x800  }
0x37: {  	[sflag:s22] =	ssyncset.done $0x0  }
0x38: {  	[sflag:s22] =	ssyncadd.s32 $0xFFFFF800  }
0x39: {  	_ =	swait.ge [sflag:s22], $0x400  }
0x3a: {  	[sflag:s22] =	ssyncset.done $0x0  }
0x3b: {  	[sflag:s22] =	ssyncadd.s32 $0xFFFFFC00  }
0x3c: {  	_ =	swait.ge [sflag:s22], $0x800  }
0x3d: {  	[sflag:s22] =	ssyncset.done $0x0  }
0x3e: {  	[sflag:s22] =	ssyncadd.s32 $0xFFFFF800  }
0x3f: {  	_ =	swait.ge [sflag:s22], $0x800  }
0x40: {  	[sflag:s22] =	ssyncset.done $0x0  }
0x41: {  	[sflag:s22] =	ssyncadd.s32 $0xFFFFF800  }
0x42: {  	_ =	swait.ge [sflag:s22], $0x400  }
0x43: {  	[sflag:s22] =	ssyncset.done $0x0  }
0x44: {  	[sflag:s22] =	ssyncadd.s32 $0xFFFFFC00  }
0x45: {  	_ =	swait.ge [sflag:s22], $0x800  }
0x46: {  	[sflag:s22] =	ssyncset.done $0x0  }
0x47: {  	[sflag:s22] =	ssyncadd.s32 $0xFFFFF800  }
0x48: {  	_ =	swait.ge [sflag:s22], $0x800  }
0x49: {  	[sflag:s22] =	ssyncset.done $0x0  }
0x4a: {  	[sflag:s22] =	ssyncadd.s32 $0xFFFFF800  }
0x4b: {  	_ =	swait.ge [sflag:s22], $0x400  }
0x4c: {  	s6 =	sld [smem:$0x7FA]  }
0x4d: {  	[sflag:s22] =	ssyncset.done $0x0  }
0x4e: {  	s30 =	simm.s32 $0xE600;
	s19 =	sld [smem:$0x7FB];
	[sflag:s22] =	ssyncadd.s32 $0xFFFFFC00  }
0x4f: {  	[hbm4b:s6+s11] =	stream.strided.scatter [tilespmem:s30], [sflag:$0x6], $0xA000, s17, s11, $0x38;
	[tilespmem:$0x1C200] =	vst v63  }
0x50: {  	s24 =	sld [smem:$0x7FC]  }
0x51: {  	[hbm4b:s19+s18] =	stream.strided.scatter [tilespmem:s13], [sflag:$0x6], $0x1400, s17, s18, $0x38;
	[tilespmem:$0x1C200] =	vst v63  }
0x52: {  	_ = 	snop  }
0x53: {  	[hbm4b:s24+s18] =	stream.strided.scatter [tilespmem:s29], [sflag:$0x6], $0x1400, s17, s18, $0x38;
	[tilespmem:$0x1C200] =	vst v63  }
0x54: {  	s29 =	sld [smem:$0x7FD];
	_ =	sdelay $0x2  }
0x55: {  	[hbm4b:s29+s18] =	stream.strided.scatter [tilespmem:s15], [sflag:$0x6], $0x1400, s17, s18, $0x38;
	[tilespmem:$0x1C200] =	vst v63  }
0x56: {  	_ =	swait.ge [sflag:s21], $0xA000  }
0x57: {  	[sflag:s21] =	ssyncset.done $0x0  }
0x58: {  	[sflag:s21] =	ssyncadd.s32 $0xFFFF6000  }
0x59: {  	_ =	swait.ge [sflag:s21], $0x1400  }
0x5a: {  	[sflag:s21] =	ssyncset.done $0x0  }
0x5b: {  	[sflag:s21] =	ssyncadd.s32 $0xFFFFEC00  }
0x5c: {  	_ =	swait.ge [sflag:s21], $0x1400  }
0x5d: {  	[sflag:s21] =	ssyncset.done $0x0  }
0x5e: {  	[sflag:s21] =	ssyncadd.s32 $0xFFFFEC00  }
0x5f: {  	_ =	swait.ge [sflag:s21], $0x1400  }
0x60: {  	[sflag:s21] =	ssyncset.done $0x0  }
0x61: {  	[sflag:s21] =	ssyncadd.s32 $0xFFFFEC00  }
0x62: {  	_ =	swait.ge [sflag:s23], $0xA000  }
0x63: {  	[sflag:s23] =	ssyncset.done $0x0  }
0x64: {  	[sflag:s23] =	ssyncadd.s32 $0xFFFF6000  }
0x65: {  	_ =	swait.ge [sflag:s23], $0x1400  }
0x66: {  	[sflag:s23] =	ssyncset.done $0x0  }
0x67: {  	[sflag:s23] =	ssyncadd.s32 $0xFFFFEC00  }
0x68: {  	_ =	swait.ge [sflag:s23], $0x1400  }
0x69: {  	[sflag:s23] =	ssyncset.done $0x0  }
0x6a: {  	[sflag:s23] =	ssyncadd.s32 $0xFFFFEC00  }
0x6b: {  	_ =	swait.ge [sflag:s23], $0x1400  }
0x6c: {  	s2 =	sld [smem:$0x7F7];
	_ =	sdelay $0x2  }
0x6d: {  	s31 =	rddreg [dreg:$0x1d];
	s2 =	sadd.s32 $0x1, s2  }
0x6e: {  	p0 =	sne.s32 s2, s31  }
.Ltmp1:
0x6f: {  	_ = 	snop;
	(pc) =	sbr.rel @!p0 .LBB2_5-.Ltmp1, $3  }
0x70: {  	_ =	sdelay $0x1  }
0x71: {  	s7 =	simm.s32 $0x140;
	[sflag:s23] =	ssyncset.done $0x0  }
0x72: {  	s8 =	simm.s32 $0x280;
	s12 =	simm.s32 $0x3C0;
	[sflag:s23] =	ssyncadd.s32 $0xFFFFEC00  }
.LBB2_1:
0x73: {  	[smem:$0x7F7] =	sst s2  }
0x74: {  	s6 =	rddreg [dreg:$0x8]  }
0x75: {  	[tilespmem:s1], [sflag:$0x1] =	stream.linear.gather [hbm4b:s6+s1], $0x140, $0x38;
	[tilespmem:$0x1C200] =	vst v63  }
0x76: {  	s13 =	rddreg [dreg:$0x9]  }
0x77: {  	[tilespmem:s7], [sflag:$0x1] =	stream.linear.gather [hbm4b:s13+s1], $0x140, $0x38;
	[tilespmem:$0x1C200] =	vst v63  }
0x78: {  	s19 =	rddreg [dreg:$0xa]  }
0x79: {  	[tilespmem:s8], [sflag:$0x1] =	stream.linear.gather [hbm4b:s19+s1], $0x140, $0x38;
	[tilespmem:$0x1C200] =	vst v63  }
0x7a: {  	s24 =	rddreg [dreg:$0xb]  }
0x7b: {  	[tilespmem:s12], [sflag:$0x1] =	stream.linear.gather [hbm4b:s24+s1], $0x140, $0x38;
	[tilespmem:$0x1C200] =	vst v63  }
0x7c: {  	_ =	swait.ge [sflag:s9], $0x140  }
0x7d: {  	[sflag:s9] =	ssyncset.done $0x0  }
0x7e: {  	[sflag:s9] =	ssyncadd.s32 $0xFFFFFEC0  }
0x7f: {  	_ =	swait.ge [sflag:s9], $0x140  }
0x80: {  	[sflag:s9] =	ssyncset.done $0x0  }
0x81: {  	[sflag:s9] =	ssyncadd.s32 $0xFFFFFEC0  }
0x82: {  	_ =	swait.ge [sflag:s9], $0x140  }
0x83: {  	[sflag:s9] =	ssyncset.done $0x0  }
0x84: {  	[sflag:s9] =	ssyncadd.s32 $0xFFFFFEC0  }
0x85: {  	_ =	swait.ge [sflag:s9], $0x140  }
0x86: {  	[sflag:s9] =	ssyncset.done $0x0  }
0x87: {  	s31 =	simm.s32 $0x500;
	[sflag:s9] =	ssyncadd.s32 $0xFFFFFEC0  }
0x88: {  	[tilespmem:s31], [sflag:$0x2] =	stream.indirect.gather [hbm4b:s20+s11], $0x80, s1, s11, $0xb8;
	[tilespmem:$0x1C200] =	vst v63  }
0x89: {  	s3 =	simm.s32 $0x4500  }
0x8a: {  	[tilespmem:s3], [sflag:$0x2] =	stream.indirect.gather [hbm4b:s20+s11], $0x80, s11, s11, $0xb8;
	[tilespmem:$0x1C200] =	vst v63  }
0x8b: {  	s4 =	simm.s32 $0x100;
	s19 =	simm.s32 $0x8500  }
0x8c: {  	[tilespmem:s19], [sflag:$0x2] =	stream.indirect.gather [hbm4b:s20+s14], $0x80, s4, s14, $0xb8;
	[tilespmem:$0x1C200] =	vst v63  }
0x8d: {  	s19 =	simm.s32 $0xA500  }
0x8e: {  	[tilespmem:s19], [sflag:$0x2] =	stream.indirect.gather [hbm4b:s25+s11], $0x10, s7, s11, $0xb8;
	[tilespmem:$0x1C200] =	vst v63  }
0x8f: {  	s5 =	simm.s32 $0x1C0;
	s24 =	simm.s32 $0xAD00  }
0x90: {  	[tilespmem:s24], [sflag:$0x2] =	stream.indirect.gather [hbm4b:s25+s11], $0x10, s5, s11, $0xb8;
	[tilespmem:$0x1C200] =	vst v63  }
0x91: {  	s10 =	simm.s32 $0x240;
	s13 =	simm.s32 $0xB500  }
0x92: {  	[tilespmem:s13], [sflag:$0x2] =	stream.indirect.gather [hbm4b:s25+s14], $0x10, s10, s14, $0xb8;
	[tilespmem:$0x1C200] =	vst v63  }
0x93: {  	s5 =	simm.s32 $0xB900  }
0x94: {  	[tilespmem:s5], [sflag:$0x2] =	stream.indirect.gather [hbm4b:s26+s11], $0x10, s8, s11, $0xb8;
	[tilespmem:$0x1C200] =	vst v63  }
0x95: {  	s31 =	simm.s32 $0xC100;
	s24 =	simm.s32 $0x300  }
0x96: {  	[tilespmem:s31], [sflag:$0x2] =	stream.indirect.gather [hbm4b:s26+s11], $0x10, s24, s11, $0xb8;
	[tilespmem:$0x1C200] =	vst v63  }
0x97: {  	s2 =	simm.s32 $0x380;
	s3 =	simm.s32 $0xC900  }
0x98: {  	[tilespmem:s3], [sflag:$0x2] =	stream.indirect.gather [hbm4b:s26+s14], $0x10, s2, s14, $0xb8;
	[tilespmem:$0x1C200] =	vst v63  }
0x99: {  	s10 =	simm.s32 $0xCD00  }
0x9a: {  	[tilespmem:s10], [sflag:$0x2] =	stream.indirect.gather [hbm4b:s28+s11], $0x10, s12, s11, $0xb8;
	[tilespmem:$0x1C200] =	vst v63  }
0x9b: {  	s4 =	simm.s32 $0x440;
	s13 =	simm.s32 $0xD500  }
0x9c: {  	[tilespmem:s13], [sflag:$0x2] =	stream.indirect.gather [hbm4b:s28+s11], $0x10, s4, s11, $0xb8;
	[tilespmem:$0x1C200] =	vst v63  }
0x9d: {  	s31 =	simm.s32 $0x4C0;
	s2 =	simm.s32 $0xDD00  }
0x9e: {  	[tilespmem:s2], [sflag:$0x2] =	stream.indirect.gather [hbm4b:s28+s14], $0x10, s31, s14, $0xb8;
	[tilespmem:$0x1C200] =	vst v63  }
0x9f: {  	s24 =	simm.s32 $0xE100;
	s3 =	rddreg [dreg:$0xc]  }
0xa0: {  	[tilespmem:s24], [sflag:$0x4] =	stream.linear.gather [hbm4b:s3+s1], $0x140, $0x38;
	[tilespmem:$0x1C200] =	vst v63  }
0xa1: {  	s4 =	rddreg [dreg:$0xd];
	s13 =	simm.s32 $0xE240  }
0xa2: {  	[tilespmem:s13], [sflag:$0x4] =	stream.linear.gather [hbm4b:s4+s1], $0x140, $0x38;
	[tilespmem:$0x1C200] =	vst v63  }
0xa3: {  	s29 =	simm.s32 $0xE380;
	s2 =	rddreg [dreg:$0xe]  }
0xa4: {  	[tilespmem:s29], [sflag:$0x4] =	stream.linear.gather [hbm4b:s2+s1], $0x140, $0x38;
	[tilespmem:$0x1C200] =	vst v63  }
0xa5: {  	s3 =	rddreg [dreg:$0xf];
	s2 =	simm.s32 $0xE4C0  }
0xa6: {  	[tilespmem:s2], [sflag:$0x4] =	stream.linear.gather [hbm4b:s3+s1], $0x140, $0x38;
	[tilespmem:$0x1C200] =	vst v63  }
0xa7: {  	_ =	swait.ge [sflag:s0], $0x140  }
0xa8: {  	[sflag:s0] =	ssyncset.done $0x0  }
0xa9: {  	[sflag:s0] =	ssyncadd.s32 $0xFFFFFEC0  }
0xaa: {  	_ =	swait.ge [sflag:s0], $0x140  }
0xab: {  	[sflag:s0] =	ssyncset.done $0x0  }
0xac: {  	[sflag:s0] =	ssyncadd.s32 $0xFFFFFEC0  }
0xad: {  	_ =	swait.ge [sflag:s0], $0x140  }
0xae: {  	[sflag:s0] =	ssyncset.done $0x0  }
0xaf: {  	[sflag:s0] =	ssyncadd.s32 $0xFFFFFEC0  }
0xb0: {  	_ =	swait.ge [sflag:s0], $0x140  }
0xb1: {  	[sflag:s0] =	ssyncset.done $0x0  }
0xb2: {  	[sflag:s0] =	ssyncadd.s32 $0xFFFFFEC0  }
0xb3: {  	[tilespmem:s30], [sflag:$0x5] =	stream.indirect.gather [hbm4b:s20+s11], $0x80, s24, s11, $0xb8;
	[tilespmem:$0x1C200] =	vst v63  }
0xb4: {  	s3 =	simm.s32 $0xE180;
	s30 =	simm.s32 $0x12600  }
0xb5: {  	[tilespmem:s30], [sflag:$0x5] =	stream.indirect.gather [hbm4b:s20+s11], $0x80, s3, s11, $0xb8;
	[tilespmem:$0x1C200] =	vst v63  }
0xb6: {  	s24 =	simm.s32 $0xE200;
	s30 =	simm.s32 $0x16600  }
0xb7: {  	[tilespmem:s30], [sflag:$0x5] =	stream.indirect.gather [hbm4b:s20+s14], $0x80, s24, s14, $0xb8;
	[tilespmem:$0x1C200] =	vst v63  }
0xb8: {  	s31 =	simm.s32 $0x18600  }
0xb9: {  	[tilespmem:s31], [sflag:$0x5] =	stream.indirect.gather [hbm4b:s25+s11], $0x10, s13, s11, $0xb8;
	[tilespmem:$0x1C200] =	vst v63  }
0xba: {  	s6 =	simm.s32 $0xE2C0;
	s24 =	simm.s32 $0x18E00  }
0xbb: {  	[tilespmem:s24], [sflag:$0x5] =	stream.indirect.gather [hbm4b:s25+s11], $0x10, s6, s11, $0xb8;
	[tilespmem:$0x1C200] =	vst v63  }
0xbc: {  	s30 =	simm.s32 $0xE340;
	s31 =	simm.s32 $0x19600  }
0xbd: {  	[tilespmem:s31], [sflag:$0x5] =	stream.indirect.gather [hbm4b:s25+s14], $0x10, s30, s14, $0xb8;
	[tilespmem:$0x1C200] =	vst v63  }
0xbe: {  	s4 =	simm.s32 $0x19A00  }
0xbf: {  	[tilespmem:s4], [sflag:$0x5] =	stream.indirect.gather [hbm4b:s26+s11], $0x10, s29, s11, $0xb8;
	[tilespmem:$0x1C200] =	vst v63  }
0xc0: {  	s6 =	simm.s32 $0xE400;
	s24 =	simm.s32 $0x1A200  }
0xc1: {  	[tilespmem:s24], [sflag:$0x5] =	stream.indirect.gather [hbm4b:s26+s11], $0x10, s6, s11, $0xb8;
	[tilespmem:$0x1C200] =	vst v63  }
0xc2: {  	s30 =	simm.s32 $0xE480;
	s31 =	simm.s32 $0x1AA00  }
0xc3: {  	[tilespmem:s31], [sflag:$0x5] =	stream.indirect.gather [hbm4b:s26+s14], $0x10, s30, s14, $0xb8;
	[tilespmem:$0x1C200] =	vst v63  }
0xc4: {  	_ = 	snop  }
0xc5: {  	[tilespmem:s15], [sflag:$0x5] =	stream.indirect.gather [hbm4b:s28+s11], $0x10, s2, s11, $0xb8;
	[tilespmem:$0x1C200] =	vst v63  }
0xc6: {  	s3 =	simm.s32 $0xE540;
	s4 =	simm.s32 $0x1B600  }
0xc7: {  	[tilespmem:s4], [sflag:$0x5] =	stream.indirect.gather [hbm4b:s28+s11], $0x10, s3, s11, $0xb8;
	[tilespmem:$0x1C200] =	vst v63  }
0xc8: {  	s6 =	simm.s32 $0xE5C0;
	s24 =	simm.s32 $0x1BE00  }
0xc9: {  	[tilespmem:s24], [sflag:$0x5] =	stream.indirect.gather [hbm4b:s28+s14], $0x10, s6, s14, $0xb8;
	[tilespmem:$0x1C200] =	vst v63  }
0xca: {  	_ =	swait.ge [sflag:s16], $0x4000  }
0xcb: {  	[sflag:s16] =	ssyncset.done $0x0  }
0xcc: {  	[sflag:s16] =	ssyncadd.s32 $0xFFFFC000  }
0xcd: {  	_ =	swait.ge [sflag:s16], $0x4000  }
0xce: {  	[sflag:s16] =	ssyncset.done $0x0  }
0xcf: {  	[sflag:s16] =	ssyncadd.s32 $0xFFFFC000  }
0xd0: {  	_ =	swait.ge [sflag:s16], $0x2000  }
0xd1: {  	[sflag:s16] =	ssyncset.done $0x0  }
0xd2: {  	[sflag:s16] =	ssyncadd.s32 $0xFFFFE000  }
0xd3: {  	_ =	swait.ge [sflag:s16], $0x800  }
0xd4: {  	[sflag:s16] =	ssyncset.done $0x0  }
0xd5: {  	[sflag:s16] =	ssyncadd.s32 $0xFFFFF800  }
0xd6: {  	_ =	swait.ge [sflag:s16], $0x800  }
0xd7: {  	[sflag:s16] =	ssyncset.done $0x0  }
0xd8: {  	[sflag:s16] =	ssyncadd.s32 $0xFFFFF800  }
0xd9: {  	_ =	swait.ge [sflag:s16], $0x400  }
0xda: {  	[sflag:s16] =	ssyncset.done $0x0  }
0xdb: {  	[sflag:s16] =	ssyncadd.s32 $0xFFFFFC00  }
0xdc: {  	_ =	swait.ge [sflag:s16], $0x800  }
0xdd: {  	[sflag:s16] =	ssyncset.done $0x0  }
0xde: {  	[sflag:s16] =	ssyncadd.s32 $0xFFFFF800  }
0xdf: {  	_ =	swait.ge [sflag:s16], $0x800  }
0xe0: {  	[sflag:s16] =	ssyncset.done $0x0  }
0xe1: {  	[sflag:s16] =	ssyncadd.s32 $0xFFFFF800  }
0xe2: {  	_ =	swait.ge [sflag:s16], $0x400  }
0xe3: {  	[sflag:s16] =	ssyncset.done $0x0  }
0xe4: {  	[sflag:s16] =	ssyncadd.s32 $0xFFFFFC00  }
0xe5: {  	_ =	swait.ge [sflag:s16], $0x800  }
0xe6: {  	[sflag:s16] =	ssyncset.done $0x0  }
0xe7: {  	[sflag:s16] =	ssyncadd.s32 $0xFFFFF800  }
0xe8: {  	_ =	swait.ge [sflag:s16], $0x800  }
0xe9: {  	[sflag:s16] =	ssyncset.done $0x0  }
0xea: {  	[sflag:s16] =	ssyncadd.s32 $0xFFFFF800  }
0xeb: {  	_ =	swait.ge [sflag:s16], $0x400  }
0xec: {  	[sflag:s16] =	ssyncset.done $0x0;
	s30 =	rddreg [dreg:$0x10]  }
0xed: {  	s31 =	simm.s32 $0x500;
	s3 =	rddreg [dreg:$0x1f];
	[sflag:s16] =	ssyncadd.s32 $0xFFFFFC00  }
0xee: {  	[hbm4b:s30+s11] =	stream.strided.scatter [tilespmem:s31], [sflag:$0x3], $0xA000, s17, s11, $0x38;
	[tilespmem:$0x1C200] =	vst v63  }
0xef: {  	s4 =	sld [smem:$0x7F8]  }
0xf0: {  	[hbm4b:s3+s18] =	stream.strided.scatter [tilespmem:s19], [sflag:$0x3], $0x1400, s17, s18, $0x38;
	[tilespmem:$0x1C200] =	vst v63  }
0xf1: {  	_ = 	snop  }
0xf2: {  	[hbm4b:s4+s18] =	stream.strided.scatter [tilespmem:s5], [sflag:$0x3], $0x1400, s17, s18, $0x38;
	[tilespmem:$0x1C200] =	vst v63  }
0xf3: {  	s5 =	sld [smem:$0x7F9];
	_ =	sdelay $0x1  }
0xf4: {  	s24 =	rddreg [dreg:$0x12]  }
0xf5: {  	[hbm4b:s5+s18] =	stream.strided.scatter [tilespmem:s10], [sflag:$0x3], $0x1400, s17, s18, $0x38;
	[tilespmem:$0x1C200] =	vst v63  }
0xf6: {  	s19 =	rddreg [dreg:$0x11]  }
0xf7: {  	[tilespmem:s1], [sflag:$0x1] =	stream.linear.gather [hbm4b:s19+s1], $0x140, $0x38;
	[tilespmem:$0x1C200] =	vst v63  }
0xf8: {  	s30 =	rddreg [dreg:$0x13]  }
0xf9: {  	[tilespmem:s7], [sflag:$0x1] =	stream.linear.gather [hbm4b:s24+s1], $0x140, $0x38;
	[tilespmem:$0x1C200] =	vst v63  }
0xfa: {  	s13 =	simm.s32 $0x18600;
	s31 =	rddreg [dreg:$0x14]  }
0xfb: {  	[tilespmem:s8], [sflag:$0x1] =	stream.linear.gather [hbm4b:s30+s1], $0x140, $0x38;
	[tilespmem:$0x1C200] =	vst v63  }
0xfc: {  	s29 =	simm.s32 $0x19A00;
	s6 =	simm.s32 $0x0;
	s24 =	rddreg [dreg:$0x1e]  }
0xfd: {  	[tilespmem:s12], [sflag:$0x1] =	stream.linear.gather [hbm4b:s31+s1], $0x140, $0x38;
	[tilespmem:$0x1C200] =	vst v63  }
.LBB2_2:
0xfe: {  	_ =	swait.ge [sflag:s9], $0x140  }
0xff: {  	[sflag:s9] =	ssyncset.done $0x0  }
0x100: {  	[sflag:s9] =	ssyncadd.s32 $0xFFFFFEC0  }
0x101: {  	_ =	swait.ge [sflag:s9], $0x140  }
0x102: {  	[sflag:s9] =	ssyncset.done $0x0  }
0x103: {  	[sflag:s9] =	ssyncadd.s32 $0xFFFFFEC0  }
0x104: {  	_ =	swait.ge [sflag:s9], $0x140  }
0x105: {  	[sflag:s9] =	ssyncset.done $0x0  }
0x106: {  	[sflag:s9] =	ssyncadd.s32 $0xFFFFFEC0  }
0x107: {  	_ =	swait.ge [sflag:s9], $0x140  }
0x108: {  	[sflag:s9] =	ssyncset.done $0x0  }
0x109: {  	[sflag:s9] =	ssyncadd.s32 $0xFFFFFEC0  }
0x10a: {  	_ =	swait.ge [sflag:s21], $0xA000  }
0x10b: {  	[sflag:s21] =	ssyncset.done $0x0  }
0x10c: {  	[sflag:s21] =	ssyncadd.s32 $0xFFFF6000  }
0x10d: {  	_ =	swait.ge [sflag:s21], $0x1400  }
0x10e: {  	[sflag:s21] =	ssyncset.done $0x0  }
0x10f: {  	[sflag:s21] =	ssyncadd.s32 $0xFFFFEC00  }
0x110: {  	_ =	swait.ge [sflag:s21], $0x1400  }
0x111: {  	[sflag:s21] =	ssyncset.done $0x0  }
0x112: {  	[sflag:s21] =	ssyncadd.s32 $0xFFFFEC00  }
0x113: {  	_ =	swait.ge [sflag:s21], $0x1400  }
0x114: {  	[sflag:s21] =	ssyncset.done $0x0  }
0x115: {  	s4 =	simm.s32 $0x500;
	[sflag:s21] =	ssyncadd.s32 $0xFFFFEC00  }
0x116: {  	[tilespmem:s4], [sflag:$0x2] =	stream.indirect.gather [hbm4b:s20+s11], $0x80, s1, s11, $0xb8;
	[tilespmem:$0x1C200] =	vst v63  }
0x117: {  	s19 =	simm.s32 $0x4500  }
0x118: {  	[tilespmem:s19], [sflag:$0x2] =	stream.indirect.gather [hbm4b:s20+s11], $0x80, s11, s11, $0xb8;
	[tilespmem:$0x1C200] =	vst v63  }
0x119: {  	s30 =	simm.s32 $0x100;
	s31 =	simm.s32 $0x8500  }
0x11a: {  	[tilespmem:s31], [sflag:$0x2] =	stream.indirect.gather [hbm4b:s20+s14], $0x80, s30, s14, $0xb8;
	[tilespmem:$0x1C200] =	vst v63  }
0x11b: {  	s31 =	simm.s32 $0xA500  }
0x11c: {  	[tilespmem:s31], [sflag:$0x2] =	stream.indirect.gather [hbm4b:s25+s11], $0x10, s7, s11, $0xb8;
	[tilespmem:$0x1C200] =	vst v63  }
0x11d: {  	s2 =	simm.s32 $0x1C0;
	s3 =	simm.s32 $0xAD00  }
0x11e: {  	[tilespmem:s3], [sflag:$0x2] =	stream.indirect.gather [hbm4b:s25+s11], $0x10, s2, s11, $0xb8;
	[tilespmem:$0x1C200] =	vst v63  }
0x11f: {  	s5 =	simm.s32 $0x240;
	s10 =	simm.s32 $0xB500  }
0x120: {  	[tilespmem:s10], [sflag:$0x2] =	stream.indirect.gather [hbm4b:s25+s14], $0x10, s5, s14, $0xb8;
	[tilespmem:$0x1C200] =	vst v63  }
0x121: {  	s5 =	simm.s32 $0xB900  }
0x122: {  	[tilespmem:s5], [sflag:$0x2] =	stream.indirect.gather [hbm4b:s26+s11], $0x10, s8, s11, $0xb8;
	[tilespmem:$0x1C200] =	vst v63  }
0x123: {  	s19 =	simm.s32 $0x300;
	s30 =	simm.s32 $0xC100  }
0x124: {  	[tilespmem:s30], [sflag:$0x2] =	stream.indirect.gather [hbm4b:s26+s11], $0x10, s19, s11, $0xb8;
	[tilespmem:$0x1C200] =	vst v63  }
0x125: {  	s2 =	simm.s32 $0x380;
	s3 =	simm.s32 $0xC900  }
0x126: {  	[tilespmem:s3], [sflag:$0x2] =	stream.indirect.gather [hbm4b:s26+s14], $0x10, s2, s14, $0xb8;
	[tilespmem:$0x1C200] =	vst v63  }
0x127: {  	s10 =	simm.s32 $0xCD00  }
0x128: {  	[tilespmem:s10], [sflag:$0x2] =	stream.indirect.gather [hbm4b:s28+s11], $0x10, s12, s11, $0xb8;
	[tilespmem:$0x1C200] =	vst v63  }
0x129: {  	s8 =	simm.s32 $0x440;
	s12 =	simm.s32 $0xD500  }
0x12a: {  	[tilespmem:s12], [sflag:$0x2] =	stream.indirect.gather [hbm4b:s28+s11], $0x10, s8, s11, $0xb8;
	[tilespmem:$0x1C200] =	vst v63  }
0x12b: {  	s19 =	simm.s32 $0x4C0;
	s30 =	simm.s32 $0xDD00  }
0x12c: {  	[tilespmem:s30], [sflag:$0x2] =	stream.indirect.gather [hbm4b:s28+s14], $0x10, s19, s14, $0xb8;
	[tilespmem:$0x1C200] =	vst v63  }
0x12d: {  	_ =	swait.ge [sflag:s22], $0x4000  }
0x12e: {  	[sflag:s22] =	ssyncset.done $0x0  }
0x12f: {  	[sflag:s22] =	ssyncadd.s32 $0xFFFFC000  }
0x130: {  	_ =	swait.ge [sflag:s22], $0x4000  }
0x131: {  	[sflag:s22] =	ssyncset.done $0x0  }
0x132: {  	[sflag:s22] =	ssyncadd.s32 $0xFFFFC000  }
0x133: {  	_ =	swait.ge [sflag:s22], $0x2000  }
0x134: {  	[sflag:s22] =	ssyncset.done $0x0  }
0x135: {  	[sflag:s22] =	ssyncadd.s32 $0xFFFFE000  }
0x136: {  	_ =	swait.ge [sflag:s22], $0x800  }
0x137: {  	[sflag:s22] =	ssyncset.done $0x0  }
0x138: {  	[sflag:s22] =	ssyncadd.s32 $0xFFFFF800  }
0x139: {  	_ =	swait.ge [sflag:s22], $0x800  }
0x13a: {  	[sflag:s22] =	ssyncset.done $0x0  }
0x13b: {  	[sflag:s22] =	ssyncadd.s32 $0xFFFFF800  }
0x13c: {  	_ =	swait.ge [sflag:s22], $0x400  }
0x13d: {  	[sflag:s22] =	ssyncset.done $0x0  }
0x13e: {  	[sflag:s22] =	ssyncadd.s32 $0xFFFFFC00  }
0x13f: {  	_ =	swait.ge [sflag:s22], $0x800  }
0x140: {  	[sflag:s22] =	ssyncset.done $0x0  }
0x141: {  	[sflag:s22] =	ssyncadd.s32 $0xFFFFF800  }
0x142: {  	_ =	swait.ge [sflag:s22], $0x800  }
0x143: {  	[sflag:s22] =	ssyncset.done $0x0  }
0x144: {  	[sflag:s22] =	ssyncadd.s32 $0xFFFFF800  }
0x145: {  	_ =	swait.ge [sflag:s22], $0x400  }
0x146: {  	[sflag:s22] =	ssyncset.done $0x0  }
0x147: {  	[sflag:s22] =	ssyncadd.s32 $0xFFFFFC00  }
0x148: {  	_ =	swait.ge [sflag:s22], $0x800  }
0x149: {  	[sflag:s22] =	ssyncset.done $0x0  }
0x14a: {  	[sflag:s22] =	ssyncadd.s32 $0xFFFFF800  }
0x14b: {  	_ =	swait.ge [sflag:s22], $0x800  }
0x14c: {  	[sflag:s22] =	ssyncset.done $0x0  }
0x14d: {  	[sflag:s22] =	ssyncadd.s32 $0xFFFFF800  }
0x14e: {  	_ =	swait.ge [sflag:s22], $0x400  }
0x14f: {  	[sflag:s22] =	ssyncset.done $0x0  }
0x150: {  	s2 =	sadd.s32 $0xFFFFFFF0, s24;
	s3 =	simm.s32 $0xE600;
	[sflag:s22] =	ssyncadd.s32 $0xFFFFFC00  }
0x151: {  	[hbm4b:s2+s11] =	stream.strided.scatter [tilespmem:s3], [sflag:$0x6], $0xA000, s17, s11, $0x38;
	[tilespmem:$0x1C200] =	vst v63  }
0x152: {  	_ = 	snop  }
0x153: {  	[hbm4b:s24+s18] =	stream.strided.scatter [tilespmem:s13], [sflag:$0x6], $0x1400, s17, s18, $0x38;
	[tilespmem:$0x1C200] =	vst v63  }
0x154: {  	s30 =	sadd.s32 $0x2, s24  }
0x155: {  	[hbm4b:s30+s18] =	stream.strided.scatter [tilespmem:s29], [sflag:$0x6], $0x1400, s17, s18, $0x38;
	[tilespmem:$0x1C200] =	vst v63  }
0x156: {  	s2 =	sadd.s32 $0x4, s24;
	s13 =	rddreg [dreg:$0x1c]  }
0x157: {  	[hbm4b:s2+s18] =	stream.strided.scatter [tilespmem:s15], [sflag:$0x6], $0x1400, s17, s18, $0x38;
	[tilespmem:$0x1C200] =	vst v63  }
0x158: {  	s7 =	sadd.s32 s6, s13;
	s13 =	simm.s32 $0xE100;
	s30 =	rddreg [dreg:$0x1b]  }
0x159: {  	[tilespmem:s13], [sflag:$0x4] =	stream.linear.gather [hbm4b:s7+s1], $0x140, $0x38;
	[tilespmem:$0x1C200] =	vst v63  }
0x15a: {  	s29 =	simm.s32 $0xE240;
	s2 =	rddreg [dreg:$0x1a];
	s7 =	sadd.s32 s6, s30  }
0x15b: {  	[tilespmem:s29], [sflag:$0x4] =	stream.linear.gather [hbm4b:s7+s1], $0x140, $0x38;
	[tilespmem:$0x1C200] =	vst v63  }
0x15c: {  	s30 =	rddreg [dreg:$0x19];
	s7 =	sadd.s32 s6, s2;
	s2 =	simm.s32 $0xE380  }
0x15d: {  	[tilespmem:s2], [sflag:$0x4] =	stream.linear.gather [hbm4b:s7+s1], $0x140, $0x38;
	[tilespmem:$0x1C200] =	vst v63  }
0x15e: {  	s7 =	sadd.s32 s6, s30;
	s30 =	simm.s32 $0xE4C0  }
0x15f: {  	[tilespmem:s30], [sflag:$0x4] =	stream.linear.gather [hbm4b:s7+s1], $0x140, $0x38;
	[tilespmem:$0x1C200] =	vst v63  }
0x160: {  	_ =	swait.ge [sflag:s0], $0x140  }
0x161: {  	[sflag:s0] =	ssyncset.done $0x0  }
0x162: {  	[sflag:s0] =	ssyncadd.s32 $0xFFFFFEC0  }
0x163: {  	_ =	swait.ge [sflag:s0], $0x140  }
0x164: {  	[sflag:s0] =	ssyncset.done $0x0  }
0x165: {  	[sflag:s0] =	ssyncadd.s32 $0xFFFFFEC0  }
0x166: {  	_ =	swait.ge [sflag:s0], $0x140  }
0x167: {  	[sflag:s0] =	ssyncset.done $0x0  }
0x168: {  	[sflag:s0] =	ssyncadd.s32 $0xFFFFFEC0  }
0x169: {  	_ =	swait.ge [sflag:s0], $0x140  }
0x16a: {  	[sflag:s0] =	ssyncset.done $0x0  }
0x16b: {  	[sflag:s0] =	ssyncadd.s32 $0xFFFFFEC0  }
0x16c: {  	_ =	swait.ge [sflag:s23], $0xA000  }
0x16d: {  	[sflag:s23] =	ssyncset.done $0x0  }
0x16e: {  	[sflag:s23] =	ssyncadd.s32 $0xFFFF6000  }
0x16f: {  	_ =	swait.ge [sflag:s23], $0x1400  }
0x170: {  	[sflag:s23] =	ssyncset.done $0x0  }
0x171: {  	[sflag:s23] =	ssyncadd.s32 $0xFFFFEC00  }
0x172: {  	_ =	swait.ge [sflag:s23], $0x1400  }
0x173: {  	[sflag:s23] =	ssyncset.done $0x0  }
0x174: {  	[sflag:s23] =	ssyncadd.s32 $0xFFFFEC00  }
0x175: {  	_ =	swait.ge [sflag:s23], $0x1400  }
0x176: {  	[sflag:s23] =	ssyncset.done $0x0  }
0x177: {  	[sflag:s23] =	ssyncadd.s32 $0xFFFFEC00  }
0x178: {  	[tilespmem:s3], [sflag:$0x5] =	stream.indirect.gather [hbm4b:s20+s11], $0x80, s13, s11, $0xb8;
	[tilespmem:$0x1C200] =	vst v63  }
0x179: {  	s7 =	simm.s32 $0x12600;
	s3 =	simm.s32 $0xE180  }
0x17a: {  	[tilespmem:s7], [sflag:$0x5] =	stream.indirect.gather [hbm4b:s20+s11], $0x80, s3, s11, $0xb8;
	[tilespmem:$0x1C200] =	vst v63  }
0x17b: {  	s3 =	simm.s32 $0xE200;
	s7 =	simm.s32 $0x16600  }
0x17c: {  	[tilespmem:s7], [sflag:$0x5] =	stream.indirect.gather [hbm4b:s20+s14], $0x80, s3, s14, $0xb8;
	[tilespmem:$0x1C200] =	vst v63  }
0x17d: {  	s13 =	simm.s32 $0x18600  }
0x17e: {  	[tilespmem:s13], [sflag:$0x5] =	stream.indirect.gather [hbm4b:s25+s11], $0x10, s29, s11, $0xb8;
	[tilespmem:$0x1C200] =	vst v63  }
0x17f: {  	s3 =	simm.s32 $0xE2C0;
	s7 =	simm.s32 $0x18E00  }
0x180: {  	[tilespmem:s7], [sflag:$0x5] =	stream.indirect.gather [hbm4b:s25+s11], $0x10, s3, s11, $0xb8;
	[tilespmem:$0x1C200] =	vst v63  }
0x181: {  	s3 =	simm.s32 $0xE340;
	s7 =	simm.s32 $0x19600  }
0x182: {  	[tilespmem:s7], [sflag:$0x5] =	stream.indirect.gather [hbm4b:s25+s14], $0x10, s3, s14, $0xb8;
	[tilespmem:$0x1C200] =	vst v63  }
0x183: {  	s29 =	simm.s32 $0x19A00  }
0x184: {  	[tilespmem:s29], [sflag:$0x5] =	stream.indirect.gather [hbm4b:s26+s11], $0x10, s2, s11, $0xb8;
	[tilespmem:$0x1C200] =	vst v63  }
0x185: {  	s3 =	simm.s32 $0xE400;
	s7 =	simm.s32 $0x1A200  }
0x186: {  	[tilespmem:s7], [sflag:$0x5] =	stream.indirect.gather [hbm4b:s26+s11], $0x10, s3, s11, $0xb8;
	[tilespmem:$0x1C200] =	vst v63  }
0x187: {  	s3 =	simm.s32 $0xE480;
	s7 =	simm.s32 $0x1AA00  }
0x188: {  	[tilespmem:s7], [sflag:$0x5] =	stream.indirect.gather [hbm4b:s26+s14], $0x10, s3, s14, $0xb8;
	[tilespmem:$0x1C200] =	vst v63  }
0x189: {  	_ = 	snop  }
0x18a: {  	[tilespmem:s15], [sflag:$0x5] =	stream.indirect.gather [hbm4b:s28+s11], $0x10, s30, s11, $0xb8;
	[tilespmem:$0x1C200] =	vst v63  }
0x18b: {  	s7 =	simm.s32 $0xE540;
	s30 =	simm.s32 $0x1B600  }
0x18c: {  	[tilespmem:s30], [sflag:$0x5] =	stream.indirect.gather [hbm4b:s28+s11], $0x10, s7, s11, $0xb8;
	[tilespmem:$0x1C200] =	vst v63  }
0x18d: {  	s7 =	simm.s32 $0xE5C0;
	s30 =	simm.s32 $0x1BE00  }
0x18e: {  	[tilespmem:s30], [sflag:$0x5] =	stream.indirect.gather [hbm4b:s28+s14], $0x10, s7, s14, $0xb8;
	[tilespmem:$0x1C200] =	vst v63  }
0x18f: {  	_ =	swait.ge [sflag:s16], $0x4000  }
0x190: {  	[sflag:s16] =	ssyncset.done $0x0  }
0x191: {  	[sflag:s16] =	ssyncadd.s32 $0xFFFFC000  }
0x192: {  	_ =	swait.ge [sflag:s16], $0x4000  }
0x193: {  	[sflag:s16] =	ssyncset.done $0x0  }
0x194: {  	[sflag:s16] =	ssyncadd.s32 $0xFFFFC000  }
0x195: {  	_ =	swait.ge [sflag:s16], $0x2000  }
0x196: {  	[sflag:s16] =	ssyncset.done $0x0  }
0x197: {  	[sflag:s16] =	ssyncadd.s32 $0xFFFFE000  }
0x198: {  	_ =	swait.ge [sflag:s16], $0x800  }
0x199: {  	[sflag:s16] =	ssyncset.done $0x0  }
0x19a: {  	[sflag:s16] =	ssyncadd.s32 $0xFFFFF800  }
0x19b: {  	_ =	swait.ge [sflag:s16], $0x800  }
0x19c: {  	[sflag:s16] =	ssyncset.done $0x0  }
0x19d: {  	[sflag:s16] =	ssyncadd.s32 $0xFFFFF800  }
0x19e: {  	_ =	swait.ge [sflag:s16], $0x400  }
0x19f: {  	[sflag:s16] =	ssyncset.done $0x0  }
0x1a0: {  	[sflag:s16] =	ssyncadd.s32 $0xFFFFFC00  }
0x1a1: {  	_ =	swait.ge [sflag:s16], $0x800  }
0x1a2: {  	[sflag:s16] =	ssyncset.done $0x0  }
0x1a3: {  	[sflag:s16] =	ssyncadd.s32 $0xFFFFF800  }
0x1a4: {  	_ =	swait.ge [sflag:s16], $0x800  }
0x1a5: {  	[sflag:s16] =	ssyncset.done $0x0  }
0x1a6: {  	[sflag:s16] =	ssyncadd.s32 $0xFFFFF800  }
0x1a7: {  	_ =	swait.ge [sflag:s16], $0x400  }
0x1a8: {  	[sflag:s16] =	ssyncset.done $0x0  }
0x1a9: {  	[sflag:s16] =	ssyncadd.s32 $0xFFFFFC00  }
0x1aa: {  	_ =	swait.ge [sflag:s16], $0x800  }
0x1ab: {  	[sflag:s16] =	ssyncset.done $0x0  }
0x1ac: {  	[sflag:s16] =	ssyncadd.s32 $0xFFFFF800  }
0x1ad: {  	_ =	swait.ge [sflag:s16], $0x800  }
0x1ae: {  	[sflag:s16] =	ssyncset.done $0x0  }
0x1af: {  	[sflag:s16] =	ssyncadd.s32 $0xFFFFF800  }
0x1b0: {  	_ =	swait.ge [sflag:s16], $0x400  }
0x1b1: {  	[sflag:s16] =	ssyncset.done $0x0  }
0x1b2: {  	s3 =	sadd.s32 $0x1B70, s24;
	[sflag:s16] =	ssyncadd.s32 $0xFFFFFC00  }
0x1b3: {  	[hbm4b:s3+s11] =	stream.strided.scatter [tilespmem:s4], [sflag:$0x3], $0xA000, s17, s11, $0x38;
	[tilespmem:$0x1C200] =	vst v63  }
0x1b4: {  	p0 =	seq.s32 s6, $0xBE0;
	s4 =	sadd.s32 $0x1B80, s24  }
0x1b5: {  	[hbm4b:s4+s18] =	stream.strided.scatter [tilespmem:s31], [sflag:$0x3], $0x1400, s17, s18, $0x38;
	[tilespmem:$0x1C200] =	vst v63  }
.Ltmp2:
0x1b6: {  	_ = 	snop;
	(pc) =	sbr.rel @p0 .LBB2_4-.Ltmp2, $4  }
0x1b7: {  	s12 =	simm.s32 $0x280;
	s30 =	sadd.s32 $0x1B82, s24  }
0x1b8: {  	[hbm4b:s30+s18] =	stream.strided.scatter [tilespmem:s5], [sflag:$0x3], $0x1400, s17, s18, $0x38;
	[tilespmem:$0x1C200] =	vst v63  }
0x1b9: {  	s8 =	simm.s32 $0x140;
	s19 =	simm.s32 $0x3C0;
	s31 =	sadd.s32 $0x1B84, s24  }
0x1ba: {  	[hbm4b:s31+s18] =	stream.strided.scatter [tilespmem:s10], [sflag:$0x3], $0x1400, s17, s18, $0x38;
	[tilespmem:$0x1C200] =	vst v63  }
0x1bb: {  	s7 =	rddreg [dreg:$0x18]  }
0x1bc: {  	s10 =	rddreg [dreg:$0x17];
	s7 =	sadd.s32 s6, s7  }
0x1bd: {  	[tilespmem:s1], [sflag:$0x1] =	stream.linear.gather [hbm4b:s7+s1], $0x140, $0x38;
	[tilespmem:$0x1C200] =	vst v63  }
0x1be: {  	s30 =	rddreg [dreg:$0x16];
	s7 =	sadd.s32 s6, s10  }
0x1bf: {  	[tilespmem:s8], [sflag:$0x1] =	stream.linear.gather [hbm4b:s7+s1], $0x140, $0x38;
	[tilespmem:$0x1C200] =	vst v63  }
.Ltmp3:
0x1c0: {  	s31 =	rddreg [dreg:$0x15];
	s7 =	sadd.s32 s6, s30;
	(pc) =	sbr.rel .LBB2_2-.Ltmp3, $4  }
0x1c1: {  	[tilespmem:s12], [sflag:$0x1] =	stream.linear.gather [hbm4b:s7+s1], $0x140, $0x38;
	[tilespmem:$0x1C200] =	vst v63  }
0x1c2: {  	s24 =	sadd.s32 $0x3700, s24;
	s8 =	simm.s32 $0x280;
	s7 =	sadd.s32 s6, s31  }
0x1c3: {  	[tilespmem:s19], [sflag:$0x1] =	stream.linear.gather [hbm4b:s7+s1], $0x140, $0x38;
	[tilespmem:$0x1C200] =	vst v63  }
0x1c4: {  	s6 =	sadd.s32 $0x50, s6;
	s12 =	simm.s32 $0x3C0;
	s7 =	simm.s32 $0x140  }
.LBB2_5:
0x1c5: {  	_ =	sfence.sel $0x180000  }
0x1c6: {  	[bflag:$0x0] =	sbarrier.arrive $0xFFFF  }
0x1c7: {  	_ =	strace $0x90000047  }
0x1c8: {  	s0 =	stileid.u32;
	[bflag:$0x2] =	sbarrier.arrive $0xFFFF  }
0x1c9: {  	p0 =	sne.s32 s0, $0x0;
	s0 =	rddreg [dreg:$0x7]  }
0x1ca: {  	s0 =	sadd.s32 @!p0 $0x100000, s0  }
0x1cb: {  	[sflag:s0] =	ssyncadd.tile.s32 @!p0 $0x1;
	_ =	shalt  }
.Lfunc_end2:
_tile_overlayer_lowered:
.L_overlay_start_2:
0x1cc: {  	(tag) =	ssettag $0x2  }
0x1cd: {  	s0 =	rddreg [dreg:$0x0];
	s2 =	stileid.u32  }
0x1ce: {  	s1 =	rddreg [dreg:$0x1];
	p0 =	sne.s32 s2, $0x0  }
0x1cf: {  	s3 =	rddreg [dreg:$0x2];
	[bflag:$0x3] =	sbarrier.arrive $0xFFFF;
	s2 =	simm.s32 @!p0 $0x1C07  }
0x1d0: {  	[timem:s3], [sflag:s2] =	dma.local @!p0 [hbm:s0], s1  }
0x1d1: {  	s0 =	simm.s32 @!p0 $0x7  }
0x1d2: {  	_ =	swait.ge @!p0 [sflag:s0], s1  }
0x1d3: {  	s1 =	ssub.s32 @!p0 $0x0, s1;
	[sflag:s0] =	ssyncset.done @!p0 $0x0  }
0x1d4: {  	[sflag:s0] =	ssyncadd.s32 @!p0 s1  }
0x1d5: {  	[bflag:$0x3] =	sbarrier.arrive $0xFFFF  }
0x1d6: {  	_ =	shalt  }

// kernel: sparse-core-data-format-call.cloned.1.call-start
scs
called_computation_lowered:
.L_overlay_start_0:
0x0: {  	s2 =	sld [smem:$0x3FD9]  }
0x1: {  	s3 =	sld [smem:$0x3FFE];
	_ =	sdelay $0x1  }
0x2: {  	s1 =	srdreg.scid  }
0x3: {  	s0 =	sand.u32 $0x1, s1  }
0x4: {  	s18 =	sshll.u32 s0, $0xA;
	s2 =	sadd.s32 s3, s2  }
0x5: {  	s2 =	sadd.s32 s2, s18  }
0x6: {  	[smem:$0x3FC0] =	sst s2  }
0x7: {  	_ = 	snop  }
0x8: {  	s2 =	sld [smem:$0x3FD0];
	(tm) =	ssettm $0x1  }
0x9: {  	s19 =	sld [smem:$0x3FFB];
	_ =	sdelay $0x3  }
0xa: {  	_ =	strace s19  }
0xb: {  	s3 =	sld [smem:$0x3FFC];
	_ =	sdelay $0x3  }
0xc: {  	_ =	strace s3  }
0xd: {  	s3 =	sld [smem:$0x3FFD];
	_ =	sdelay $0x3  }
0xe: {  	_ =	strace s3  }
0xf: {  	_ =	strace $0x8FFFFFFF  }
0x10: {  	s20 =	sld [smem:$0x3FDB];
	_ =	sdelay $0x1  }
0x11: {  	s4 =	simm.s32 $_scs_section_size  }
0x12: {  	s5 =	simm.s32 $_size__tile_overlayer_lowered;
	s6 =	simm.s32 $_tile_overlayer_lowered  }
0x13: {  	s23 =	simm.s32 $0x1BFF;
	s22 =	sshll.u32 s6, $0x1;
	s3 =	sadd.s32 s4, s20  }
0x14: {  	s7 =	simm.s32 $0x0;
	s21 =	sshll.u32 s5, $0x1;
	s5 =	sadd.s32 s22, s3  }
0x15: {  	[timem:s7], [sflag:s23] =	dma.local [hbm:s5], s21  }
0x16: {  	_ =	swait.ge [sflag:s23], s21  }
0x17: {  	s4 =	ssub.s32 $0x0, s21;
	[sflag:s23] =	ssyncset.done $0x0  }
0x18: {  	[sflag:s23] =	ssyncadd.s32 s4;
	_ =	sdelay $0x1  }
0x19: {  	s24 =	simm.s32 $0x1B8B  }
0x1a: {  	_ =	swait.ge [sflag:s24], $0x1  }
0x1b: {  	[sflag:s24] =	ssyncset.done $0x0  }
0x1c: {  	s26 =	simm.s32 $0x1B8E;
	s25 =	sld [smem:$0x3FFE];
	[sflag:s24] =	ssyncadd.s32 $0xFFFFFFFF  }
0x1d: {  	s27 =	simm.s32 $execute0_lowered;
	[smem:$0x3FD2] =	sst s26  }
0x1e: {  	s5 =	sshll.u32 s27, $0x1;
	_ =	strace $0x80000049;
	[dreg:$0x1] =	wrdreg $0xFFFFFFFF  }
0x1f: {  	s28 =	simm.s32 $_size_execute0_lowered;
	s3 =	sadd.s32 s3, s5;
	[dreg:$0x0] =	wrdreg $0x0  }
0x20: {  	s5 =	sshll.u32 s28, $0x1;
	[dreg:$0x2] =	wrdreg s3  }
0x21: {  	[dreg:$0x3] =	wrdreg s5  }
0x22: {  	[dreg:$0x4] =	wrdreg $0xC0  }
0x23: {  	_ =	task [dreg:s7], $0x5FFFF  }
0x24: {  	[dreg:$0x1] =	wrdreg $0xFFFFFFFF  }
0x25: {  	[dreg:$0x0] =	wrdreg $0x60  }
0x26: {  	[dreg:$0x2] =	wrdreg s25  }
0x27: {  	[dreg:$0x3] =	wrdreg s2  }
0x28: {  	[dreg:$0x4] =	wrdreg $0x9  }
0x29: {  	_ =	task.clear_ibuf [dreg:s7], $0x5FFFF;
	_ =	strace $0x90000049  }
0x2a: {  	s29 =	simm.s32 $0x9;
	_ =	strace $0x8000004B  }
0x2b: {  	_ =	swait.ge [sflag:s29], $0x1  }
0x2c: {  	[sflag:s29] =	ssyncadd.s32 $0xFFFFFFFF  }
0x2d: {  	_ =	strace $0x9000004B  }
0x2e: {  	_ =	sfence  }
0x2f: {  	s30 =	sld [smem:$0x0];
	_ =	sdelay $0x2  }
0x30: {  	s31 =	sshll.u32 s1, $0xD;
	s1 =	sshrl.u32 s1, $0x2  }
0x31: {  	s3 =	sand.u32 $0x4000, s31;
	s1 =	sadd.s32 s1, s30  }
0x32: {  	s0 =	sor.u32 s3, s0;
	s1 =	sshll.u32 s1, $0x11  }
0x33: {  	s0 =	sor.u32 s1, s0  }
0x34: {  	s0 =	sadd.s32 $0x8F2B, s0  }
0x35: {  	[sflag:s0] =	ssyncadd.remote.s32 $0x1  }
0x36: {  	_ =	sfence.sel $0xFFFF  }
0x37: {  	[dreg:$0x0] =	wrdreg $0xFFFFFFFF;
	(pc) =	sbr.abs _section_cstart, $3  }
0x38: {  	[dreg:$0x1] =	wrdreg $0xFFFFFFFF  }
0x39: {  	_ =	task.clear_ibuf [dreg:s7], $0x2FFFF;
	_ =	strace $0x9FFFFFFF  }
0x3a: {  	(tm) =	ssettm $0x7FFFFFFF  }
0x3b: {  	_ =	shalt  }
tec
execute0_lowered:
.L_overlay_start_1:
0x0: {  	(tag) =	ssettag $0x1  }
0x1: {  	s5 =	rddreg [dreg:$0x0]  }
0x2: {  	s0 =	srdreg.scid;
	s3 =	rddreg [dreg:$0x1];
	s7 =	simm.s32 $0x1  }
0x3: {  	s8 =	simm.s32 $0x2;
	s15 =	simm.s32 $0x0;
	s1 =	sshll.u32 s0, $0x4  }
0x4: {  	s14 =	simm.s32 $0x0;
	s0 =	stileid.u32;
	s1 =	sand.u32 $0x10, s1  }
0x5: {  	s9 =	simm.s32 $0x0;
	s10 =	simm.s32 $0x0;
	s1 =	sor.u32 s0, s1  }
0x6: {  	s11 =	simm.s32 $0x0;
	s13 =	simm.s32 $0x0;
	s2 =	sshll.u32 s1, $0x7  }
0x7: {  	s5 =	sadd.s32 $0x800, s5;
	s1 =	rddreg [dreg:$0x2];
	s6 =	ssub.s32 $0xC8000, s2  }
.Ltmp0:
0x8: {  	_ =	strace $0x8000004A;
	s4 =	sand.u32 $0xF80, s6;
	(pc) =	sbr.rel .LBB1_1-.Ltmp0, $4  }
0x9: {  	s12 =	smov.u32 s2;
	p0 =	sne.s32 s4, $0x0;
	s4 =	simm.s32 $0x1  }
0xa: {  	s6 =	sshrl.u32 s6, $0xC;
	s7 =	simm.s32 @!p0 $0x0;
	[sflag:s4] =	ssyncpa.u1 $0x0  }
0xb: {  	p0 =	por $0x0, $0x0;
	s7 =	sadd.s32 s7, s6;
	[sflag:s8] =	ssyncpa.u1 $0x0  }
0xc: {  	s8 =	simm.s32 $0x640000;
	s6 =	sshll.u32 s7, $0x1;
	s7 =	sshllo.u32 s7, $0x1  }
.LBB1_4:
0xd: {  	s21 =	sshrl.u32 s9, $0x3;
	s22 =	sshll.u32 s10, $0x3  }
0xe: {  	s20 =	sshra.s32 s20, $0x2;
	s23 =	sshll.u32 s9, $0x7;
	s24 =	sand.u32 $0x7F, s10  }
0xf: {  	p1 =	sgt.s32 s9, $0x30;
	s28 =	sshra.s32 s9, $0x1F;
	s21 =	smul.u32 $0x640000, s21  }
0x10: {  	s29 =	sshra.s32 s10, $0x1F;
	s22 =	sand.u32 $0xFFFFFC00, s22;
	s25 =	sand.u32 $0x380, s23  }
0x11: {  	s19 =	sadd.s32 s20, s19;
	s26 =	sor.u32 s24, s25;
	s21 =	sadd.s32 s22, s21  }
0x12: {  	v5 =	vld [tilespmem:s17+$0xFFFFFFD0];
	s27 =	smulhi.u32 $0x51EB851F, s21;
	s20 =	sor.u32 s21, s26;
	s21 =	smov.u32 s9  }
0x13: {  	[tilespmem:s18+$0x2040 ss:$0x81] =	vst.msk $0xffff, v4;
	v58 =	vld [tilespmem:s17+$0xFFFFFFE0];
	s23 =	sand.u32 s28, s9;
	s24 =	sand.u32 s29, s10;
	s21 =	simm.s32 @!p1 $0x30  }
0x14: {  	[tilespmem:s18+$0x2850 ss:$0x81] =	vst.msk $0xffff, v3;
	p1 =	sgt.s32 s10, $0xC7F80;
	s30 =	smulhi.u32 $0x51EB851F, s20;
	s22 =	sshrl.u32 s27, $0x12  }
0x15: {  	v59 =	vld [tilespmem:s17+$0xFFFFFFF0];
	[tilespmem:s18+$0x3060 ss:$0x81] =	vst.msk $0xffff, v2;
	s21 =	ssub.s32 s21, s23;
	s23 =	smov.u32 s10;
	s25 =	smul.u32 $0xBA3, s22  }
0x16: {  	v60 =	vld [tilespmem:s17+$0x0];
	[tilespmem:s18+$0x0 ss:$0x81] =	vst.msk $0xffff, v0;
	s23 =	simm.s32 @!p1 $0xC7F80;
	s31 =	sadd.s32 $0xFFFFFFD0, s21;
	s18 =	sshrl.u32 s30, $0x12  }
0x17: {  	v61 =	vld [tilespmem:s17+$0x10];
	[tilespmem:s19+$0x3870 ss:$0x81] =	vst.msk $0xffff, v1;
	s23 =	ssub.s32 s23, s24;
	s28 =	smul.u32 $0xC8000, s18;
	s25 =	sshrl.u32 s25, $0x13  }
0x18: {  	v62 =	vld [tilespmem:s17+$0x20];
	[tilespmem:s19+$0x810 ss:$0x81] =	vst.msk $0xffff, v5;
	p1 =	sgt.s32 s31, $0x7F;
	s26 =	sadd.s32 $0xFFF38080, s23;
	s27 =	smul.u32 $0xB0, s25  }
0x19: {  	v63 =	vld [tilespmem:s17+$0xFFFFFFC0];
	[tilespmem:s19+$0x1020 ss:$0x81] =	vst.msk $0xffff, v58;
	s18 =	ssub.s32 $0xB0, s21;
	s21 =	ssub.s32 $0xC8000, s23;
	p2 =	sgt.s32 s26, $0x7F  }
0x1a: {  	[tilespmem:s19+$0x1830 ss:$0x81] =	vst.msk $0xffff, v59;
	s18 =	simm.s32 @p1 $0x0;
	s21 =	simm.s32 @p2 $0x0;
	s22 =	ssub.s32 s22, s27  }
0x1b: {  	[tilespmem:s19+$0x2040 ss:$0x81] =	vst.msk $0xffff, v60;
	s17 =	ssub.s32 s20, s28;
	s18 =	smul.u32 s21, s18;
	s29 =	sand.u32 $0xFFFF, s22  }
0x1c: {  	[tilespmem:s19+$0x2850 ss:$0x81] =	vst.msk $0xffff, v61;
	s30 =	sshrl.u32 s17, $0x3;
	s17 =	sand.u32 $0x7, s17;
	s20 =	smul.u32 $0x19000, s29  }
0x1d: {  	[tilespmem:s19+$0x3060 ss:$0x81] =	vst.msk $0xffff, v62;
	s21 =	sadd.s32 s3, s30;
	s17 =	sshll.u32 s17, $0x12  }
0x1e: {  	[tilespmem:s19+$0x0 ss:$0x81] =	vst.msk $0xffff, v63;
	s17 =	sor.u32 $0x400, s17;
	s18 =	sand.u32 $0x3FFFFFFF, s18;
	s31 =	sadd.s32 s20, s21  }
0x1f: {  	[hbm4b:s31+s17] =	stream.strided.scatter [tilespmem:s16], [sflag:$0x2], s18, s8, s17, $0x20;
	[tilespmem:$0x10100] =	vst v63  }
.LBB1_5:
0x20: {  	p1 =	slt.u32 s13, $0x2  }
0x21: {  	s17 =	smov.u32 s15;
	p2 =	sgt.s32 @!p1 s15, $0x30;
	s16 =	sshra.s32 @!p1 s15, $0x1F  }
0x22: {  	p3 =	sgt.s32 @!p1 s14, $0xC7F80;
	s18 =	sshra.s32 @!p1 s14, $0x1F;
	p2 =	por !p2, p1  }
0x23: {  	s15 =	sand.u32 @!p1 s16, s15;
	p3 =	por !p3, p1;
	s16 =	smov.u32 s14  }
0x24: {  	s14 =	sand.u32 @!p1 s18, s14;
	s17 =	simm.s32 @p2 $0x30;
	s16 =	simm.s32 @p3 $0xC7F80  }
0x25: {  	s15 =	ssub.s32 @!p1 s17, s15;
	s14 =	ssub.s32 @!p1 s16, s14  }
0x26: {  	s18 =	smov.u32 s12;
	s16 =	sadd.s32 @!p1 $0xFFFFFFD0, s15;
	s17 =	sadd.s32 @!p1 $0xFFF38080, s14  }
0x27: {  	s15 =	ssub.s32 @!p1 $0xB0, s15;
	p2 =	sgt.s32 @!p1 s16, $0x7F;
	p3 =	sgt.s32 @!p1 s17, $0x7F  }
0x28: {  	s14 =	ssub.s32 @!p1 $0xC8000, s14;
	p2 =	por !p2, p1;
	p3 =	por !p3, p1  }
0x29: {  	s16 =	sadd.s32 $0x80, s11;
	s15 =	simm.s32 @!p2 $0x0;
	s14 =	simm.s32 @!p3 $0x0  }
0x2a: {  	p2 =	sgt.s32 s16, $0xAF;
	s14 =	smul.u32 @!p1 s14, s15;
	s15 =	sadd.s32 $0x1000, s12  }
0x2b: {  	s18 =	smov.u32 @p2 s15  }
0x2c: {  	s16 =	simm.s32 @p2 $0x0;
	p2 =	sgt.s32 s18, $0xC7FFF  }
0x2d: {  	s18 =	smov.u32 @p2 s2;
	p2 =	sne.s32 s13, s7  }
.Ltmp1:
0x2e: {  	p0 =	por !p0, !p0;
	s17 =	simm.s32 @!p1 $0x2;
	(pc) =	sbr.rel @!p2 .LBB1_6-.Ltmp1, $4  }
0x2f: {  	s15 =	smov.u32 s9;
	s9 =	smov.u32 s11;
	s14 =	sand.u32 @!p1 $0x3FFFFFFF, s14  }
0x30: {  	s11 =	smov.u32 s16;
	_ =	swait.ge @!p1 [sflag:s17], s14;
	s19 =	ssub.s32 @!p1 $0x0, s14  }
0x31: {  	s14 =	smov.u32 s10;
	s13 =	sadd.s32 $0x1, s13;
	[sflag:s17] =	ssyncset.done @!p1 $0x0  }
0x32: {  	s10 =	smov.u32 s12;
	s12 =	smov.u32 s18;
	[sflag:s17] =	ssyncadd.s32 @!p1 s19  }
.LBB1_1:
0x33: {  	p1 =	sge.u32 s13, s6  }
0x34: {  	s16 =	sshll.u32 @!p1 s12, $0x8;
	s17 =	sshll.u32 @!p1 s11, $0x3  }
0x35: {  	s18 =	sshll.u32 @!p1 s12, $0x7;
	s16 =	sand.u32 @!p1 $0xFFFFF800, s16;
	s17 =	sand.u32 @!p1 $0xFFFFFC00, s17  }
0x36: {  	s16 =	sadd.s32 @!p1 s16, s17;
	s17 =	sand.u32 @!p1 $0x300, s18  }
0x37: {  	s16 =	sor.u32 @!p1 s17, s16  }
0x38: {  	s16 =	sshrl.u32 @!p1 s16, $0x8  }
0x39: {  	s17 =	smulhi.u32 @!p1 $0x147AE15, s16;
	_ =	sdelay $0x1  }
0x3a: {  	s19 =	sxor.u32 @!p1 $0xFFFFFFFF, s13;
	s20 =	sand.u32 @!p1 $0x78, s11;
	s17 =	sshrl.u32 @!p1 s17, $0xC  }
0x3b: {  	s19 =	sshll.u32 @!p1 s19, $0xE;
	s18 =	sand.u32 @!p1 $0x80, s18;
	s17 =	smul.u32 @!p1 $0xC8000, s17  }
0x3c: {  	s31 =	sadd.s32 $0xFFFFFFFF, s13;
	s19 =	sand.u32 @!p1 $0x4000, s19;
	s18 =	sor.u32 @!p1 s20, s18  }
0x3d: {  	s16 =	ssub.s32 @!p1 s16, s17;
	s17 =	sshrl.u32 @!p1 s18, $0x3;
	s18 =	sand.u32 @!p1 $0x7, s11  }
0x3e: {  	s16 =	sshll.u32 @!p1 s16, $0x5;
	s17 =	sadd.s32 @!p1 s5, s17;
	s18 =	sshll.u32 @!p1 s18, $0x12  }
0x3f: {  	s16 =	sadd.s32 @!p1 s16, s17;
	s17 =	sor.u32 @!p1 $0x400, s18;
	s18 =	simm.s32 @!p1 $0x800  }
0x40: {  	[tilespmem:s19], [sflag:$0x1] =	stream.strided.gather @!p1 [hbm4b:s16+s17], $0x4000, s18, s17, $0x38;
	[tilespmem:$0x10100] =	vst v63  }
0x41: {  	p1 =	sge.u32 s31, s6  }
.Ltmp2:
0x42: {  	_ = 	snop;
	(pc) =	sbr.rel @p1 .LBB1_5-.Ltmp2, $1  }
0x43: {  	_ =	sdelay $0x3  }
0x44: {  	s16 =	simm.s32 $0x1  }
0x45: {  	_ =	swait.ge [sflag:s4], $0x4000;
	s16 =	simm.s32 @!p0 $0x0  }
0x46: {  	[sflag:s4] =	ssyncset.done $0x0;
	s17 =	sshll.u32 s16, $0xE  }
0x47: {  	[sflag:s4] =	ssyncadd.s32 $0xFFFFC000;
	s17 =	sor.u32 $0x40, s17  }
0x48: {  	s16 =	smul.u32 $0x10200, s16;
	v0 =	vld [tilespmem:s17+$0x30]  }
0x49: {  	v1 =	vld [tilespmem:s17+$0xFFFFFFD0]  }
0x4a: {  	s16 =	sshrl.u32 s16, $0x2;
	v5 =	vld [tilespmem:s17+$0xFFFFFFE0]  }
0x4b: {  	v6 =	vld [tilespmem:s17+$0xFFFFFFF0];
	s19 =	sor.u32 $0x8000, s16  }
0x4c: {  	s31 =	sand.u32 $0x1, s13;
	v4 =	vld [tilespmem:s17+$0x0];
	s18 =	sadd.s32 $0x0, s19  }
0x4d: {  	v3 =	vld [tilespmem:s17+$0x10];
	s16 =	smul.u32 $0x10200, s31;
	[tilespmem:s18+$0x3870 ss:$0x81] =	vst.msk $0xffff, v0  }
0x4e: {  	v2 =	vld [tilespmem:s17+$0x20];
	[tilespmem:s18+$0x810 ss:$0x81] =	vst.msk $0xffff, v1  }
0x4f: {  	s16 =	sshrl.u32 s16, $0x2;
	v0 =	vld [tilespmem:s17+$0xFFFFFFC0];
	[tilespmem:s18+$0x1020 ss:$0x81] =	vst.msk $0xffff, v5;
	s17 =	sadd.s32 $0x80, s17  }
0x50: {  	s20 =	simm.s32 $0x4;
	s21 =	simm.s32 $0x8;
	s16 =	sor.u32 $0x8000, s16;
	[tilespmem:s18+$0x1830 ss:$0x81] =	vst.msk $0xffff, v6;
	v1 =	vld [tilespmem:s17+$0x30]  }
.LBB1_3:
0x51: {  	p1 =	sne.s32 s21, $0x1FC;
	v5 =	vld [tilespmem:s17+$0xFFFFFFD0];
	[tilespmem:s18+$0x2040 ss:$0x81] =	vst.msk $0xffff, v4  }
0x52: {  	v6 =	vld [tilespmem:s17+$0xFFFFFFE0];
	[tilespmem:s18+$0x2850 ss:$0x81] =	vst.msk $0xffff, v3  }
0x53: {  	s22 =	sshra.s32 s20, $0x2;
	s20 =	smov.u32 s21;
	v7 =	vld [tilespmem:s17+$0xFFFFFFF0];
	[tilespmem:s18+$0x3060 ss:$0x81] =	vst.msk $0xffff, v2  }
.Ltmp3:
0x54: {  	v4 =	vld [tilespmem:s17+$0x0];
	[tilespmem:s18+$0x0 ss:$0x81] =	vst.msk $0xffff, v0;
	s18 =	sadd.s32 s22, s19;
	(pc) =	sbr.rel @p1 .LBB1_3-.Ltmp3, $4  }
0x55: {  	v3 =	vld [tilespmem:s17+$0x10];
	[tilespmem:s18+$0x3870 ss:$0x81] =	vst.msk $0xffff, v1  }
0x56: {  	[tilespmem:s18+$0x810 ss:$0x81] =	vst.msk $0xffff, v5;
	v2 =	vld [tilespmem:s17+$0x20]  }
0x57: {  	v0 =	vld [tilespmem:s17+$0xFFFFFFC0];
	[tilespmem:s18+$0x1020 ss:$0x81] =	vst.msk $0xffff, v6;
	s17 =	sadd.s32 $0x80, s17  }
0x58: {  	s21 =	sadd.s32 $0x4, s21;
	v1 =	vld [tilespmem:s17+$0x30];
	[tilespmem:s18+$0x1830 ss:$0x81] =	vst.msk $0xffff, v7  }
.Ltmp4:
0x59: {  	_ = 	snop;
	(pc) =	sbr.rel .LBB1_4-.Ltmp4, $1  }
0x5a: {  	_ =	sdelay $0x3  }
.LBB1_6:
0x5b: {  	_ =	sfence.sel $0x180000  }
0x5c: {  	s2 =	simm.s32 $0x1;
	[bflag:$0x0] =	sbarrier.arrive $0xFFFF  }
0x5d: {  	s31 =	simm.s32 $0x2;
	[sflag:s2] =	ssyncpa.u1 $0x1  }
0x5e: {  	[sflag:s31] =	ssyncpa.u1 $0x1  }
0x5f: {  	p0 =	sne.s32 s0, $0x0;
	_ =	strace $0x9000004A  }
0x60: {  	s0 =	sadd.s32 @!p0 $0x100000, s1;
	[bflag:$0x2] =	sbarrier.arrive $0xFFFF  }
0x61: {  	[sflag:s0] =	ssyncadd.tile.s32 @!p0 $0x1;
	_ =	shalt  }
.Lfunc_end1:
_tile_overlayer_lowered:
.L_overlay_start_2:
0x62: {  	(tag) =	ssettag $0x2  }
0x63: {  	s0 =	rddreg [dreg:$0x0];
	s2 =	stileid.u32  }
0x64: {  	s1 =	rddreg [dreg:$0x1];
	p0 =	sne.s32 s2, $0x0  }
0x65: {  	s3 =	rddreg [dreg:$0x2];
	[bflag:$0x3] =	sbarrier.arrive $0xFFFF;
	s2 =	simm.s32 @!p0 $0x1C01  }
0x66: {  	[timem:s3], [sflag:s2] =	dma.local @!p0 [hbm:s0], s1  }
0x67: {  	s0 =	simm.s32 @!p0 $0x1  }
0x68: {  	_ =	swait.ge @!p0 [sflag:s0], s1  }
0x69: {  	s1 =	ssub.s32 @!p0 $0x0, s1;
	[sflag:s0] =	ssyncset.done @!p0 $0x0  }
0x6a: {  	[sflag:s0] =	ssyncadd.s32 @!p0 s1  }
0x6b: {  	[bflag:$0x3] =	sbarrier.arrive $0xFFFF  }
0x6c: {  	_ =	shalt  }

</sc_bundles>
